<compile_context>
chip_gen: v7x
topology: tpu7x:2x2x1
jax: 0.10.2.dev20260603
libtpu: 0.0.44.dev20260713+nightly
codegen_flags: <defaults>
</compile_context>

<pallas_src>
import functools

import jax
import jax.numpy as jnp
from jax import lax
from jax.experimental import pallas as pl
from jax.experimental.pallas import tpu as pltpu
from jax.experimental.pallas import tpu_sc as plsc

NC = 2
NS = 16
NW = NC * NS
C = 800
SUB = 100
NSUB = C // SUB
ZR = 250


def _rsqrt16(x):
    i = plsc.bitcast(x, jnp.int32)
    i = jnp.int32(0x5F3759DF) - lax.shift_right_logical(i, 1)
    y = plsc.bitcast(i, jnp.float32)
    for _ in range(3):
        y = y * (1.5 - 0.5 * x * y * y)
    return y


def _normalize3(v0, v1, v2):
    vv = v0 * v0 + v1 * v1 + v2 * v2
    vvc = jnp.maximum(vv, 1e-30)
    r = _rsqrt16(vvc)
    nrm = vvc * r
    inv = 1.0 / jnp.maximum(nrm, 1e-8)
    return v0 * inv, v1 * inv, v2 * inv


def _make_edge_pass(N, E):
    PW = E // NW
    nfull, rem = divmod(PW, C)
    assert E % NW == 0 and PW % 8 == 0
    nzr = (N // NS) // ZR
    assert N % (NS * ZR) == 0

    iota = lambda: lax.iota(jnp.int32, 16)

    def body(pred_h, conn_h, dirs_h, l_h, pe_h, pa_h, pi_h,
             accout_h, sums_h,
             conn_v, dirs_v, l_v, pe_v, pa_v, pi_v,
             idx_i, idx_j, rows_i, rows_j, ci_v, cj_v, zb_v, sb_v,
             acc_s, sem):
        cid = lax.axis_index("c")
        sid = lax.axis_index("s")
        wid = cid * NS + sid

        zf = jnp.zeros((16,), jnp.float32)

        def zb_body(k, _):
            fl = k * 16 + iota()
            r8 = lax.shift_right_logical(fl, 3)
            c8 = lax.bitwise_and(fl, 7)
            plsc.store_scatter(zb_v, [r8, c8], zf)
            return 0
        lax.fori_loop(0, (ZR * 8) // 16, zb_body, 0)

        def zc_body(k, _):
            fl = k * 16 + iota()
            r8 = lax.shift_right_logical(fl, 3)
            c8 = lax.bitwise_and(fl, 7)
            plsc.store_scatter(ci_v, [r8, c8], zf)
            plsc.store_scatter(cj_v, [r8, c8], zf)
            return 0
        lax.fori_loop(0, (C * 8) // 16, zc_body, 0)

        def zacc_body(t, _):
            pltpu.sync_copy(zb_v, acc_s.at[pl.ds(sid * (N // NS) + t * ZR, ZR)])
            return 0
        lax.fori_loop(0, nzr, zacc_body, 0)
        plsc.subcore_barrier()

        def do_chunk(eb, mask_start, sea, seil):
            pltpu.sync_copy(conn_h.at[pl.ds(eb, C)], conn_v)
            pltpu.sync_copy(dirs_h.at[pl.ds(eb, C)], dirs_v)
            pltpu.sync_copy(l_h.at[pl.ds(eb, C)], l_v)
            pltpu.sync_copy(pe_h.at[pl.ds(eb, C)], pe_v)
            pltpu.sync_copy(pa_h.at[pl.ds(eb, C)], pa_v)
            pltpu.sync_copy(pi_h.at[pl.ds(eb, C)], pi_v)

            c0 = jnp.full((16,), 0, jnp.int32)
            c1 = jnp.full((16,), 1, jnp.int32)

            def idx_body(k, _):
                fl = k * 16 + iota()
                vi = plsc.load_gather(conn_v, [fl, c0])
                vj = plsc.load_gather(conn_v, [fl, c1])
                r = lax.div(fl, SUB)
                cc = fl - r * SUB
                plsc.store_scatter(idx_i, [r, cc], vi)
                plsc.store_scatter(idx_j, [r, cc], vj)
                return 0
            lax.fori_loop(0, C // 16, idx_body, 0)

            descs = []
            for j in range(NSUB):
                descs.append(pltpu.async_copy(
                    pred_h.at[idx_i.at[j]], rows_i.at[pl.ds(j * SUB, SUB)], sem))
                descs.append(pltpu.async_copy(
                    pred_h.at[idx_j.at[j]], rows_j.at[pl.ds(j * SUB, SUB)], sem))
            for d in descs:
                d.wait()

            def compute_body(k, carry):
                sea_c, seil_c = carry
                fl = k * 16 + iota()
                colv = [jnp.full((16,), c, jnp.int32) for c in range(6)]
                x0 = plsc.load_gather(dirs_v, [fl, colv[0]])
                x1 = plsc.load_gather(dirs_v, [fl, colv[1]])
                x2 = plsc.load_gather(dirs_v, [fl, colv[2]])
                off = k * 16
                lv = l_v[pl.ds(off, 16)]
                pev = pe_v[pl.ds(off, 16)]
                pav = pa_v[pl.ds(off, 16)]
                piv = pi_v[pl.ds(off, 16)]
                ui0 = plsc.load_gather(rows_i, [fl, colv[0]])
                ui1 = plsc.load_gather(rows_i, [fl, colv[1]])
                ui2 = plsc.load_gather(rows_i, [fl, colv[2]])
                ti0 = plsc.load_gather(rows_i, [fl, colv[3]])
                ti1 = plsc.load_gather(rows_i, [fl, colv[4]])
                ti2 = plsc.load_gather(rows_i, [fl, colv[5]])
                uj0 = plsc.load_gather(rows_j, [fl, colv[0]])
                uj1 = plsc.load_gather(rows_j, [fl, colv[1]])
                uj2 = plsc.load_gather(rows_j, [fl, colv[2]])
                tj0 = plsc.load_gather(rows_j, [fl, colv[3]])
                tj1 = plsc.load_gather(rows_j, [fl, colv[4]])
                tj2 = plsc.load_gather(rows_j, [fl, colv[5]])

                par = jnp.abs(x1) > 0.99
                z0 = jnp.where(par, x1, -x2)
                z1 = jnp.where(par, -x0, 0.0)
                z2 = jnp.where(par, 0.0, x0)
                z0, z1, z2 = _normalize3(z0, z1, z2)
                y0 = z1 * x2 - z2 * x1
                y1 = z2 * x0 - z0 * x2
                y2 = z0 * x1 - z1 * x0
                y0, y1, y2 = _normalize3(y0, y1, y2)

                du0 = uj0 - ui0
                du1 = uj1 - ui1
                du2 = uj2 - ui2
                inv_l = 1.0 / lv
                ea = pev * pav
                ei = pev * piv
                axial = du0 * x0 + du1 * x1 + du2 * x2
                na = ea * inv_l * axial
                inv_l2 = inv_l * inv_l
                a12 = 12.0 * ei * inv_l2 * inv_l
                a6 = 6.0 * ei * inv_l2
                al = ei * inv_l
                dwz = du0 * z0 + du1 * z1 + du2 * z2
                tyi = ti0 * y0 + ti1 * y1 + ti2 * y2
                tyj = tj0 * y0 + tj1 * y1 + tj2 * y2
                vz = a12 * dwz + a6 * (tyi + tyj)
                myi = a6 * dwz + al * (2.0 * tyi + tyj)
                myj = a6 * dwz + al * (tyi + 2.0 * tyj)
                dwy = du0 * y0 + du1 * y1 + du2 * y2
                tzi = ti0 * z0 + ti1 * z1 + ti2 * z2
                tzj = tj0 * z0 + tj1 * z1 + tj2 * z2
                vy = a12 * dwy + a6 * (tzi + tzj)
                mzi = a6 * dwy + al * (2.0 * tzi + tzj)
                mzj = a6 * dwy + al * (tzi + 2.0 * tzj)
                f0 = na * x0 + vz * z0 + vy * y0
                f1 = na * x1 + vz * z1 + vy * y1
                f2 = na * x2 + vz * z2 + vy * y2
                mi0 = myi * y0 + mzi * z0
                mi1 = myi * y1 + mzi * z1
                mi2 = myi * y2 + mzi * z2
                mj0 = myj * y0 + mzj * z0
                mj1 = myj * y1 + mzj * z1
                mj2 = myj * y2 + mzj * z2
                d_ea = ea
                d_eil = al
                if mask_start:
                    fm = jnp.where(fl >= mask_start, 1.0, 0.0)
                    f0, f1, f2 = f0 * fm, f1 * fm, f2 * fm
                    mi0, mi1, mi2 = mi0 * fm, mi1 * fm, mi2 * fm
                    mj0, mj1, mj2 = mj0 * fm, mj1 * fm, mj2 * fm
                    d_ea = d_ea * fm
                    d_eil = d_eil * fm
                plsc.store_scatter(ci_v, [fl, colv[0]], f0)
                plsc.store_scatter(ci_v, [fl, colv[1]], f1)
                plsc.store_scatter(ci_v, [fl, colv[2]], f2)
                plsc.store_scatter(ci_v, [fl, colv[3]], mi0)
                plsc.store_scatter(ci_v, [fl, colv[4]], mi1)
                plsc.store_scatter(ci_v, [fl, colv[5]], mi2)
                plsc.store_scatter(cj_v, [fl, colv[0]], -f0)
                plsc.store_scatter(cj_v, [fl, colv[1]], -f1)
                plsc.store_scatter(cj_v, [fl, colv[2]], -f2)
                plsc.store_scatter(cj_v, [fl, colv[3]], mj0)
                plsc.store_scatter(cj_v, [fl, colv[4]], mj1)
                plsc.store_scatter(cj_v, [fl, colv[5]], mj2)
                return (sea_c + d_ea, seil_c + d_eil)

            sea, seil = lax.fori_loop(0, C // 16, compute_body, (sea, seil))

            for j in range(NSUB):
                pltpu.sync_copy(ci_v.at[pl.ds(j * SUB, SUB)],
                                acc_s.at[idx_i.at[j]], add=True)
                pltpu.sync_copy(cj_v.at[pl.ds(j * SUB, SUB)],
                                acc_s.at[idx_j.at[j]], add=True)
            return sea, seil

        base = wid * PW

        def chunk_body(g, carry):
            return do_chunk(base + g * C, 0, *carry)

        sea, seil = lax.fori_loop(0, nfull, chunk_body, (zf, zf))
        if rem:
            sea, seil = do_chunk(base + PW - C, C - rem, sea, seil)

        plsc.subcore_barrier()

        sb_v[pl.ds(0, 16)] = sea
        sb_v[pl.ds(16, 16)] = seil
        pltpu.sync_copy(sb_v, sums_h.at[wid])

        def out_body(t, _):
            r0 = sid * (N // NS) + t * ZR
            pltpu.sync_copy(acc_s.at[pl.ds(r0, ZR)], zb_v)
            pltpu.sync_copy(zb_v, accout_h.at[cid, pl.ds(r0, ZR)])
            return 0
        lax.fori_loop(0, nzr, out_body, 0)

    mesh = plsc.VectorSubcoreMesh(core_axis_name="c", subcore_axis_name="s",
                                  num_cores=NC, num_subcores=NS)
    return pl.kernel(
        body,
        out_type=[jax.ShapeDtypeStruct((NC, N, 8), jnp.float32),
                  jax.ShapeDtypeStruct((NW, 32), jnp.float32)],
        mesh=mesh,
        compiler_params=pltpu.CompilerParams(use_tc_tiling_on_sc=False,
                                             needs_layout_passes=False),
        scratch_types=[
            pltpu.VMEM((C, 2), jnp.int32),
            pltpu.VMEM((C, 3), jnp.float32),
            pltpu.VMEM((C,), jnp.float32),
            pltpu.VMEM((C,), jnp.float32),
            pltpu.VMEM((C,), jnp.float32),
            pltpu.VMEM((C,), jnp.float32),
            pltpu.VMEM((NSUB, SUB), jnp.int32),
            pltpu.VMEM((NSUB, SUB), jnp.int32),
            pltpu.VMEM((C, 8), jnp.float32),
            pltpu.VMEM((C, 8), jnp.float32),
            pltpu.VMEM((C, 8), jnp.float32),
            pltpu.VMEM((C, 8), jnp.float32),
            pltpu.VMEM((ZR, 8), jnp.float32),
            pltpu.VMEM((32,), jnp.float32),
            pltpu.VMEM_SHARED((N, 8), jnp.float32),
            pltpu.SemaphoreType.DMA,
        ],
    )


def _make_loss_pass(N, E):
    inv_e = 1.0 / float(E)

    def body(acc_ref, sums_ref, ll_ref, bcd_ref, bcr_ref, out_ref):
        sums = sums_ref[...]
        ea_mean = jnp.sum(sums[:, 0:16]) * inv_e
        eil_mean = jnp.sum(sums[:, 16:32]) * inv_e
        inv_f = 1.0 / jnp.maximum(ea_mean, 1.0)
        inv_m = 1.0 / jnp.maximum(eil_mean, 1.0)
        free_d = bcd_ref[...] < 0.5
        free_r = bcr_ref[...] < 0.5
        acc = acc_ref[...]
        ll = ll_ref[...]
        fsum = jnp.zeros((), jnp.float32)
        msum = jnp.zeros((), jnp.float32)
        for c in range(3):
            fres = (acc[c:c + 1, :] + acc[8 + c:9 + c, :] + ll[c:c + 1, :]) * inv_f
            mres = (acc[3 + c:4 + c, :] + acc[11 + c:12 + c, :]) * inv_m
            fsum = fsum + jnp.sum(jnp.where(free_d, fres * fres, 0.0))
            msum = msum + jnp.sum(jnp.where(free_r, mres * mres, 0.0))
        nf = jnp.sum(jnp.where(free_d, 1.0, 0.0)) * 3.0
        nm = jnp.sum(jnp.where(free_r, 1.0, 0.0)) * 3.0
        out_ref[0, 0] = fsum / nf + msum / nm

    return pl.pallas_call(
        body,
        out_shape=jax.ShapeDtypeStruct((1, 1), jnp.float32),
        out_specs=pl.BlockSpec(memory_space=pltpu.SMEM),
    )


def kernel(pred, connectivity, elem_directions, elem_lengths, prop_E, prop_A,
           prop_I22, line_load, bc_disp, bc_rot):
    N = pred.shape[0]
    E = connectivity.shape[0]
    pred8 = jnp.concatenate(
        [pred, jnp.zeros((N, 2), pred.dtype)], axis=1)
    accout, sums = _make_edge_pass(N, E)(
        pred8, connectivity, elem_directions, elem_lengths,
        prop_E, prop_A, prop_I22)
    acc_t = accout.transpose(0, 2, 1).reshape(2 * 8, N)
    loss = _make_loss_pass(N, E)(
        acc_t, sums, line_load.T, bc_disp.T, bc_rot.T)
    return loss[0, 0]

# --- scband reference (transcript-rebuilt; emitter-appended) ---
"""Pipeline reference for scband-physics-loss-49228915146834 (READ-ONLY COPY).

The authoritative reference and input builder live on the scoring server;
editing this copy changes nothing except your own understanding.
"""

import jax, jax.numpy as jnp
import numpy as np


def _local_axes(x_local):
    E = x_local.shape[0]
    ref = jnp.zeros((E, 3), dtype=x_local.dtype).at[:, 1].set(1.0)
    parallel = jnp.abs((x_local * ref).sum(axis=-1)) > 0.99
    ref = jnp.where(parallel[:, None], jnp.array([0.0, 0.0, 1.0], dtype=x_local.dtype), ref)
    z_local = jnp.cross(x_local, ref)
    z_local = z_local / jnp.maximum(jnp.linalg.norm(z_local, axis=-1, keepdims=True), 1e-08)
    y_local = jnp.cross(z_local, x_local)
    y_local = y_local / jnp.maximum(jnp.linalg.norm(y_local, axis=-1, keepdims=True), 1e-08)
    return y_local, z_local


def setup_inputs(seed: int = 0):
    key = jax.random.key(seed)
    ks = jax.random.split(key, 10)
    N = 100000
    E = 3200000
    pred = jax.random.normal(ks[0], (N, 6), dtype=jnp.float32)
    connectivity = jax.random.randint(ks[1], (E, 2), 0, N, dtype=jnp.int32)
    d = jax.random.normal(ks[2], (E, 3), dtype=jnp.float32)
    elem_directions = d / jnp.maximum(jnp.linalg.norm(d, axis=-1, keepdims=True), 1e-08)
    elem_lengths = jax.random.uniform(ks[3], (E,), dtype=jnp.float32, minval=0.5, maxval=2.0)
    prop_E = jax.random.uniform(ks[4], (E,), dtype=jnp.float32, minval=1.0, maxval=2.0)
    prop_A = jax.random.uniform(ks[5], (E,), dtype=jnp.float32, minval=0.5, maxval=1.5)
    prop_I22 = jax.random.uniform(ks[6], (E,), dtype=jnp.float32, minval=0.5, maxval=1.5)
    line_load = jax.random.normal(ks[7], (N, 3), dtype=jnp.float32)
    bc_disp = jax.random.uniform(ks[8], (N, 1), dtype=jnp.float32)
    bc_rot = jax.random.uniform(ks[9], (N, 1), dtype=jnp.float32)
    return {"pred": pred, "connectivity": connectivity, "elem_directions": elem_directions, "elem_lengths": elem_lengths, "prop_E": prop_E, "prop_A": prop_A, "prop_I22": prop_I22, "line_load": line_load, "bc_disp": bc_disp, "bc_rot": bc_rot}


def reference(pred, connectivity, elem_directions, elem_lengths, prop_E, prop_A, prop_I22, line_load, bc_disp, bc_rot):
    w_axial = 1.0
    w_bending = 1.0
    N_nodes = pred.shape[0]
    u = pred[:, :3]
    theta = pred[:, 3:6]
    i_nodes = connectivity[:, 0]
    j_nodes = connectivity[:, 1]
    L = elem_lengths
    x_local = elem_directions
    y_local, z_local = _local_axes(x_local)
    u_i = u[i_nodes]
    u_j = u[j_nodes]
    th_i = theta[i_nodes]
    th_j = theta[j_nodes]
    du = u_j - u_i
    axial_disp = (du * x_local).sum(axis=-1)
    N_axial = prop_E * prop_A / L * axial_disp
    F_axial_vec = N_axial[:, None] * x_local
    dw_z = (du * z_local).sum(axis=-1)
    theta_yi = (th_i * y_local).sum(axis=-1)
    theta_yj = (th_j * y_local).sum(axis=-1)
    EI = prop_E * prop_I22
    L2 = L * L
    L3 = L2 * L
    V_z = 12.0 * EI / L3 * dw_z + 6.0 * EI / L2 * (theta_yi + theta_yj)
    F_shear_vec = V_z[:, None] * z_local
    M_yi = 6.0 * EI / L2 * dw_z + EI / L * (2.0 * theta_yi + theta_yj)
    M_yj = 6.0 * EI / L2 * dw_z + EI / L * (theta_yi + 2.0 * theta_yj)
    M_vec_i = M_yi[:, None] * y_local
    M_vec_j = M_yj[:, None] * y_local
    dw_y = (du * y_local).sum(axis=-1)
    theta_zi = (th_i * z_local).sum(axis=-1)
    theta_zj = (th_j * z_local).sum(axis=-1)
    V_y = 12.0 * EI / L3 * dw_y + 6.0 * EI / L2 * (theta_zi + theta_zj)
    F_shear_y_vec = V_y[:, None] * y_local
    M_zi = 6.0 * EI / L2 * dw_y + EI / L * (2.0 * theta_zi + theta_zj)
    M_zj = 6.0 * EI / L2 * dw_y + EI / L * (theta_zi + 2.0 * theta_zj)
    M_vec_zi = M_zi[:, None] * z_local
    M_vec_zj = M_zj[:, None] * z_local
    F_elem = F_axial_vec + F_shear_vec + F_shear_y_vec
    F_total = jnp.zeros((N_nodes, 3), dtype=pred.dtype).at[i_nodes].add(F_elem).at[j_nodes].add(-F_elem)
    F_residual = F_total + line_load
    M_total = jnp.zeros((N_nodes, 3), dtype=pred.dtype).at[i_nodes].add(M_vec_i + M_vec_zi).at[j_nodes].add(M_vec_j + M_vec_zj)
    free_disp = bc_disp[:, 0] < 0.5
    free_rot = bc_rot[:, 0] < 0.5
    EA = prop_E * prop_A
    F_char = jnp.maximum(EA.mean(), 1.0)
    M_char = jnp.maximum((prop_E * prop_I22 / L).mean(), 1.0)
    F_sq_masked = jnp.where(free_disp[:, None], (F_residual / F_char) ** 2, jnp.zeros((), dtype=pred.dtype))
    M_sq_masked = jnp.where(free_rot[:, None], (M_total / M_char) ** 2, jnp.zeros((), dtype=pred.dtype))
    n_force = free_disp.sum().astype(pred.dtype) * 3.0
    n_moment = free_rot.sum().astype(pred.dtype) * 3.0
    loss_force = F_sq_masked.sum() / n_force
    loss_moment = M_sq_masked.sum() / n_moment
    loss = w_axial * loss_force + w_bending * loss_moment
    return loss

if __name__ == "__main__":
    import jax
    _d = setup_inputs()
    print(jax.jit(kernel)(*tuple(_d.values())))

</pallas_src>

<mosaic_0001>
#map = affine_map<(d0, d1) -> (0, 0)>
#map1 = affine_map<(d0, d1) -> (0)>
#map2 = affine_map<(d0, d1) -> (0, 0, 0)>
module attributes {stable_mosaic.version = 14 : i64} {
  func.func @body(%arg0: i32, %arg1: i32, %arg2: memref<100000x8xf32, #tpu.memory_space<hbm>>, %arg3: memref<3200000x2xi32, #tpu.memory_space<hbm>>, %arg4: memref<3200000x3xf32, #tpu.memory_space<hbm>>, %arg5: memref<3200000xf32, #tpu.memory_space<hbm>>, %arg6: memref<3200000xf32, #tpu.memory_space<hbm>>, %arg7: memref<3200000xf32, #tpu.memory_space<hbm>>, %arg8: memref<3200000xf32, #tpu.memory_space<hbm>>, %arg9: memref<2x100000x8xf32, #tpu.memory_space<hbm>>, %arg10: memref<32x32xf32, #tpu.memory_space<hbm>>, %arg11: memref<800x2xi32, #tpu.memory_space<vmem>>, %arg12: memref<800x3xf32, #tpu.memory_space<vmem>>, %arg13: memref<800xf32, #tpu.memory_space<vmem>>, %arg14: memref<800xf32, #tpu.memory_space<vmem>>, %arg15: memref<800xf32, #tpu.memory_space<vmem>>, %arg16: memref<800xf32, #tpu.memory_space<vmem>>, %arg17: memref<8x100xi32, #tpu.memory_space<vmem>>, %arg18: memref<8x100xi32, #tpu.memory_space<vmem>>, %arg19: memref<800x8xf32, #tpu.memory_space<vmem>>, %arg20: memref<800x8xf32, #tpu.memory_space<vmem>>, %arg21: memref<800x8xf32, #tpu.memory_space<vmem>>, %arg22: memref<800x8xf32, #tpu.memory_space<vmem>>, %arg23: memref<250x8xf32, #tpu.memory_space<vmem>>, %arg24: memref<32xf32, #tpu.memory_space<vmem>>, %arg25: memref<100000x8xf32, #tpu.memory_space<vmem_shared>>, %arg26: memref<!tpu.dma_semaphore, #tpu.memory_space<semaphore_mem>>) attributes {dimension_semantics = [#tpu.dimension_semantics<core_parallel>, #tpu.dimension_semantics<subcore_parallel>], iteration_bounds = array<i64: 2, 16>, scalar_prefetch = 0 : i64, scratch_operands = 16 : i64, tpu.core_type = #tpu.core_type<sc_vector_subcore>, window_params = [{transform_indices = #map}, {transform_indices = #map}, {transform_indices = #map}, {transform_indices = #map1}, {transform_indices = #map1}, {transform_indices = #map1}, {transform_indices = #map1}, {transform_indices = #map2}, {transform_indices = #map}]} {
    %mul3A = arith.constant 16 : i32
    %mul3A_0 = arith.muli %arg0, %mul3A : i32
    %add3A = arith.addi %mul3A_0, %arg1 : i32
    %broadcast_in_dim3A = arith.constant 0.000000e+00 : f32
    %broadcast_in_dim3A_1 = vector.broadcast %broadcast_in_dim3A : f32 to vector<16xf32>
    %scan3A = arith.constant 0 : i32
    %scan3A_2 = arith.constant 0 : i32
    %scan3A_3 = arith.constant 125 : i32
    %scan3A_4 = arith.addi %scan3A_2, %scan3A_3 : i32
    %scan3A_5 = arith.constant 1 : i32
    %scan3A_6 = scf.for %scan3A_41 = %scan3A_2 to %scan3A_4 step %scan3A_5 iter_args(%scan3A_42 = %scan3A) -> (i32)  : i32 {
      %mul3A_43 = arith.constant 16 : i32
      %mul3A_44 = arith.muli %scan3A_41, %mul3A_43 : i32
      %iota3A = tpu.iota {dimensions = array<i32: 0>} : vector<16xi32>
      %add3A_45 = vector.broadcast %mul3A_44 : i32 to vector<16xi32>
      %add3A_46 = arith.addi %add3A_45, %iota3A : vector<16xi32>
      %shift_right_logical3A = arith.constant 3 : i32
      %shift_right_logical3A_47 = vector.broadcast %shift_right_logical3A : i32 to vector<16xi32>
      %shift_right_logical3A_48 = arith.shrui %add3A_46, %shift_right_logical3A_47 : vector<16xi32>
      %and3A = arith.constant 7 : i32
      %and3A_49 = vector.broadcast %and3A : i32 to vector<16xi32>
      %and3A_50 = arith.andi %add3A_46, %and3A_49 : vector<16xi32>
      tpu.vector_store_idx %arg23[%shift_right_logical3A_48, %and3A_50], %broadcast_in_dim3A_1 : memref<250x8xf32, #tpu.memory_space<vmem>>[vector<16xi32>, vector<16xi32>], vector<16xf32>,
      %scan3A_51 = arith.constant 0 : i32
      scf.yield %scan3A_51 : i32
    }
    %scan3A_7 = arith.constant 125 : i32
    %scan3A_8 = arith.constant 0 : i32
    %scan3A_9 = arith.constant 0 : i32
    %scan3A_10 = arith.constant 400 : i32
    %scan3A_11 = arith.addi %scan3A_9, %scan3A_10 : i32
    %scan3A_12 = arith.constant 1 : i32
    %scan3A_13 = scf.for %scan3A_41 = %scan3A_9 to %scan3A_11 step %scan3A_12 iter_args(%scan3A_42 = %scan3A_8) -> (i32)  : i32 {
      %mul3A_43 = arith.constant 16 : i32
      %mul3A_44 = arith.muli %scan3A_41, %mul3A_43 : i32
      %iota3A = tpu.iota {dimensions = array<i32: 0>} : vector<16xi32>
      %add3A_45 = vector.broadcast %mul3A_44 : i32 to vector<16xi32>
      %add3A_46 = arith.addi %add3A_45, %iota3A : vector<16xi32>
      %shift_right_logical3A = arith.constant 3 : i32
      %shift_right_logical3A_47 = vector.broadcast %shift_right_logical3A : i32 to vector<16xi32>
      %shift_right_logical3A_48 = arith.shrui %add3A_46, %shift_right_logical3A_47 : vector<16xi32>
      %and3A = arith.constant 7 : i32
      %and3A_49 = vector.broadcast %and3A : i32 to vector<16xi32>
      %and3A_50 = arith.andi %add3A_46, %and3A_49 : vector<16xi32>
      tpu.vector_store_idx %arg21[%shift_right_logical3A_48, %and3A_50], %broadcast_in_dim3A_1 : memref<800x8xf32, #tpu.memory_space<vmem>>[vector<16xi32>, vector<16xi32>], vector<16xf32>,
      tpu.vector_store_idx %arg22[%shift_right_logical3A_48, %and3A_50], %broadcast_in_dim3A_1 : memref<800x8xf32, #tpu.memory_space<vmem>>[vector<16xi32>, vector<16xi32>], vector<16xf32>,
      %scan3A_51 = arith.constant 0 : i32
      scf.yield %scan3A_51 : i32
    }
    %scan3A_14 = arith.constant 400 : i32
    %scan3A_15 = arith.constant 0 : i32
    %scan3A_16 = arith.constant 0 : i32
    %scan3A_17 = arith.constant 25 : i32
    %scan3A_18 = arith.addi %scan3A_16, %scan3A_17 : i32
    %scan3A_19 = arith.constant 1 : i32
    %scan3A_20 = scf.for %scan3A_41 = %scan3A_16 to %scan3A_18 step %scan3A_19 iter_args(%scan3A_42 = %scan3A_15) -> (i32)  : i32 {
      %mul3A_43 = arith.constant 6250 : i32
      %mul3A_44 = arith.muli %arg1, %mul3A_43 : i32
      %mul3A_45 = arith.constant 250 : i32
      %mul3A_46 = arith.muli %scan3A_41, %mul3A_45 : i32
      %add3A_47 = arith.addi %mul3A_44, %mul3A_46 : i32
      "tpu.region"() ({
        %run_scoped3A = tpu.sem_alloc : memref<!tpu.dma_semaphore, #tpu.memory_space<semaphore_mem>>
        %dma_start3A = arith.constant 0 : i32
        %dma_start3A_49 = tpu.memref_slice %arg25[%add3A_47, %dma_start3A] : memref<100000x8xf32, #tpu.memory_space<vmem_shared>> -> memref<250x8xf32, #tpu.memory_space<vmem_shared>>
        %dma_start3A_50 = arith.constant 0 : i32
        %dma_start3A_51 = tpu.memref_slice %arg25[%add3A_47, %dma_start3A_50] : memref<100000x8xf32, #tpu.memory_space<vmem_shared>> -> memref<250x8xf32, #tpu.memory_space<vmem_shared>>
        tpu.enqueue_dma source(%arg23 : memref<250x8xf32, #tpu.memory_space<vmem>>) target(%dma_start3A_51 : memref<250x8xf32, #tpu.memory_space<vmem_shared>>) target_semaphore(%run_scoped3A : memref<!tpu.dma_semaphore, #tpu.memory_space<semaphore_mem>>)
        %dma_wait3A = arith.constant 0 : i32
        %dma_wait3A_52 = tpu.memref_slice %arg25[%add3A_47, %dma_wait3A] : memref<100000x8xf32, #tpu.memory_space<vmem_shared>> -> memref<250x8xf32, #tpu.memory_space<vmem_shared>>
        %dma_wait3A_53 = arith.constant 0 : i32
        %dma_wait3A_54 = tpu.memref_slice %arg25[%add3A_47, %dma_wait3A_53] : memref<100000x8xf32, #tpu.memory_space<vmem_shared>> -> memref<250x8xf32, #tpu.memory_space<vmem_shared>>
        tpu.wait_dma2 semaphore(%run_scoped3A : memref<!tpu.dma_semaphore, #tpu.memory_space<semaphore_mem>>) src(%arg23 : memref<250x8xf32, #tpu.memory_space<vmem>>) dst(%dma_wait3A_54 : memref<250x8xf32, #tpu.memory_space<vmem_shared>>)
        tpu.yield
      }) : () -> ()
      %scan3A_48 = arith.constant 0 : i32
      scf.yield %scan3A_48 : i32
    }
    %scan3A_21 = arith.constant 25 : i32
    %barrier3A = arith.constant 0 : index
    tpu.barrier barrier_id(%barrier3A)
    %mul3A_22 = arith.constant 100000 : i32
    %mul3A_23 = arith.muli %add3A, %mul3A_22 : i32
    %scan3A_24 = arith.constant 0 : i32
    %scan3A_25 = arith.constant 125 : i32
    %scan3A_26 = arith.addi %scan3A_24, %scan3A_25 : i32
    %scan3A_27 = arith.constant 1 : i32
    %scan3A_28:2 = scf.for %scan3A_41 = %scan3A_24 to %scan3A_26 step %scan3A_27 iter_args(%scan3A_42 = %broadcast_in_dim3A_1, %scan3A_43 = %broadcast_in_dim3A_1) -> (vector<16xf32>, vector<16xf32>)  : i32 {
      %mul3A_44 = arith.constant 800 : i32
      %mul3A_45 = arith.muli %scan3A_41, %mul3A_44 : i32
      %add3A_46 = arith.addi %mul3A_23, %mul3A_45 : i32
      "tpu.region"() ({
        %run_scoped3A_397 = tpu.sem_alloc : memref<!tpu.dma_semaphore, #tpu.memory_space<semaphore_mem>>
        %dma_start3A_398 = arith.constant 0 : i32
        %dma_start3A_399 = tpu.memref_slice %arg3[%add3A_46, %dma_start3A_398] : memref<3200000x2xi32, #tpu.memory_space<hbm>> -> memref<800x2xi32, #tpu.memory_space<hbm>>
        %dma_start3A_400 = arith.constant 0 : i32
        %dma_start3A_401 = tpu.memref_slice %arg3[%add3A_46, %dma_start3A_400] : memref<3200000x2xi32, #tpu.memory_space<hbm>> -> memref<800x2xi32, #tpu.memory_space<hbm>>
        tpu.enqueue_dma source(%dma_start3A_401 : memref<800x2xi32, #tpu.memory_space<hbm>>) target(%arg11 : memref<800x2xi32, #tpu.memory_space<vmem>>) target_semaphore(%run_scoped3A_397 : memref<!tpu.dma_semaphore, #tpu.memory_space<semaphore_mem>>)
        %dma_wait3A_402 = arith.constant 0 : i32
        %dma_wait3A_403 = tpu.memref_slice %arg3[%add3A_46, %dma_wait3A_402] : memref<3200000x2xi32, #tpu.memory_space<hbm>> -> memref<800x2xi32, #tpu.memory_space<hbm>>
        %dma_wait3A_404 = arith.constant 0 : i32
        %dma_wait3A_405 = tpu.memref_slice %arg3[%add3A_46, %dma_wait3A_404] : memref<3200000x2xi32, #tpu.memory_space<hbm>> -> memref<800x2xi32, #tpu.memory_space<hbm>>
        tpu.wait_dma2 semaphore(%run_scoped3A_397 : memref<!tpu.dma_semaphore, #tpu.memory_space<semaphore_mem>>) src(%dma_wait3A_405 : memref<800x2xi32, #tpu.memory_space<hbm>>) dst(%arg11 : memref<800x2xi32, #tpu.memory_space<vmem>>)
        tpu.yield
      }) : () -> ()
      "tpu.region"() ({
        %run_scoped3A_397 = tpu.sem_alloc : memref<!tpu.dma_semaphore, #tpu.memory_space<semaphore_mem>>
        %dma_start3A_398 = arith.constant 0 : i32
        %dma_start3A_399 = tpu.memref_slice %arg4[%add3A_46, %dma_start3A_398] : memref<3200000x3xf32, #tpu.memory_space<hbm>> -> memref<800x3xf32, #tpu.memory_space<hbm>>
        %dma_start3A_400 = arith.constant 0 : i32
        %dma_start3A_401 = tpu.memref_slice %arg4[%add3A_46, %dma_start3A_400] : memref<3200000x3xf32, #tpu.memory_space<hbm>> -> memref<800x3xf32, #tpu.memory_space<hbm>>
        tpu.enqueue_dma source(%dma_start3A_401 : memref<800x3xf32, #tpu.memory_space<hbm>>) target(%arg12 : memref<800x3xf32, #tpu.memory_space<vmem>>) target_semaphore(%run_scoped3A_397 : memref<!tpu.dma_semaphore, #tpu.memory_space<semaphore_mem>>)
        %dma_wait3A_402 = arith.constant 0 : i32
        %dma_wait3A_403 = tpu.memref_slice %arg4[%add3A_46, %dma_wait3A_402] : memref<3200000x3xf32, #tpu.memory_space<hbm>> -> memref<800x3xf32, #tpu.memory_space<hbm>>
        %dma_wait3A_404 = arith.constant 0 : i32
        %dma_wait3A_405 = tpu.memref_slice %arg4[%add3A_46, %dma_wait3A_404] : memref<3200000x3xf32, #tpu.memory_space<hbm>> -> memref<800x3xf32, #tpu.memory_space<hbm>>
        tpu.wait_dma2 semaphore(%run_scoped3A_397 : memref<!tpu.dma_semaphore, #tpu.memory_space<semaphore_mem>>) src(%dma_wait3A_405 : memref<800x3xf32, #tpu.memory_space<hbm>>) dst(%arg12 : memref<800x3xf32, #tpu.memory_space<vmem>>)
        tpu.yield
      }) : () -> ()
      "tpu.region"() ({
        %run_scoped3A_397 = tpu.sem_alloc : memref<!tpu.dma_semaphore, #tpu.memory_space<semaphore_mem>>
        %dma_start3A_398 = tpu.memref_slice %arg5[%add3A_46] : memref<3200000xf32, #tpu.memory_space<hbm>> -> memref<800xf32, #tpu.memory_space<hbm>>
        %dma_start3A_399 = tpu.memref_slice %arg5[%add3A_46] : memref<3200000xf32, #tpu.memory_space<hbm>> -> memref<800xf32, #tpu.memory_space<hbm>>
        tpu.enqueue_dma source(%dma_start3A_399 : memref<800xf32, #tpu.memory_space<hbm>>) target(%arg13 : memref<800xf32, #tpu.memory_space<vmem>>) target_semaphore(%run_scoped3A_397 : memref<!tpu.dma_semaphore, #tpu.memory_space<semaphore_mem>>)
        %dma_wait3A_400 = tpu.memref_slice %arg5[%add3A_46] : memref<3200000xf32, #tpu.memory_space<hbm>> -> memref<800xf32, #tpu.memory_space<hbm>>
        %dma_wait3A_401 = tpu.memref_slice %arg5[%add3A_46] : memref<3200000xf32, #tpu.memory_space<hbm>> -> memref<800xf32, #tpu.memory_space<hbm>>
        tpu.wait_dma2 semaphore(%run_scoped3A_397 : memref<!tpu.dma_semaphore, #tpu.memory_space<semaphore_mem>>) src(%dma_wait3A_401 : memref<800xf32, #tpu.memory_space<hbm>>) dst(%arg13 : memref<800xf32, #tpu.memory_space<vmem>>)
        tpu.yield
      }) : () -> ()
      "tpu.region"() ({
        %run_scoped3A_397 = tpu.sem_alloc : memref<!tpu.dma_semaphore, #tpu.memory_space<semaphore_mem>>
        %dma_start3A_398 = tpu.memref_slice %arg6[%add3A_46] : memref<3200000xf32, #tpu.memory_space<hbm>> -> memref<800xf32, #tpu.memory_space<hbm>>
        %dma_start3A_399 = tpu.memref_slice %arg6[%add3A_46] : memref<3200000xf32, #tpu.memory_space<hbm>> -> memref<800xf32, #tpu.memory_space<hbm>>
        tpu.enqueue_dma source(%dma_start3A_399 : memref<800xf32, #tpu.memory_space<hbm>>) target(%arg14 : memref<800xf32, #tpu.memory_space<vmem>>) target_semaphore(%run_scoped3A_397 : memref<!tpu.dma_semaphore, #tpu.memory_space<semaphore_mem>>)
        %dma_wait3A_400 = tpu.memref_slice %arg6[%add3A_46] : memref<3200000xf32, #tpu.memory_space<hbm>> -> memref<800xf32, #tpu.memory_space<hbm>>
        %dma_wait3A_401 = tpu.memref_slice %arg6[%add3A_46] : memref<3200000xf32, #tpu.memory_space<hbm>> -> memref<800xf32, #tpu.memory_space<hbm>>
        tpu.wait_dma2 semaphore(%run_scoped3A_397 : memref<!tpu.dma_semaphore, #tpu.memory_space<semaphore_mem>>) src(%dma_wait3A_401 : memref<800xf32, #tpu.memory_space<hbm>>) dst(%arg14 : memref<800xf32, #tpu.memory_space<vmem>>)
        tpu.yield
      }) : () -> ()
      "tpu.region"() ({
        %run_scoped3A_397 = tpu.sem_alloc : memref<!tpu.dma_semaphore, #tpu.memory_space<semaphore_mem>>
        %dma_start3A_398 = tpu.memref_slice %arg7[%add3A_46] : memref<3200000xf32, #tpu.memory_space<hbm>> -> memref<800xf32, #tpu.memory_space<hbm>>
        %dma_start3A_399 = tpu.memref_slice %arg7[%add3A_46] : memref<3200000xf32, #tpu.memory_space<hbm>> -> memref<800xf32, #tpu.memory_space<hbm>>
        tpu.enqueue_dma source(%dma_start3A_399 : memref<800xf32, #tpu.memory_space<hbm>>) target(%arg15 : memref<800xf32, #tpu.memory_space<vmem>>) target_semaphore(%run_scoped3A_397 : memref<!tpu.dma_semaphore, #tpu.memory_space<semaphore_mem>>)
        %dma_wait3A_400 = tpu.memref_slice %arg7[%add3A_46] : memref<3200000xf32, #tpu.memory_space<hbm>> -> memref<800xf32, #tpu.memory_space<hbm>>
        %dma_wait3A_401 = tpu.memref_slice %arg7[%add3A_46] : memref<3200000xf32, #tpu.memory_space<hbm>> -> memref<800xf32, #tpu.memory_space<hbm>>
        tpu.wait_dma2 semaphore(%run_scoped3A_397 : memref<!tpu.dma_semaphore, #tpu.memory_space<semaphore_mem>>) src(%dma_wait3A_401 : memref<800xf32, #tpu.memory_space<hbm>>) dst(%arg15 : memref<800xf32, #tpu.memory_space<vmem>>)
        tpu.yield
      }) : () -> ()
      "tpu.region"() ({
        %run_scoped3A_397 = tpu.sem_alloc : memref<!tpu.dma_semaphore, #tpu.memory_space<semaphore_mem>>
        %dma_start3A_398 = tpu.memref_slice %arg8[%add3A_46] : memref<3200000xf32, #tpu.memory_space<hbm>> -> memref<800xf32, #tpu.memory_space<hbm>>
        %dma_start3A_399 = tpu.memref_slice %arg8[%add3A_46] : memref<3200000xf32, #tpu.memory_space<hbm>> -> memref<800xf32, #tpu.memory_space<hbm>>
        tpu.enqueue_dma source(%dma_start3A_399 : memref<800xf32, #tpu.memory_space<hbm>>) target(%arg16 : memref<800xf32, #tpu.memory_space<vmem>>) target_semaphore(%run_scoped3A_397 : memref<!tpu.dma_semaphore, #tpu.memory_space<semaphore_mem>>)
        %dma_wait3A_400 = tpu.memref_slice %arg8[%add3A_46] : memref<3200000xf32, #tpu.memory_space<hbm>> -> memref<800xf32, #tpu.memory_space<hbm>>
        %dma_wait3A_401 = tpu.memref_slice %arg8[%add3A_46] : memref<3200000xf32, #tpu.memory_space<hbm>> -> memref<800xf32, #tpu.memory_space<hbm>>
        tpu.wait_dma2 semaphore(%run_scoped3A_397 : memref<!tpu.dma_semaphore, #tpu.memory_space<semaphore_mem>>) src(%dma_wait3A_401 : memref<800xf32, #tpu.memory_space<hbm>>) dst(%arg16 : memref<800xf32, #tpu.memory_space<vmem>>)
        tpu.yield
      }) : () -> ()
      %broadcast_in_dim3A_47 = arith.constant 0 : i32
      %broadcast_in_dim3A_48 = vector.broadcast %broadcast_in_dim3A_47 : i32 to vector<16xi32>
      %broadcast_in_dim3A_49 = arith.constant 1 : i32
      %broadcast_in_dim3A_50 = vector.broadcast %broadcast_in_dim3A_49 : i32 to vector<16xi32>
      %scan3A_51 = arith.constant 0 : i32
      %scan3A_52 = arith.constant 0 : i32
      %scan3A_53 = arith.constant 50 : i32
      %scan3A_54 = arith.addi %scan3A_52, %scan3A_53 : i32
      %scan3A_55 = arith.constant 1 : i32
      %scan3A_56 = scf.for %scan3A_397 = %scan3A_52 to %scan3A_54 step %scan3A_55 iter_args(%scan3A_398 = %scan3A_51) -> (i32)  : i32 {
        %mul3A_399 = arith.constant 16 : i32
        %mul3A_400 = arith.muli %scan3A_397, %mul3A_399 : i32
        %iota3A = tpu.iota {dimensions = array<i32: 0>} : vector<16xi32>
        %add3A_401 = vector.broadcast %mul3A_400 : i32 to vector<16xi32>
        %add3A_402 = arith.addi %add3A_401, %iota3A : vector<16xi32>
        %gather3A = tpu.vector_load_idx %arg11[%add3A_402, %broadcast_in_dim3A_48] : memref<800x2xi32, #tpu.memory_space<vmem>>[vector<16xi32>, vector<16xi32>], vector<16xi32>,
        %gather3A_403 = tpu.vector_load_idx %arg11[%add3A_402, %broadcast_in_dim3A_50] : memref<800x2xi32, #tpu.memory_space<vmem>>[vector<16xi32>, vector<16xi32>], vector<16xi32>,
        %div3A = arith.constant 100 : i32
        %div3A_404 = vector.broadcast %div3A : i32 to vector<16xi32>
        %div3A_405 = arith.divsi %add3A_402, %div3A_404 : vector<16xi32>
        %mul3A_406 = arith.constant 100 : i32
        %mul3A_407 = vector.broadcast %mul3A_406 : i32 to vector<16xi32>
        %mul3A_408 = arith.muli %div3A_405, %mul3A_407 : vector<16xi32>
        %sub3A = arith.subi %add3A_402, %mul3A_408 : vector<16xi32>
        tpu.vector_store_idx %arg17[%div3A_405, %sub3A], %gather3A : memref<8x100xi32, #tpu.memory_space<vmem>>[vector<16xi32>, vector<16xi32>], vector<16xi32>,
        tpu.vector_store_idx %arg18[%div3A_405, %sub3A], %gather3A_403 : memref<8x100xi32, #tpu.memory_space<vmem>>[vector<16xi32>, vector<16xi32>], vector<16xi32>,
        %scan3A_409 = arith.constant 0 : i32
        scf.yield %scan3A_409 : i32
      }
      %scan3A_57 = arith.constant 50 : i32
      %dma_start3A = arith.constant 0 : i32
      %dma_start3A_58 = arith.constant 0 : i32
      %dma_start3A_59 = arith.constant 0 : i32
      %dma_start3A_60 = tpu.memref_slice %arg19[%dma_start3A_58, %dma_start3A_59] : memref<800x8xf32, #tpu.memory_space<vmem>> -> memref<100x8xf32, #tpu.memory_space<vmem>>
      %dma_start3A_61 = arith.constant 0 : i32
      %dma_start3A_62 = tpu.memref_slice %arg17[%dma_start3A, %dma_start3A_61] : memref<8x100xi32, #tpu.memory_space<vmem>> -> memref<1x100xi32, #tpu.memory_space<vmem>>
      %dma_start3A_63 = tpu.memref_squeeze %dma_start3A_62 : memref<1x100xi32, #tpu.memory_space<vmem>> -> memref<100xi32, #tpu.memory_space<vmem>>
      %dma_start3A_64 = arith.constant 0 : i32
      %dma_start3A_65 = arith.constant 0 : i32
      %dma_start3A_66 = tpu.memref_slice %arg2[%dma_start3A_64, %dma_start3A_65] : memref<100000x8xf32, #tpu.memory_space<hbm>> -> memref<100000x8xf32, #tpu.memory_space<hbm>>
      tpu.enqueue_indirect_dma source(%dma_start3A_66 : memref<100000x8xf32, #tpu.memory_space<hbm>>) target(%dma_start3A_60 : memref<100x8xf32, #tpu.memory_space<vmem>>) offsets(%dma_start3A_63 : memref<100xi32, #tpu.memory_space<vmem>>) semaphore(%arg26 : memref<!tpu.dma_semaphore, #tpu.memory_space<semaphore_mem>>)
      %dma_start3A_67 = arith.constant 0 : i32
      %dma_start3A_68 = arith.constant 0 : i32
      %dma_start3A_69 = arith.constant 0 : i32
      %dma_start3A_70 = tpu.memref_slice %arg20[%dma_start3A_68, %dma_start3A_69] : memref<800x8xf32, #tpu.memory_space<vmem>> -> memref<100x8xf32, #tpu.memory_space<vmem>>
      %dma_start3A_71 = arith.constant 0 : i32
      %dma_start3A_72 = tpu.memref_slice %arg18[%dma_start3A_67, %dma_start3A_71] : memref<8x100xi32, #tpu.memory_space<vmem>> -> memref<1x100xi32, #tpu.memory_space<vmem>>
      %dma_start3A_73 = tpu.memref_squeeze %dma_start3A_72 : memref<1x100xi32, #tpu.memory_space<vmem>> -> memref<100xi32, #tpu.memory_space<vmem>>
      %dma_start3A_74 = arith.constant 0 : i32
      %dma_start3A_75 = arith.constant 0 : i32
      %dma_start3A_76 = tpu.memref_slice %arg2[%dma_start3A_74, %dma_start3A_75] : memref<100000x8xf32, #tpu.memory_space<hbm>> -> memref<100000x8xf32, #tpu.memory_space<hbm>>
      tpu.enqueue_indirect_dma source(%dma_start3A_76 : memref<100000x8xf32, #tpu.memory_space<hbm>>) target(%dma_start3A_70 : memref<100x8xf32, #tpu.memory_space<vmem>>) offsets(%dma_start3A_73 : memref<100xi32, #tpu.memory_space<vmem>>) semaphore(%arg26 : memref<!tpu.dma_semaphore, #tpu.memory_space<semaphore_mem>>)
      %dma_start3A_77 = arith.constant 1 : i32
      %dma_start3A_78 = arith.constant 100 : i32
      %dma_start3A_79 = arith.constant 0 : i32
      %dma_start3A_80 = tpu.memref_slice %arg19[%dma_start3A_78, %dma_start3A_79] : memref<800x8xf32, #tpu.memory_space<vmem>> -> memref<100x8xf32, #tpu.memory_space<vmem>>
      %dma_start3A_81 = arith.constant 0 : i32
      %dma_start3A_82 = tpu.memref_slice %arg17[%dma_start3A_77, %dma_start3A_81] : memref<8x100xi32, #tpu.memory_space<vmem>> -> memref<1x100xi32, #tpu.memory_space<vmem>>
      %dma_start3A_83 = tpu.memref_squeeze %dma_start3A_82 : memref<1x100xi32, #tpu.memory_space<vmem>> -> memref<100xi32, #tpu.memory_space<vmem>>
      %dma_start3A_84 = arith.constant 0 : i32
      %dma_start3A_85 = arith.constant 0 : i32
      %dma_start3A_86 = tpu.memref_slice %arg2[%dma_start3A_84, %dma_start3A_85] : memref<100000x8xf32, #tpu.memory_space<hbm>> -> memref<100000x8xf32, #tpu.memory_space<hbm>>
      tpu.enqueue_indirect_dma source(%dma_start3A_86 : memref<100000x8xf32, #tpu.memory_space<hbm>>) target(%dma_start3A_80 : memref<100x8xf32, #tpu.memory_space<vmem>>) offsets(%dma_start3A_83 : memref<100xi32, #tpu.memory_space<vmem>>) semaphore(%arg26 : memref<!tpu.dma_semaphore, #tpu.memory_space<semaphore_mem>>)
      %dma_start3A_87 = arith.constant 1 : i32
      %dma_start3A_88 = arith.constant 100 : i32
      %dma_start3A_89 = arith.constant 0 : i32
      %dma_start3A_90 = tpu.memref_slice %arg20[%dma_start3A_88, %dma_start3A_89] : memref<800x8xf32, #tpu.memory_space<vmem>> -> memref<100x8xf32, #tpu.memory_space<vmem>>
      %dma_start3A_91 = arith.constant 0 : i32
      %dma_start3A_92 = tpu.memref_slice %arg18[%dma_start3A_87, %dma_start3A_91] : memref<8x100xi32, #tpu.memory_space<vmem>> -> memref<1x100xi32, #tpu.memory_space<vmem>>
      %dma_start3A_93 = tpu.memref_squeeze %dma_start3A_92 : memref<1x100xi32, #tpu.memory_space<vmem>> -> memref<100xi32, #tpu.memory_space<vmem>>
      %dma_start3A_94 = arith.constant 0 : i32
      %dma_start3A_95 = arith.constant 0 : i32
      %dma_start3A_96 = tpu.memref_slice %arg2[%dma_start3A_94, %dma_start3A_95] : memref<100000x8xf32, #tpu.memory_space<hbm>> -> memref<100000x8xf32, #tpu.memory_space<hbm>>
      tpu.enqueue_indirect_dma source(%dma_start3A_96 : memref<100000x8xf32, #tpu.memory_space<hbm>>) target(%dma_start3A_90 : memref<100x8xf32, #tpu.memory_space<vmem>>) offsets(%dma_start3A_93 : memref<100xi32, #tpu.memory_space<vmem>>) semaphore(%arg26 : memref<!tpu.dma_semaphore, #tpu.memory_space<semaphore_mem>>)
      %dma_start3A_97 = arith.constant 2 : i32
      %dma_start3A_98 = arith.constant 200 : i32
      %dma_start3A_99 = arith.constant 0 : i32
      %dma_start3A_100 = tpu.memref_slice %arg19[%dma_start3A_98, %dma_start3A_99] : memref<800x8xf32, #tpu.memory_space<vmem>> -> memref<100x8xf32, #tpu.memory_space<vmem>>
      %dma_start3A_101 = arith.constant 0 : i32
      %dma_start3A_102 = tpu.memref_slice %arg17[%dma_start3A_97, %dma_start3A_101] : memref<8x100xi32, #tpu.memory_space<vmem>> -> memref<1x100xi32, #tpu.memory_space<vmem>>
      %dma_start3A_103 = tpu.memref_squeeze %dma_start3A_102 : memref<1x100xi32, #tpu.memory_space<vmem>> -> memref<100xi32, #tpu.memory_space<vmem>>
      %dma_start3A_104 = arith.constant 0 : i32
      %dma_start3A_105 = arith.constant 0 : i32
      %dma_start3A_106 = tpu.memref_slice %arg2[%dma_start3A_104, %dma_start3A_105] : memref<100000x8xf32, #tpu.memory_space<hbm>> -> memref<100000x8xf32, #tpu.memory_space<hbm>>
      tpu.enqueue_indirect_dma source(%dma_start3A_106 : memref<100000x8xf32, #tpu.memory_space<hbm>>) target(%dma_start3A_100 : memref<100x8xf32, #tpu.memory_space<vmem>>) offsets(%dma_start3A_103 : memref<100xi32, #tpu.memory_space<vmem>>) semaphore(%arg26 : memref<!tpu.dma_semaphore, #tpu.memory_space<semaphore_mem>>)
      %dma_start3A_107 = arith.constant 2 : i32
      %dma_start3A_108 = arith.constant 200 : i32
      %dma_start3A_109 = arith.constant 0 : i32
      %dma_start3A_110 = tpu.memref_slice %arg20[%dma_start3A_108, %dma_start3A_109] : memref<800x8xf32, #tpu.memory_space<vmem>> -> memref<100x8xf32, #tpu.memory_space<vmem>>
      %dma_start3A_111 = arith.constant 0 : i32
      %dma_start3A_112 = tpu.memref_slice %arg18[%dma_start3A_107, %dma_start3A_111] : memref<8x100xi32, #tpu.memory_space<vmem>> -> memref<1x100xi32, #tpu.memory_space<vmem>>
      %dma_start3A_113 = tpu.memref_squeeze %dma_start3A_112 : memref<1x100xi32, #tpu.memory_space<vmem>> -> memref<100xi32, #tpu.memory_space<vmem>>
      %dma_start3A_114 = arith.constant 0 : i32
      %dma_start3A_115 = arith.constant 0 : i32
      %dma_start3A_116 = tpu.memref_slice %arg2[%dma_start3A_114, %dma_start3A_115] : memref<100000x8xf32, #tpu.memory_space<hbm>> -> memref<100000x8xf32, #tpu.memory_space<hbm>>
      tpu.enqueue_indirect_dma source(%dma_start3A_116 : memref<100000x8xf32, #tpu.memory_space<hbm>>) target(%dma_start3A_110 : memref<100x8xf32, #tpu.memory_space<vmem>>) offsets(%dma_start3A_113 : memref<100xi32, #tpu.memory_space<vmem>>) semaphore(%arg26 : memref<!tpu.dma_semaphore, #tpu.memory_space<semaphore_mem>>)
      %dma_start3A_117 = arith.constant 3 : i32
      %dma_start3A_118 = arith.constant 300 : i32
      %dma_start3A_119 = arith.constant 0 : i32
      %dma_start3A_120 = tpu.memref_slice %arg19[%dma_start3A_118, %dma_start3A_119] : memref<800x8xf32, #tpu.memory_space<vmem>> -> memref<100x8xf32, #tpu.memory_space<vmem>>
      %dma_start3A_121 = arith.constant 0 : i32
      %dma_start3A_122 = tpu.memref_slice %arg17[%dma_start3A_117, %dma_start3A_121] : memref<8x100xi32, #tpu.memory_space<vmem>> -> memref<1x100xi32, #tpu.memory_space<vmem>>
      %dma_start3A_123 = tpu.memref_squeeze %dma_start3A_122 : memref<1x100xi32, #tpu.memory_space<vmem>> -> memref<100xi32, #tpu.memory_space<vmem>>
      %dma_start3A_124 = arith.constant 0 : i32
      %dma_start3A_125 = arith.constant 0 : i32
      %dma_start3A_126 = tpu.memref_slice %arg2[%dma_start3A_124, %dma_start3A_125] : memref<100000x8xf32, #tpu.memory_space<hbm>> -> memref<100000x8xf32, #tpu.memory_space<hbm>>
      tpu.enqueue_indirect_dma source(%dma_start3A_126 : memref<100000x8xf32, #tpu.memory_space<hbm>>) target(%dma_start3A_120 : memref<100x8xf32, #tpu.memory_space<vmem>>) offsets(%dma_start3A_123 : memref<100xi32, #tpu.memory_space<vmem>>) semaphore(%arg26 : memref<!tpu.dma_semaphore, #tpu.memory_space<semaphore_mem>>)
      %dma_start3A_127 = arith.constant 3 : i32
      %dma_start3A_128 = arith.constant 300 : i32
      %dma_start3A_129 = arith.constant 0 : i32
      %dma_start3A_130 = tpu.memref_slice %arg20[%dma_start3A_128, %dma_start3A_129] : memref<800x8xf32, #tpu.memory_space<vmem>> -> memref<100x8xf32, #tpu.memory_space<vmem>>
      %dma_start3A_131 = arith.constant 0 : i32
      %dma_start3A_132 = tpu.memref_slice %arg18[%dma_start3A_127, %dma_start3A_131] : memref<8x100xi32, #tpu.memory_space<vmem>> -> memref<1x100xi32, #tpu.memory_space<vmem>>
      %dma_start3A_133 = tpu.memref_squeeze %dma_start3A_132 : memref<1x100xi32, #tpu.memory_space<vmem>> -> memref<100xi32, #tpu.memory_space<vmem>>
      %dma_start3A_134 = arith.constant 0 : i32
      %dma_start3A_135 = arith.constant 0 : i32
      %dma_start3A_136 = tpu.memref_slice %arg2[%dma_start3A_134, %dma_start3A_135] : memref<100000x8xf32, #tpu.memory_space<hbm>> -> memref<100000x8xf32, #tpu.memory_space<hbm>>
      tpu.enqueue_indirect_dma source(%dma_start3A_136 : memref<100000x8xf32, #tpu.memory_space<hbm>>) target(%dma_start3A_130 : memref<100x8xf32, #tpu.memory_space<vmem>>) offsets(%dma_start3A_133 : memref<100xi32, #tpu.memory_space<vmem>>) semaphore(%arg26 : memref<!tpu.dma_semaphore, #tpu.memory_space<semaphore_mem>>)
      %dma_start3A_137 = arith.constant 4 : i32
      %dma_start3A_138 = arith.constant 400 : i32
      %dma_start3A_139 = arith.constant 0 : i32
      %dma_start3A_140 = tpu.memref_slice %arg19[%dma_start3A_138, %dma_start3A_139] : memref<800x8xf32, #tpu.memory_space<vmem>> -> memref<100x8xf32, #tpu.memory_space<vmem>>
      %dma_start3A_141 = arith.constant 0 : i32
      %dma_start3A_142 = tpu.memref_slice %arg17[%dma_start3A_137, %dma_start3A_141] : memref<8x100xi32, #tpu.memory_space<vmem>> -> memref<1x100xi32, #tpu.memory_space<vmem>>
      %dma_start3A_143 = tpu.memref_squeeze %dma_start3A_142 : memref<1x100xi32, #tpu.memory_space<vmem>> -> memref<100xi32, #tpu.memory_space<vmem>>
      %dma_start3A_144 = arith.constant 0 : i32
      %dma_start3A_145 = arith.constant 0 : i32
      %dma_start3A_146 = tpu.memref_slice %arg2[%dma_start3A_144, %dma_start3A_145] : memref<100000x8xf32, #tpu.memory_space<hbm>> -> memref<100000x8xf32, #tpu.memory_space<hbm>>
      tpu.enqueue_indirect_dma source(%dma_start3A_146 : memref<100000x8xf32, #tpu.memory_space<hbm>>) target(%dma_start3A_140 : memref<100x8xf32, #tpu.memory_space<vmem>>) offsets(%dma_start3A_143 : memref<100xi32, #tpu.memory_space<vmem>>) semaphore(%arg26 : memref<!tpu.dma_semaphore, #tpu.memory_space<semaphore_mem>>)
      %dma_start3A_147 = arith.constant 4 : i32
      %dma_start3A_148 = arith.constant 400 : i32
      %dma_start3A_149 = arith.constant 0 : i32
      %dma_start3A_150 = tpu.memref_slice %arg20[%dma_start3A_148, %dma_start3A_149] : memref<800x8xf32, #tpu.memory_space<vmem>> -> memref<100x8xf32, #tpu.memory_space<vmem>>
      %dma_start3A_151 = arith.constant 0 : i32
      %dma_start3A_152 = tpu.memref_slice %arg18[%dma_start3A_147, %dma_start3A_151] : memref<8x100xi32, #tpu.memory_space<vmem>> -> memref<1x100xi32, #tpu.memory_space<vmem>>
      %dma_start3A_153 = tpu.memref_squeeze %dma_start3A_152 : memref<1x100xi32, #tpu.memory_space<vmem>> -> memref<100xi32, #tpu.memory_space<vmem>>
      %dma_start3A_154 = arith.constant 0 : i32
      %dma_start3A_155 = arith.constant 0 : i32
      %dma_start3A_156 = tpu.memref_slice %arg2[%dma_start3A_154, %dma_start3A_155] : memref<100000x8xf32, #tpu.memory_space<hbm>> -> memref<100000x8xf32, #tpu.memory_space<hbm>>
      tpu.enqueue_indirect_dma source(%dma_start3A_156 : memref<100000x8xf32, #tpu.memory_space<hbm>>) target(%dma_start3A_150 : memref<100x8xf32, #tpu.memory_space<vmem>>) offsets(%dma_start3A_153 : memref<100xi32, #tpu.memory_space<vmem>>) semaphore(%arg26 : memref<!tpu.dma_semaphore, #tpu.memory_space<semaphore_mem>>)
      %dma_start3A_157 = arith.constant 5 : i32
      %dma_start3A_158 = arith.constant 500 : i32
      %dma_start3A_159 = arith.constant 0 : i32
      %dma_start3A_160 = tpu.memref_slice %arg19[%dma_start3A_158, %dma_start3A_159] : memref<800x8xf32, #tpu.memory_space<vmem>> -> memref<100x8xf32, #tpu.memory_space<vmem>>
      %dma_start3A_161 = arith.constant 0 : i32
      %dma_start3A_162 = tpu.memref_slice %arg17[%dma_start3A_157, %dma_start3A_161] : memref<8x100xi32, #tpu.memory_space<vmem>> -> memref<1x100xi32, #tpu.memory_space<vmem>>
      %dma_start3A_163 = tpu.memref_squeeze %dma_start3A_162 : memref<1x100xi32, #tpu.memory_space<vmem>> -> memref<100xi32, #tpu.memory_space<vmem>>
      %dma_start3A_164 = arith.constant 0 : i32
      %dma_start3A_165 = arith.constant 0 : i32
      %dma_start3A_166 = tpu.memref_slice %arg2[%dma_start3A_164, %dma_start3A_165] : memref<100000x8xf32, #tpu.memory_space<hbm>> -> memref<100000x8xf32, #tpu.memory_space<hbm>>
      tpu.enqueue_indirect_dma source(%dma_start3A_166 : memref<100000x8xf32, #tpu.memory_space<hbm>>) target(%dma_start3A_160 : memref<100x8xf32, #tpu.memory_space<vmem>>) offsets(%dma_start3A_163 : memref<100xi32, #tpu.memory_space<vmem>>) semaphore(%arg26 : memref<!tpu.dma_semaphore, #tpu.memory_space<semaphore_mem>>)
      %dma_start3A_167 = arith.constant 5 : i32
      %dma_start3A_168 = arith.constant 500 : i32
      %dma_start3A_169 = arith.constant 0 : i32
      %dma_start3A_170 = tpu.memref_slice %arg20[%dma_start3A_168, %dma_start3A_169] : memref<800x8xf32, #tpu.memory_space<vmem>> -> memref<100x8xf32, #tpu.memory_space<vmem>>
      %dma_start3A_171 = arith.constant 0 : i32
      %dma_start3A_172 = tpu.memref_slice %arg18[%dma_start3A_167, %dma_start3A_171] : memref<8x100xi32, #tpu.memory_space<vmem>> -> memref<1x100xi32, #tpu.memory_space<vmem>>
      %dma_start3A_173 = tpu.memref_squeeze %dma_start3A_172 : memref<1x100xi32, #tpu.memory_space<vmem>> -> memref<100xi32, #tpu.memory_space<vmem>>
      %dma_start3A_174 = arith.constant 0 : i32
      %dma_start3A_175 = arith.constant 0 : i32
      %dma_start3A_176 = tpu.memref_slice %arg2[%dma_start3A_174, %dma_start3A_175] : memref<100000x8xf32, #tpu.memory_space<hbm>> -> memref<100000x8xf32, #tpu.memory_space<hbm>>
      tpu.enqueue_indirect_dma source(%dma_start3A_176 : memref<100000x8xf32, #tpu.memory_space<hbm>>) target(%dma_start3A_170 : memref<100x8xf32, #tpu.memory_space<vmem>>) offsets(%dma_start3A_173 : memref<100xi32, #tpu.memory_space<vmem>>) semaphore(%arg26 : memref<!tpu.dma_semaphore, #tpu.memory_space<semaphore_mem>>)
      %dma_start3A_177 = arith.constant 6 : i32
      %dma_start3A_178 = arith.constant 600 : i32
      %dma_start3A_179 = arith.constant 0 : i32
      %dma_start3A_180 = tpu.memref_slice %arg19[%dma_start3A_178, %dma_start3A_179] : memref<800x8xf32, #tpu.memory_space<vmem>> -> memref<100x8xf32, #tpu.memory_space<vmem>>
      %dma_start3A_181 = arith.constant 0 : i32
      %dma_start3A_182 = tpu.memref_slice %arg17[%dma_start3A_177, %dma_start3A_181] : memref<8x100xi32, #tpu.memory_space<vmem>> -> memref<1x100xi32, #tpu.memory_space<vmem>>
      %dma_start3A_183 = tpu.memref_squeeze %dma_start3A_182 : memref<1x100xi32, #tpu.memory_space<vmem>> -> memref<100xi32, #tpu.memory_space<vmem>>
      %dma_start3A_184 = arith.constant 0 : i32
      %dma_start3A_185 = arith.constant 0 : i32
      %dma_start3A_186 = tpu.memref_slice %arg2[%dma_start3A_184, %dma_start3A_185] : memref<100000x8xf32, #tpu.memory_space<hbm>> -> memref<100000x8xf32, #tpu.memory_space<hbm>>
      tpu.enqueue_indirect_dma source(%dma_start3A_186 : memref<100000x8xf32, #tpu.memory_space<hbm>>) target(%dma_start3A_180 : memref<100x8xf32, #tpu.memory_space<vmem>>) offsets(%dma_start3A_183 : memref<100xi32, #tpu.memory_space<vmem>>) semaphore(%arg26 : memref<!tpu.dma_semaphore, #tpu.memory_space<semaphore_mem>>)
      %dma_start3A_187 = arith.constant 6 : i32
      %dma_start3A_188 = arith.constant 600 : i32
      %dma_start3A_189 = arith.constant 0 : i32
      %dma_start3A_190 = tpu.memref_slice %arg20[%dma_start3A_188, %dma_start3A_189] : memref<800x8xf32, #tpu.memory_space<vmem>> -> memref<100x8xf32, #tpu.memory_space<vmem>>
      %dma_start3A_191 = arith.constant 0 : i32
      %dma_start3A_192 = tpu.memref_slice %arg18[%dma_start3A_187, %dma_start3A_191] : memref<8x100xi32, #tpu.memory_space<vmem>> -> memref<1x100xi32, #tpu.memory_space<vmem>>
      %dma_start3A_193 = tpu.memref_squeeze %dma_start3A_192 : memref<1x100xi32, #tpu.memory_space<vmem>> -> memref<100xi32, #tpu.memory_space<vmem>>
      %dma_start3A_194 = arith.constant 0 : i32
      %dma_start3A_195 = arith.constant 0 : i32
      %dma_start3A_196 = tpu.memref_slice %arg2[%dma_start3A_194, %dma_start3A_195] : memref<100000x8xf32, #tpu.memory_space<hbm>> -> memref<100000x8xf32, #tpu.memory_space<hbm>>
      tpu.enqueue_indirect_dma source(%dma_start3A_196 : memref<100000x8xf32, #tpu.memory_space<hbm>>) target(%dma_start3A_190 : memref<100x8xf32, #tpu.memory_space<vmem>>) offsets(%dma_start3A_193 : memref<100xi32, #tpu.memory_space<vmem>>) semaphore(%arg26 : memref<!tpu.dma_semaphore, #tpu.memory_space<semaphore_mem>>)
      %dma_start3A_197 = arith.constant 7 : i32
      %dma_start3A_198 = arith.constant 700 : i32
      %dma_start3A_199 = arith.constant 0 : i32
      %dma_start3A_200 = tpu.memref_slice %arg19[%dma_start3A_198, %dma_start3A_199] : memref<800x8xf32, #tpu.memory_space<vmem>> -> memref<100x8xf32, #tpu.memory_space<vmem>>
      %dma_start3A_201 = arith.constant 0 : i32
      %dma_start3A_202 = tpu.memref_slice %arg17[%dma_start3A_197, %dma_start3A_201] : memref<8x100xi32, #tpu.memory_space<vmem>> -> memref<1x100xi32, #tpu.memory_space<vmem>>
      %dma_start3A_203 = tpu.memref_squeeze %dma_start3A_202 : memref<1x100xi32, #tpu.memory_space<vmem>> -> memref<100xi32, #tpu.memory_space<vmem>>
      %dma_start3A_204 = arith.constant 0 : i32
      %dma_start3A_205 = arith.constant 0 : i32
      %dma_start3A_206 = tpu.memref_slice %arg2[%dma_start3A_204, %dma_start3A_205] : memref<100000x8xf32, #tpu.memory_space<hbm>> -> memref<100000x8xf32, #tpu.memory_space<hbm>>
      tpu.enqueue_indirect_dma source(%dma_start3A_206 : memref<100000x8xf32, #tpu.memory_space<hbm>>) target(%dma_start3A_200 : memref<100x8xf32, #tpu.memory_space<vmem>>) offsets(%dma_start3A_203 : memref<100xi32, #tpu.memory_space<vmem>>) semaphore(%arg26 : memref<!tpu.dma_semaphore, #tpu.memory_space<semaphore_mem>>)
      %dma_start3A_207 = arith.constant 7 : i32
      %dma_start3A_208 = arith.constant 700 : i32
      %dma_start3A_209 = arith.constant 0 : i32
      %dma_start3A_210 = tpu.memref_slice %arg20[%dma_start3A_208, %dma_start3A_209] : memref<800x8xf32, #tpu.memory_space<vmem>> -> memref<100x8xf32, #tpu.memory_space<vmem>>
      %dma_start3A_211 = arith.constant 0 : i32
      %dma_start3A_212 = tpu.memref_slice %arg18[%dma_start3A_207, %dma_start3A_211] : memref<8x100xi32, #tpu.memory_space<vmem>> -> memref<1x100xi32, #tpu.memory_space<vmem>>
      %dma_start3A_213 = tpu.memref_squeeze %dma_start3A_212 : memref<1x100xi32, #tpu.memory_space<vmem>> -> memref<100xi32, #tpu.memory_space<vmem>>
      %dma_start3A_214 = arith.constant 0 : i32
      %dma_start3A_215 = arith.constant 0 : i32
      %dma_start3A_216 = tpu.memref_slice %arg2[%dma_start3A_214, %dma_start3A_215] : memref<100000x8xf32, #tpu.memory_space<hbm>> -> memref<100000x8xf32, #tpu.memory_space<hbm>>
      tpu.enqueue_indirect_dma source(%dma_start3A_216 : memref<100000x8xf32, #tpu.memory_space<hbm>>) target(%dma_start3A_210 : memref<100x8xf32, #tpu.memory_space<vmem>>) offsets(%dma_start3A_213 : memref<100xi32, #tpu.memory_space<vmem>>) semaphore(%arg26 : memref<!tpu.dma_semaphore, #tpu.memory_space<semaphore_mem>>)
      %dma_wait3A = arith.constant 0 : i32
      %dma_wait3A_217 = arith.constant 0 : i32
      %dma_wait3A_218 = arith.constant 0 : i32
      %dma_wait3A_219 = tpu.memref_slice %arg19[%dma_wait3A_217, %dma_wait3A_218] : memref<800x8xf32, #tpu.memory_space<vmem>> -> memref<100x8xf32, #tpu.memory_space<vmem>>
      %dma_wait3A_220 = arith.constant 0 : i32
      %dma_wait3A_221 = tpu.memref_slice %arg17[%dma_wait3A, %dma_wait3A_220] : memref<8x100xi32, #tpu.memory_space<vmem>> -> memref<1x100xi32, #tpu.memory_space<vmem>>
      %dma_wait3A_222 = tpu.memref_squeeze %dma_wait3A_221 : memref<1x100xi32, #tpu.memory_space<vmem>> -> memref<100xi32, #tpu.memory_space<vmem>>
      %dma_wait3A_223 = arith.constant 0 : i32
      %dma_wait3A_224 = arith.constant 0 : i32
      %dma_wait3A_225 = tpu.memref_slice %arg2[%dma_wait3A_223, %dma_wait3A_224] : memref<100000x8xf32, #tpu.memory_space<hbm>> -> memref<100000x8xf32, #tpu.memory_space<hbm>>
      tpu.wait_indirect_dma semaphore(%arg26 : memref<!tpu.dma_semaphore, #tpu.memory_space<semaphore_mem>>) src(%dma_wait3A_225 : memref<100000x8xf32, #tpu.memory_space<hbm>>) dst(%dma_wait3A_219 : memref<100x8xf32, #tpu.memory_space<vmem>>)
      %dma_wait3A_226 = arith.constant 0 : i32
      %dma_wait3A_227 = arith.constant 0 : i32
      %dma_wait3A_228 = arith.constant 0 : i32
      %dma_wait3A_229 = tpu.memref_slice %arg20[%dma_wait3A_227, %dma_wait3A_228] : memref<800x8xf32, #tpu.memory_space<vmem>> -> memref<100x8xf32, #tpu.memory_space<vmem>>
      %dma_wait3A_230 = arith.constant 0 : i32
      %dma_wait3A_231 = tpu.memref_slice %arg18[%dma_wait3A_226, %dma_wait3A_230] : memref<8x100xi32, #tpu.memory_space<vmem>> -> memref<1x100xi32, #tpu.memory_space<vmem>>
      %dma_wait3A_232 = tpu.memref_squeeze %dma_wait3A_231 : memref<1x100xi32, #tpu.memory_space<vmem>> -> memref<100xi32, #tpu.memory_space<vmem>>
      %dma_wait3A_233 = arith.constant 0 : i32
      %dma_wait3A_234 = arith.constant 0 : i32
      %dma_wait3A_235 = tpu.memref_slice %arg2[%dma_wait3A_233, %dma_wait3A_234] : memref<100000x8xf32, #tpu.memory_space<hbm>> -> memref<100000x8xf32, #tpu.memory_space<hbm>>
      tpu.wait_indirect_dma semaphore(%arg26 : memref<!tpu.dma_semaphore, #tpu.memory_space<semaphore_mem>>) src(%dma_wait3A_235 : memref<100000x8xf32, #tpu.memory_space<hbm>>) dst(%dma_wait3A_229 : memref<100x8xf32, #tpu.memory_space<vmem>>)
      %dma_wait3A_236 = arith.constant 1 : i32
      %dma_wait3A_237 = arith.constant 100 : i32
      %dma_wait3A_238 = arith.constant 0 : i32
      %dma_wait3A_239 = tpu.memref_slice %arg19[%dma_wait3A_237, %dma_wait3A_238] : memref<800x8xf32, #tpu.memory_space<vmem>> -> memref<100x8xf32, #tpu.memory_space<vmem>>
      %dma_wait3A_240 = arith.constant 0 : i32
      %dma_wait3A_241 = tpu.memref_slice %arg17[%dma_wait3A_236, %dma_wait3A_240] : memref<8x100xi32, #tpu.memory_space<vmem>> -> memref<1x100xi32, #tpu.memory_space<vmem>>
      %dma_wait3A_242 = tpu.memref_squeeze %dma_wait3A_241 : memref<1x100xi32, #tpu.memory_space<vmem>> -> memref<100xi32, #tpu.memory_space<vmem>>
      %dma_wait3A_243 = arith.constant 0 : i32
      %dma_wait3A_244 = arith.constant 0 : i32
      %dma_wait3A_245 = tpu.memref_slice %arg2[%dma_wait3A_243, %dma_wait3A_244] : memref<100000x8xf32, #tpu.memory_space<hbm>> -> memref<100000x8xf32, #tpu.memory_space<hbm>>
      tpu.wait_indirect_dma semaphore(%arg26 : memref<!tpu.dma_semaphore, #tpu.memory_space<semaphore_mem>>) src(%dma_wait3A_245 : memref<100000x8xf32, #tpu.memory_space<hbm>>) dst(%dma_wait3A_239 : memref<100x8xf32, #tpu.memory_space<vmem>>)
      %dma_wait3A_246 = arith.constant 1 : i32
      %dma_wait3A_247 = arith.constant 100 : i32
      %dma_wait3A_248 = arith.constant 0 : i32
      %dma_wait3A_249 = tpu.memref_slice %arg20[%dma_wait3A_247, %dma_wait3A_248] : memref<800x8xf32, #tpu.memory_space<vmem>> -> memref<100x8xf32, #tpu.memory_space<vmem>>
      %dma_wait3A_250 = arith.constant 0 : i32
      %dma_wait3A_251 = tpu.memref_slice %arg18[%dma_wait3A_246, %dma_wait3A_250] : memref<8x100xi32, #tpu.memory_space<vmem>> -> memref<1x100xi32, #tpu.memory_space<vmem>>
      %dma_wait3A_252 = tpu.memref_squeeze %dma_wait3A_251 : memref<1x100xi32, #tpu.memory_space<vmem>> -> memref<100xi32, #tpu.memory_space<vmem>>
      %dma_wait3A_253 = arith.constant 0 : i32
      %dma_wait3A_254 = arith.constant 0 : i32
      %dma_wait3A_255 = tpu.memref_slice %arg2[%dma_wait3A_253, %dma_wait3A_254] : memref<100000x8xf32, #tpu.memory_space<hbm>> -> memref<100000x8xf32, #tpu.memory_space<hbm>>
      tpu.wait_indirect_dma semaphore(%arg26 : memref<!tpu.dma_semaphore, #tpu.memory_space<semaphore_mem>>) src(%dma_wait3A_255 : memref<100000x8xf32, #tpu.memory_space<hbm>>) dst(%dma_wait3A_249 : memref<100x8xf32, #tpu.memory_space<vmem>>)
      %dma_wait3A_256 = arith.constant 2 : i32
      %dma_wait3A_257 = arith.constant 200 : i32
      %dma_wait3A_258 = arith.constant 0 : i32
      %dma_wait3A_259 = tpu.memref_slice %arg19[%dma_wait3A_257, %dma_wait3A_258] : memref<800x8xf32, #tpu.memory_space<vmem>> -> memref<100x8xf32, #tpu.memory_space<vmem>>
      %dma_wait3A_260 = arith.constant 0 : i32
      %dma_wait3A_261 = tpu.memref_slice %arg17[%dma_wait3A_256, %dma_wait3A_260] : memref<8x100xi32, #tpu.memory_space<vmem>> -> memref<1x100xi32, #tpu.memory_space<vmem>>
      %dma_wait3A_262 = tpu.memref_squeeze %dma_wait3A_261 : memref<1x100xi32, #tpu.memory_space<vmem>> -> memref<100xi32, #tpu.memory_space<vmem>>
      %dma_wait3A_263 = arith.constant 0 : i32
      %dma_wait3A_264 = arith.constant 0 : i32
      %dma_wait3A_265 = tpu.memref_slice %arg2[%dma_wait3A_263, %dma_wait3A_264] : memref<100000x8xf32, #tpu.memory_space<hbm>> -> memref<100000x8xf32, #tpu.memory_space<hbm>>
      tpu.wait_indirect_dma semaphore(%arg26 : memref<!tpu.dma_semaphore, #tpu.memory_space<semaphore_mem>>) src(%dma_wait3A_265 : memref<100000x8xf32, #tpu.memory_space<hbm>>) dst(%dma_wait3A_259 : memref<100x8xf32, #tpu.memory_space<vmem>>)
      %dma_wait3A_266 = arith.constant 2 : i32
      %dma_wait3A_267 = arith.constant 200 : i32
      %dma_wait3A_268 = arith.constant 0 : i32
      %dma_wait3A_269 = tpu.memref_slice %arg20[%dma_wait3A_267, %dma_wait3A_268] : memref<800x8xf32, #tpu.memory_space<vmem>> -> memref<100x8xf32, #tpu.memory_space<vmem>>
      %dma_wait3A_270 = arith.constant 0 : i32
      %dma_wait3A_271 = tpu.memref_slice %arg18[%dma_wait3A_266, %dma_wait3A_270] : memref<8x100xi32, #tpu.memory_space<vmem>> -> memref<1x100xi32, #tpu.memory_space<vmem>>
      %dma_wait3A_272 = tpu.memref_squeeze %dma_wait3A_271 : memref<1x100xi32, #tpu.memory_space<vmem>> -> memref<100xi32, #tpu.memory_space<vmem>>
      %dma_wait3A_273 = arith.constant 0 : i32
      %dma_wait3A_274 = arith.constant 0 : i32
      %dma_wait3A_275 = tpu.memref_slice %arg2[%dma_wait3A_273, %dma_wait3A_274] : memref<100000x8xf32, #tpu.memory_space<hbm>> -> memref<100000x8xf32, #tpu.memory_space<hbm>>
      tpu.wait_indirect_dma semaphore(%arg26 : memref<!tpu.dma_semaphore, #tpu.memory_space<semaphore_mem>>) src(%dma_wait3A_275 : memref<100000x8xf32, #tpu.memory_space<hbm>>) dst(%dma_wait3A_269 : memref<100x8xf32, #tpu.memory_space<vmem>>)
      %dma_wait3A_276 = arith.constant 3 : i32
      %dma_wait3A_277 = arith.constant 300 : i32
      %dma_wait3A_278 = arith.constant 0 : i32
      %dma_wait3A_279 = tpu.memref_slice %arg19[%dma_wait3A_277, %dma_wait3A_278] : memref<800x8xf32, #tpu.memory_space<vmem>> -> memref<100x8xf32, #tpu.memory_space<vmem>>
      %dma_wait3A_280 = arith.constant 0 : i32
      %dma_wait3A_281 = tpu.memref_slice %arg17[%dma_wait3A_276, %dma_wait3A_280] : memref<8x100xi32, #tpu.memory_space<vmem>> -> memref<1x100xi32, #tpu.memory_space<vmem>>
      %dma_wait3A_282 = tpu.memref_squeeze %dma_wait3A_281 : memref<1x100xi32, #tpu.memory_space<vmem>> -> memref<100xi32, #tpu.memory_space<vmem>>
      %dma_wait3A_283 = arith.constant 0 : i32
      %dma_wait3A_284 = arith.constant 0 : i32
      %dma_wait3A_285 = tpu.memref_slice %arg2[%dma_wait3A_283, %dma_wait3A_284] : memref<100000x8xf32, #tpu.memory_space<hbm>> -> memref<100000x8xf32, #tpu.memory_space<hbm>>
      tpu.wait_indirect_dma semaphore(%arg26 : memref<!tpu.dma_semaphore, #tpu.memory_space<semaphore_mem>>) src(%dma_wait3A_285 : memref<100000x8xf32, #tpu.memory_space<hbm>>) dst(%dma_wait3A_279 : memref<100x8xf32, #tpu.memory_space<vmem>>)
      %dma_wait3A_286 = arith.constant 3 : i32
      %dma_wait3A_287 = arith.constant 300 : i32
      %dma_wait3A_288 = arith.constant 0 : i32
      %dma_wait3A_289 = tpu.memref_slice %arg20[%dma_wait3A_287, %dma_wait3A_288] : memref<800x8xf32, #tpu.memory_space<vmem>> -> memref<100x8xf32, #tpu.memory_space<vmem>>
      %dma_wait3A_290 = arith.constant 0 : i32
      %dma_wait3A_291 = tpu.memref_slice %arg18[%dma_wait3A_286, %dma_wait3A_290] : memref<8x100xi32, #tpu.memory_space<vmem>> -> memref<1x100xi32, #tpu.memory_space<vmem>>
      %dma_wait3A_292 = tpu.memref_squeeze %dma_wait3A_291 : memref<1x100xi32, #tpu.memory_space<vmem>> -> memref<100xi32, #tpu.memory_space<vmem>>
      %dma_wait3A_293 = arith.constant 0 : i32
      %dma_wait3A_294 = arith.constant 0 : i32
      %dma_wait3A_295 = tpu.memref_slice %arg2[%dma_wait3A_293, %dma_wait3A_294] : memref<100000x8xf32, #tpu.memory_space<hbm>> -> memref<100000x8xf32, #tpu.memory_space<hbm>>
      tpu.wait_indirect_dma semaphore(%arg26 : memref<!tpu.dma_semaphore, #tpu.memory_space<semaphore_mem>>) src(%dma_wait3A_295 : memref<100000x8xf32, #tpu.memory_space<hbm>>) dst(%dma_wait3A_289 : memref<100x8xf32, #tpu.memory_space<vmem>>)
      %dma_wait3A_296 = arith.constant 4 : i32
      %dma_wait3A_297 = arith.constant 400 : i32
      %dma_wait3A_298 = arith.constant 0 : i32
      %dma_wait3A_299 = tpu.memref_slice %arg19[%dma_wait3A_297, %dma_wait3A_298] : memref<800x8xf32, #tpu.memory_space<vmem>> -> memref<100x8xf32, #tpu.memory_space<vmem>>
      %dma_wait3A_300 = arith.constant 0 : i32
      %dma_wait3A_301 = tpu.memref_slice %arg17[%dma_wait3A_296, %dma_wait3A_300] : memref<8x100xi32, #tpu.memory_space<vmem>> -> memref<1x100xi32, #tpu.memory_space<vmem>>
      %dma_wait3A_302 = tpu.memref_squeeze %dma_wait3A_301 : memref<1x100xi32, #tpu.memory_space<vmem>> -> memref<100xi32, #tpu.memory_space<vmem>>
      %dma_wait3A_303 = arith.constant 0 : i32
      %dma_wait3A_304 = arith.constant 0 : i32
      %dma_wait3A_305 = tpu.memref_slice %arg2[%dma_wait3A_303, %dma_wait3A_304] : memref<100000x8xf32, #tpu.memory_space<hbm>> -> memref<100000x8xf32, #tpu.memory_space<hbm>>
      tpu.wait_indirect_dma semaphore(%arg26 : memref<!tpu.dma_semaphore, #tpu.memory_space<semaphore_mem>>) src(%dma_wait3A_305 : memref<100000x8xf32, #tpu.memory_space<hbm>>) dst(%dma_wait3A_299 : memref<100x8xf32, #tpu.memory_space<vmem>>)
      %dma_wait3A_306 = arith.constant 4 : i32
      %dma_wait3A_307 = arith.constant 400 : i32
      %dma_wait3A_308 = arith.constant 0 : i32
      %dma_wait3A_309 = tpu.memref_slice %arg20[%dma_wait3A_307, %dma_wait3A_308] : memref<800x8xf32, #tpu.memory_space<vmem>> -> memref<100x8xf32, #tpu.memory_space<vmem>>
      %dma_wait3A_310 = arith.constant 0 : i32
      %dma_wait3A_311 = tpu.memref_slice %arg18[%dma_wait3A_306, %dma_wait3A_310] : memref<8x100xi32, #tpu.memory_space<vmem>> -> memref<1x100xi32, #tpu.memory_space<vmem>>
      %dma_wait3A_312 = tpu.memref_squeeze %dma_wait3A_311 : memref<1x100xi32, #tpu.memory_space<vmem>> -> memref<100xi32, #tpu.memory_space<vmem>>
      %dma_wait3A_313 = arith.constant 0 : i32
      %dma_wait3A_314 = arith.constant 0 : i32
      %dma_wait3A_315 = tpu.memref_slice %arg2[%dma_wait3A_313, %dma_wait3A_314] : memref<100000x8xf32, #tpu.memory_space<hbm>> -> memref<100000x8xf32, #tpu.memory_space<hbm>>
      tpu.wait_indirect_dma semaphore(%arg26 : memref<!tpu.dma_semaphore, #tpu.memory_space<semaphore_mem>>) src(%dma_wait3A_315 : memref<100000x8xf32, #tpu.memory_space<hbm>>) dst(%dma_wait3A_309 : memref<100x8xf32, #tpu.memory_space<vmem>>)
      %dma_wait3A_316 = arith.constant 5 : i32
      %dma_wait3A_317 = arith.constant 500 : i32
      %dma_wait3A_318 = arith.constant 0 : i32
      %dma_wait3A_319 = tpu.memref_slice %arg19[%dma_wait3A_317, %dma_wait3A_318] : memref<800x8xf32, #tpu.memory_space<vmem>> -> memref<100x8xf32, #tpu.memory_space<vmem>>
      %dma_wait3A_320 = arith.constant 0 : i32
      %dma_wait3A_321 = tpu.memref_slice %arg17[%dma_wait3A_316, %dma_wait3A_320] : memref<8x100xi32, #tpu.memory_space<vmem>> -> memref<1x100xi32, #tpu.memory_space<vmem>>
      %dma_wait3A_322 = tpu.memref_squeeze %dma_wait3A_321 : memref<1x100xi32, #tpu.memory_space<vmem>> -> memref<100xi32, #tpu.memory_space<vmem>>
      %dma_wait3A_323 = arith.constant 0 : i32
      %dma_wait3A_324 = arith.constant 0 : i32
      %dma_wait3A_325 = tpu.memref_slice %arg2[%dma_wait3A_323, %dma_wait3A_324] : memref<100000x8xf32, #tpu.memory_space<hbm>> -> memref<100000x8xf32, #tpu.memory_space<hbm>>
      tpu.wait_indirect_dma semaphore(%arg26 : memref<!tpu.dma_semaphore, #tpu.memory_space<semaphore_mem>>) src(%dma_wait3A_325 : memref<100000x8xf32, #tpu.memory_space<hbm>>) dst(%dma_wait3A_319 : memref<100x8xf32, #tpu.memory_space<vmem>>)
      %dma_wait3A_326 = arith.constant 5 : i32
      %dma_wait3A_327 = arith.constant 500 : i32
      %dma_wait3A_328 = arith.constant 0 : i32
      %dma_wait3A_329 = tpu.memref_slice %arg20[%dma_wait3A_327, %dma_wait3A_328] : memref<800x8xf32, #tpu.memory_space<vmem>> -> memref<100x8xf32, #tpu.memory_space<vmem>>
      %dma_wait3A_330 = arith.constant 0 : i32
      %dma_wait3A_331 = tpu.memref_slice %arg18[%dma_wait3A_326, %dma_wait3A_330] : memref<8x100xi32, #tpu.memory_space<vmem>> -> memref<1x100xi32, #tpu.memory_space<vmem>>
      %dma_wait3A_332 = tpu.memref_squeeze %dma_wait3A_331 : memref<1x100xi32, #tpu.memory_space<vmem>> -> memref<100xi32, #tpu.memory_space<vmem>>
      %dma_wait3A_333 = arith.constant 0 : i32
      %dma_wait3A_334 = arith.constant 0 : i32
      %dma_wait3A_335 = tpu.memref_slice %arg2[%dma_wait3A_333, %dma_wait3A_334] : memref<100000x8xf32, #tpu.memory_space<hbm>> -> memref<100000x8xf32, #tpu.memory_space<hbm>>
      tpu.wait_indirect_dma semaphore(%arg26 : memref<!tpu.dma_semaphore, #tpu.memory_space<semaphore_mem>>) src(%dma_wait3A_335 : memref<100000x8xf32, #tpu.memory_space<hbm>>) dst(%dma_wait3A_329 : memref<100x8xf32, #tpu.memory_space<vmem>>)
      %dma_wait3A_336 = arith.constant 6 : i32
      %dma_wait3A_337 = arith.constant 600 : i32
      %dma_wait3A_338 = arith.constant 0 : i32
      %dma_wait3A_339 = tpu.memref_slice %arg19[%dma_wait3A_337, %dma_wait3A_338] : memref<800x8xf32, #tpu.memory_space<vmem>> -> memref<100x8xf32, #tpu.memory_space<vmem>>
      %dma_wait3A_340 = arith.constant 0 : i32
      %dma_wait3A_341 = tpu.memref_slice %arg17[%dma_wait3A_336, %dma_wait3A_340] : memref<8x100xi32, #tpu.memory_space<vmem>> -> memref<1x100xi32, #tpu.memory_space<vmem>>
      %dma_wait3A_342 = tpu.memref_squeeze %dma_wait3A_341 : memref<1x100xi32, #tpu.memory_space<vmem>> -> memref<100xi32, #tpu.memory_space<vmem>>
      %dma_wait3A_343 = arith.constant 0 : i32
      %dma_wait3A_344 = arith.constant 0 : i32
      %dma_wait3A_345 = tpu.memref_slice %arg2[%dma_wait3A_343, %dma_wait3A_344] : memref<100000x8xf32, #tpu.memory_space<hbm>> -> memref<100000x8xf32, #tpu.memory_space<hbm>>
      tpu.wait_indirect_dma semaphore(%arg26 : memref<!tpu.dma_semaphore, #tpu.memory_space<semaphore_mem>>) src(%dma_wait3A_345 : memref<100000x8xf32, #tpu.memory_space<hbm>>) dst(%dma_wait3A_339 : memref<100x8xf32, #tpu.memory_space<vmem>>)
      %dma_wait3A_346 = arith.constant 6 : i32
      %dma_wait3A_347 = arith.constant 600 : i32
      %dma_wait3A_348 = arith.constant 0 : i32
      %dma_wait3A_349 = tpu.memref_slice %arg20[%dma_wait3A_347, %dma_wait3A_348] : memref<800x8xf32, #tpu.memory_space<vmem>> -> memref<100x8xf32, #tpu.memory_space<vmem>>
      %dma_wait3A_350 = arith.constant 0 : i32
      %dma_wait3A_351 = tpu.memref_slice %arg18[%dma_wait3A_346, %dma_wait3A_350] : memref<8x100xi32, #tpu.memory_space<vmem>> -> memref<1x100xi32, #tpu.memory_space<vmem>>
      %dma_wait3A_352 = tpu.memref_squeeze %dma_wait3A_351 : memref<1x100xi32, #tpu.memory_space<vmem>> -> memref<100xi32, #tpu.memory_space<vmem>>
      %dma_wait3A_353 = arith.constant 0 : i32
      %dma_wait3A_354 = arith.constant 0 : i32
      %dma_wait3A_355 = tpu.memref_slice %arg2[%dma_wait3A_353, %dma_wait3A_354] : memref<100000x8xf32, #tpu.memory_space<hbm>> -> memref<100000x8xf32, #tpu.memory_space<hbm>>
      tpu.wait_indirect_dma semaphore(%arg26 : memref<!tpu.dma_semaphore, #tpu.memory_space<semaphore_mem>>) src(%dma_wait3A_355 : memref<100000x8xf32, #tpu.memory_space<hbm>>) dst(%dma_wait3A_349 : memref<100x8xf32, #tpu.memory_space<vmem>>)
      %dma_wait3A_356 = arith.constant 7 : i32
      %dma_wait3A_357 = arith.constant 700 : i32
      %dma_wait3A_358 = arith.constant 0 : i32
      %dma_wait3A_359 = tpu.memref_slice %arg19[%dma_wait3A_357, %dma_wait3A_358] : memref<800x8xf32, #tpu.memory_space<vmem>> -> memref<100x8xf32, #tpu.memory_space<vmem>>
      %dma_wait3A_360 = arith.constant 0 : i32
      %dma_wait3A_361 = tpu.memref_slice %arg17[%dma_wait3A_356, %dma_wait3A_360] : memref<8x100xi32, #tpu.memory_space<vmem>> -> memref<1x100xi32, #tpu.memory_space<vmem>>
      %dma_wait3A_362 = tpu.memref_squeeze %dma_wait3A_361 : memref<1x100xi32, #tpu.memory_space<vmem>> -> memref<100xi32, #tpu.memory_space<vmem>>
      %dma_wait3A_363 = arith.constant 0 : i32
      %dma_wait3A_364 = arith.constant 0 : i32
      %dma_wait3A_365 = tpu.memref_slice %arg2[%dma_wait3A_363, %dma_wait3A_364] : memref<100000x8xf32, #tpu.memory_space<hbm>> -> memref<100000x8xf32, #tpu.memory_space<hbm>>
      tpu.wait_indirect_dma semaphore(%arg26 : memref<!tpu.dma_semaphore, #tpu.memory_space<semaphore_mem>>) src(%dma_wait3A_365 : memref<100000x8xf32, #tpu.memory_space<hbm>>) dst(%dma_wait3A_359 : memref<100x8xf32, #tpu.memory_space<vmem>>)
      %dma_wait3A_366 = arith.constant 7 : i32
      %dma_wait3A_367 = arith.constant 700 : i32
      %dma_wait3A_368 = arith.constant 0 : i32
      %dma_wait3A_369 = tpu.memref_slice %arg20[%dma_wait3A_367, %dma_wait3A_368] : memref<800x8xf32, #tpu.memory_space<vmem>> -> memref<100x8xf32, #tpu.memory_space<vmem>>
      %dma_wait3A_370 = arith.constant 0 : i32
      %dma_wait3A_371 = tpu.memref_slice %arg18[%dma_wait3A_366, %dma_wait3A_370] : memref<8x100xi32, #tpu.memory_space<vmem>> -> memref<1x100xi32, #tpu.memory_space<vmem>>
      %dma_wait3A_372 = tpu.memref_squeeze %dma_wait3A_371 : memref<1x100xi32, #tpu.memory_space<vmem>> -> memref<100xi32, #tpu.memory_space<vmem>>
      %dma_wait3A_373 = arith.constant 0 : i32
      %dma_wait3A_374 = arith.constant 0 : i32
      %dma_wait3A_375 = tpu.memref_slice %arg2[%dma_wait3A_373, %dma_wait3A_374] : memref<100000x8xf32, #tpu.memory_space<hbm>> -> memref<100000x8xf32, #tpu.memory_space<hbm>>
      tpu.wait_indirect_dma semaphore(%arg26 : memref<!tpu.dma_semaphore, #tpu.memory_space<semaphore_mem>>) src(%dma_wait3A_375 : memref<100000x8xf32, #tpu.memory_space<hbm>>) dst(%dma_wait3A_369 : memref<100x8xf32, #tpu.memory_space<vmem>>)
      %scan3A_376 = arith.constant 0 : i32
      %scan3A_377 = arith.constant 50 : i32
      %scan3A_378 = arith.addi %scan3A_376, %scan3A_377 : i32
      %scan3A_379 = arith.constant 1 : i32
      %scan3A_380:2 = scf.for %scan3A_397 = %scan3A_376 to %scan3A_378 step %scan3A_379 iter_args(%scan3A_398 = %scan3A_42, %scan3A_399 = %scan3A_43) -> (vector<16xf32>, vector<16xf32>)  : i32 {
        %mul3A_400 = arith.constant 16 : i32
        %mul3A_401 = arith.muli %scan3A_397, %mul3A_400 : i32
        %iota3A = tpu.iota {dimensions = array<i32: 0>} : vector<16xi32>
        %add3A_402 = vector.broadcast %mul3A_401 : i32 to vector<16xi32>
        %add3A_403 = arith.addi %add3A_402, %iota3A : vector<16xi32>
        %broadcast_in_dim3A_404 = arith.constant 0 : i32
        %broadcast_in_dim3A_405 = vector.broadcast %broadcast_in_dim3A_404 : i32 to vector<16xi32>
        %broadcast_in_dim3A_406 = arith.constant 1 : i32
        %broadcast_in_dim3A_407 = vector.broadcast %broadcast_in_dim3A_406 : i32 to vector<16xi32>
        %broadcast_in_dim3A_408 = arith.constant 2 : i32
        %broadcast_in_dim3A_409 = vector.broadcast %broadcast_in_dim3A_408 : i32 to vector<16xi32>
        %broadcast_in_dim3A_410 = arith.constant 3 : i32
        %broadcast_in_dim3A_411 = vector.broadcast %broadcast_in_dim3A_410 : i32 to vector<16xi32>
        %broadcast_in_dim3A_412 = arith.constant 4 : i32
        %broadcast_in_dim3A_413 = vector.broadcast %broadcast_in_dim3A_412 : i32 to vector<16xi32>
        %broadcast_in_dim3A_414 = arith.constant 5 : i32
        %broadcast_in_dim3A_415 = vector.broadcast %broadcast_in_dim3A_414 : i32 to vector<16xi32>
        %gather3A = tpu.vector_load_idx %arg12[%add3A_403, %broadcast_in_dim3A_405] : memref<800x3xf32, #tpu.memory_space<vmem>>[vector<16xi32>, vector<16xi32>], vector<16xf32>,
        %gather3A_416 = tpu.vector_load_idx %arg12[%add3A_403, %broadcast_in_dim3A_407] : memref<800x3xf32, #tpu.memory_space<vmem>>[vector<16xi32>, vector<16xi32>], vector<16xf32>,
        %gather3A_417 = tpu.vector_load_idx %arg12[%add3A_403, %broadcast_in_dim3A_409] : memref<800x3xf32, #tpu.memory_space<vmem>>[vector<16xi32>, vector<16xi32>], vector<16xf32>,
        %mul3A_418 = arith.constant 16 : i32
        %mul3A_419 = arith.muli %scan3A_397, %mul3A_418 : i32
        %get3A = arith.index_cast %mul3A_419 : i32 to index
        %get3A_420 = tpu.vector_load %arg13[%get3A] {strides = array<i32>} : memref<800xf32, #tpu.memory_space<vmem>>, vector<16xf32>,
        %get3A_421 = arith.index_cast %mul3A_419 : i32 to index
        %get3A_422 = tpu.vector_load %arg14[%get3A_421] {strides = array<i32>} : memref<800xf32, #tpu.memory_space<vmem>>, vector<16xf32>,
        %get3A_423 = arith.index_cast %mul3A_419 : i32 to index
        %get3A_424 = tpu.vector_load %arg15[%get3A_423] {strides = array<i32>} : memref<800xf32, #tpu.memory_space<vmem>>, vector<16xf32>,
        %get3A_425 = arith.index_cast %mul3A_419 : i32 to index
        %get3A_426 = tpu.vector_load %arg16[%get3A_425] {strides = array<i32>} : memref<800xf32, #tpu.memory_space<vmem>>, vector<16xf32>,
        %gather3A_427 = tpu.vector_load_idx %arg19[%add3A_403, %broadcast_in_dim3A_405] : memref<800x8xf32, #tpu.memory_space<vmem>>[vector<16xi32>, vector<16xi32>], vector<16xf32>,
        %gather3A_428 = tpu.vector_load_idx %arg19[%add3A_403, %broadcast_in_dim3A_407] : memref<800x8xf32, #tpu.memory_space<vmem>>[vector<16xi32>, vector<16xi32>], vector<16xf32>,
        %gather3A_429 = tpu.vector_load_idx %arg19[%add3A_403, %broadcast_in_dim3A_409] : memref<800x8xf32, #tpu.memory_space<vmem>>[vector<16xi32>, vector<16xi32>], vector<16xf32>,
        %gather3A_430 = tpu.vector_load_idx %arg19[%add3A_403, %broadcast_in_dim3A_411] : memref<800x8xf32, #tpu.memory_space<vmem>>[vector<16xi32>, vector<16xi32>], vector<16xf32>,
        %gather3A_431 = tpu.vector_load_idx %arg19[%add3A_403, %broadcast_in_dim3A_413] : memref<800x8xf32, #tpu.memory_space<vmem>>[vector<16xi32>, vector<16xi32>], vector<16xf32>,
        %gather3A_432 = tpu.vector_load_idx %arg19[%add3A_403, %broadcast_in_dim3A_415] : memref<800x8xf32, #tpu.memory_space<vmem>>[vector<16xi32>, vector<16xi32>], vector<16xf32>,
        %gather3A_433 = tpu.vector_load_idx %arg20[%add3A_403, %broadcast_in_dim3A_405] : memref<800x8xf32, #tpu.memory_space<vmem>>[vector<16xi32>, vector<16xi32>], vector<16xf32>,
        %gather3A_434 = tpu.vector_load_idx %arg20[%add3A_403, %broadcast_in_dim3A_407] : memref<800x8xf32, #tpu.memory_space<vmem>>[vector<16xi32>, vector<16xi32>], vector<16xf32>,
        %gather3A_435 = tpu.vector_load_idx %arg20[%add3A_403, %broadcast_in_dim3A_409] : memref<800x8xf32, #tpu.memory_space<vmem>>[vector<16xi32>, vector<16xi32>], vector<16xf32>,
        %gather3A_436 = tpu.vector_load_idx %arg20[%add3A_403, %broadcast_in_dim3A_411] : memref<800x8xf32, #tpu.memory_space<vmem>>[vector<16xi32>, vector<16xi32>], vector<16xf32>,
        %gather3A_437 = tpu.vector_load_idx %arg20[%add3A_403, %broadcast_in_dim3A_413] : memref<800x8xf32, #tpu.memory_space<vmem>>[vector<16xi32>, vector<16xi32>], vector<16xf32>,
        %gather3A_438 = tpu.vector_load_idx %arg20[%add3A_403, %broadcast_in_dim3A_415] : memref<800x8xf32, #tpu.memory_space<vmem>>[vector<16xi32>, vector<16xi32>], vector<16xf32>,
        %abs3A = math.absf %gather3A_416 : vector<16xf32>
        %gt3A = arith.constant 9.900000e-01 : f32
        %gt3A_439 = vector.broadcast %gt3A : f32 to vector<16xf32>
        %gt3A_440 = arith.cmpf ogt, %abs3A, %gt3A_439 : vector<16xf32>
        %neg3A = arith.constant 0.000000e+00 : f32
        %neg3A_441 = vector.broadcast %neg3A : f32 to vector<16xf32>
        %neg3A_442 = arith.subf %neg3A_441, %gather3A_417 : vector<16xf32>
        %select_n3A = arith.select %gt3A_440, %gather3A_416, %neg3A_442 : vector<16xi1>, vector<16xf32>
        %neg3A_443 = arith.constant 0.000000e+00 : f32
        %neg3A_444 = vector.broadcast %neg3A_443 : f32 to vector<16xf32>
        %neg3A_445 = arith.subf %neg3A_444, %gather3A : vector<16xf32>
        %jit3A = arith.constant 0.000000e+00 : f32
        %broadcast_in_dim3A_446 = vector.broadcast %jit3A : f32 to vector<16xf32>
        %select_n3A_447 = arith.select %gt3A_440, %neg3A_445, %broadcast_in_dim3A_446 : vector<16xi1>, vector<16xf32>
        %jit3A_448 = arith.constant 0.000000e+00 : f32
        %broadcast_in_dim3A_449 = vector.broadcast %jit3A_448 : f32 to vector<16xf32>
        %select_n3A_450 = arith.select %gt3A_440, %broadcast_in_dim3A_449, %gather3A : vector<16xi1>, vector<16xf32>
        %mul3A_451 = arith.mulf %select_n3A, %select_n3A : vector<16xf32>
        %mul3A_452 = arith.mulf %select_n3A_447, %select_n3A_447 : vector<16xf32>
        %add3A_453 = arith.addf %mul3A_451, %mul3A_452 : vector<16xf32>
        %mul3A_454 = arith.mulf %select_n3A_450, %select_n3A_450 : vector<16xf32>
        %add3A_455 = arith.addf %add3A_453, %mul3A_454 : vector<16xf32>
        %max3A = arith.constant 1.000000e-30 : f32
        %max3A_456 = vector.broadcast %max3A : f32 to vector<16xf32>
        %max3A_457 = arith.maximumf %add3A_455, %max3A_456 : vector<16xf32>
        %bitcast3A = vector.bitcast %max3A_457 : vector<16xf32> to vector<16xi32>
        %shift_right_logical3A = arith.constant 1 : i32
        %shift_right_logical3A_458 = vector.broadcast %shift_right_logical3A : i32 to vector<16xi32>
        %shift_right_logical3A_459 = arith.shrui %bitcast3A, %shift_right_logical3A_458 : vector<16xi32>
        %sub3A = arith.constant 1597463007 : i32
        %sub3A_460 = vector.broadcast %sub3A : i32 to vector<16xi32>
        %sub3A_461 = arith.subi %sub3A_460, %shift_right_logical3A_459 : vector<16xi32>
        %bitcast3A_462 = vector.bitcast %sub3A_461 : vector<16xi32> to vector<16xf32>
        %mul3A_463 = arith.constant 5.000000e-01 : f32
        %mul3A_464 = vector.broadcast %mul3A_463 : f32 to vector<16xf32>
        %mul3A_465 = arith.mulf %mul3A_464, %max3A_457 : vector<16xf32>
        %mul3A_466 = arith.mulf %mul3A_465, %bitcast3A_462 : vector<16xf32>
        %mul3A_467 = arith.mulf %mul3A_466, %bitcast3A_462 : vector<16xf32>
        %sub3A_468 = arith.constant 1.500000e+00 : f32
        %sub3A_469 = vector.broadcast %sub3A_468 : f32 to vector<16xf32>
        %sub3A_470 = arith.subf %sub3A_469, %mul3A_467 : vector<16xf32>
        %mul3A_471 = arith.mulf %bitcast3A_462, %sub3A_470 : vector<16xf32>
        %mul3A_472 = arith.constant 5.000000e-01 : f32
        %mul3A_473 = vector.broadcast %mul3A_472 : f32 to vector<16xf32>
        %mul3A_474 = arith.mulf %mul3A_473, %max3A_457 : vector<16xf32>
        %mul3A_475 = arith.mulf %mul3A_474, %mul3A_471 : vector<16xf32>
        %mul3A_476 = arith.mulf %mul3A_475, %mul3A_471 : vector<16xf32>
        %sub3A_477 = arith.constant 1.500000e+00 : f32
        %sub3A_478 = vector.broadcast %sub3A_477 : f32 to vector<16xf32>
        %sub3A_479 = arith.subf %sub3A_478, %mul3A_476 : vector<16xf32>
        %mul3A_480 = arith.mulf %mul3A_471, %sub3A_479 : vector<16xf32>
        %mul3A_481 = arith.constant 5.000000e-01 : f32
        %mul3A_482 = vector.broadcast %mul3A_481 : f32 to vector<16xf32>
        %mul3A_483 = arith.mulf %mul3A_482, %max3A_457 : vector<16xf32>
        %mul3A_484 = arith.mulf %mul3A_483, %mul3A_480 : vector<16xf32>
        %mul3A_485 = arith.mulf %mul3A_484, %mul3A_480 : vector<16xf32>
        %sub3A_486 = arith.constant 1.500000e+00 : f32
        %sub3A_487 = vector.broadcast %sub3A_486 : f32 to vector<16xf32>
        %sub3A_488 = arith.subf %sub3A_487, %mul3A_485 : vector<16xf32>
        %mul3A_489 = arith.mulf %mul3A_480, %sub3A_488 : vector<16xf32>
        %mul3A_490 = arith.mulf %max3A_457, %mul3A_489 : vector<16xf32>
        %max3A_491 = arith.constant 9.99999993E-9 : f32
        %max3A_492 = vector.broadcast %max3A_491 : f32 to vector<16xf32>
        %max3A_493 = arith.maximumf %mul3A_490, %max3A_492 : vector<16xf32>
        %div3A = arith.constant 1.000000e+00 : f32
        %div3A_494 = vector.broadcast %div3A : f32 to vector<16xf32>
        %div3A_495 = arith.divf %div3A_494, %max3A_493 : vector<16xf32>
        %mul3A_496 = arith.mulf %select_n3A, %div3A_495 : vector<16xf32>
        %mul3A_497 = arith.mulf %select_n3A_447, %div3A_495 : vector<16xf32>
        %mul3A_498 = arith.mulf %select_n3A_450, %div3A_495 : vector<16xf32>
        %mul3A_499 = arith.mulf %mul3A_497, %gather3A_417 : vector<16xf32>
        %mul3A_500 = arith.mulf %mul3A_498, %gather3A_416 : vector<16xf32>
        %sub3A_501 = arith.subf %mul3A_499, %mul3A_500 : vector<16xf32>
        %mul3A_502 = arith.mulf %mul3A_498, %gather3A : vector<16xf32>
        %mul3A_503 = arith.mulf %mul3A_496, %gather3A_417 : vector<16xf32>
        %sub3A_504 = arith.subf %mul3A_502, %mul3A_503 : vector<16xf32>
        %mul3A_505 = arith.mulf %mul3A_496, %gather3A_416 : vector<16xf32>
        %mul3A_506 = arith.mulf %mul3A_497, %gather3A : vector<16xf32>
        %sub3A_507 = arith.subf %mul3A_505, %mul3A_506 : vector<16xf32>
        %mul3A_508 = arith.mulf %sub3A_501, %sub3A_501 : vector<16xf32>
        %mul3A_509 = arith.mulf %sub3A_504, %sub3A_504 : vector<16xf32>
        %add3A_510 = arith.addf %mul3A_508, %mul3A_509 : vector<16xf32>
        %mul3A_511 = arith.mulf %sub3A_507, %sub3A_507 : vector<16xf32>
        %add3A_512 = arith.addf %add3A_510, %mul3A_511 : vector<16xf32>
        %max3A_513 = arith.constant 1.000000e-30 : f32
        %max3A_514 = vector.broadcast %max3A_513 : f32 to vector<16xf32>
        %max3A_515 = arith.maximumf %add3A_512, %max3A_514 : vector<16xf32>
        %bitcast3A_516 = vector.bitcast %max3A_515 : vector<16xf32> to vector<16xi32>
        %shift_right_logical3A_517 = arith.constant 1 : i32
        %shift_right_logical3A_518 = vector.broadcast %shift_right_logical3A_517 : i32 to vector<16xi32>
        %shift_right_logical3A_519 = arith.shrui %bitcast3A_516, %shift_right_logical3A_518 : vector<16xi32>
        %sub3A_520 = arith.constant 1597463007 : i32
        %sub3A_521 = vector.broadcast %sub3A_520 : i32 to vector<16xi32>
        %sub3A_522 = arith.subi %sub3A_521, %shift_right_logical3A_519 : vector<16xi32>
        %bitcast3A_523 = vector.bitcast %sub3A_522 : vector<16xi32> to vector<16xf32>
        %mul3A_524 = arith.constant 5.000000e-01 : f32
        %mul3A_525 = vector.broadcast %mul3A_524 : f32 to vector<16xf32>
        %mul3A_526 = arith.mulf %mul3A_525, %max3A_515 : vector<16xf32>
        %mul3A_527 = arith.mulf %mul3A_526, %bitcast3A_523 : vector<16xf32>
        %mul3A_528 = arith.mulf %mul3A_527, %bitcast3A_523 : vector<16xf32>
        %sub3A_529 = arith.constant 1.500000e+00 : f32
        %sub3A_530 = vector.broadcast %sub3A_529 : f32 to vector<16xf32>
        %sub3A_531 = arith.subf %sub3A_530, %mul3A_528 : vector<16xf32>
        %mul3A_532 = arith.mulf %bitcast3A_523, %sub3A_531 : vector<16xf32>
        %mul3A_533 = arith.constant 5.000000e-01 : f32
        %mul3A_534 = vector.broadcast %mul3A_533 : f32 to vector<16xf32>
        %mul3A_535 = arith.mulf %mul3A_534, %max3A_515 : vector<16xf32>
        %mul3A_536 = arith.mulf %mul3A_535, %mul3A_532 : vector<16xf32>
        %mul3A_537 = arith.mulf %mul3A_536, %mul3A_532 : vector<16xf32>
        %sub3A_538 = arith.constant 1.500000e+00 : f32
        %sub3A_539 = vector.broadcast %sub3A_538 : f32 to vector<16xf32>
        %sub3A_540 = arith.subf %sub3A_539, %mul3A_537 : vector<16xf32>
        %mul3A_541 = arith.mulf %mul3A_532, %sub3A_540 : vector<16xf32>
        %mul3A_542 = arith.constant 5.000000e-01 : f32
        %mul3A_543 = vector.broadcast %mul3A_542 : f32 to vector<16xf32>
        %mul3A_544 = arith.mulf %mul3A_543, %max3A_515 : vector<16xf32>
        %mul3A_545 = arith.mulf %mul3A_544, %mul3A_541 : vector<16xf32>
        %mul3A_546 = arith.mulf %mul3A_545, %mul3A_541 : vector<16xf32>
        %sub3A_547 = arith.constant 1.500000e+00 : f32
        %sub3A_548 = vector.broadcast %sub3A_547 : f32 to vector<16xf32>
        %sub3A_549 = arith.subf %sub3A_548, %mul3A_546 : vector<16xf32>
        %mul3A_550 = arith.mulf %mul3A_541, %sub3A_549 : vector<16xf32>
        %mul3A_551 = arith.mulf %max3A_515, %mul3A_550 : vector<16xf32>
        %max3A_552 = arith.constant 9.99999993E-9 : f32
        %max3A_553 = vector.broadcast %max3A_552 : f32 to vector<16xf32>
        %max3A_554 = arith.maximumf %mul3A_551, %max3A_553 : vector<16xf32>
        %div3A_555 = arith.constant 1.000000e+00 : f32
        %div3A_556 = vector.broadcast %div3A_555 : f32 to vector<16xf32>
        %div3A_557 = arith.divf %div3A_556, %max3A_554 : vector<16xf32>
        %mul3A_558 = arith.mulf %sub3A_501, %div3A_557 : vector<16xf32>
        %mul3A_559 = arith.mulf %sub3A_504, %div3A_557 : vector<16xf32>
        %mul3A_560 = arith.mulf %sub3A_507, %div3A_557 : vector<16xf32>
        %sub3A_561 = arith.subf %gather3A_433, %gather3A_427 : vector<16xf32>
        %sub3A_562 = arith.subf %gather3A_434, %gather3A_428 : vector<16xf32>
        %sub3A_563 = arith.subf %gather3A_435, %gather3A_429 : vector<16xf32>
        %div3A_564 = arith.constant 1.000000e+00 : f32
        %div3A_565 = vector.broadcast %div3A_564 : f32 to vector<16xf32>
        %div3A_566 = arith.divf %div3A_565, %get3A_420 : vector<16xf32>
        %mul3A_567 = arith.mulf %get3A_422, %get3A_424 : vector<16xf32>
        %mul3A_568 = arith.mulf %get3A_422, %get3A_426 : vector<16xf32>
        %mul3A_569 = arith.mulf %sub3A_561, %gather3A : vector<16xf32>
        %mul3A_570 = arith.mulf %sub3A_562, %gather3A_416 : vector<16xf32>
        %add3A_571 = arith.addf %mul3A_569, %mul3A_570 : vector<16xf32>
        %mul3A_572 = arith.mulf %sub3A_563, %gather3A_417 : vector<16xf32>
        %add3A_573 = arith.addf %add3A_571, %mul3A_572 : vector<16xf32>
        %mul3A_574 = arith.mulf %mul3A_567, %div3A_566 : vector<16xf32>
        %mul3A_575 = arith.mulf %mul3A_574, %add3A_573 : vector<16xf32>
        %mul3A_576 = arith.mulf %div3A_566, %div3A_566 : vector<16xf32>
        %mul3A_577 = arith.constant 1.200000e+01 : f32
        %mul3A_578 = vector.broadcast %mul3A_577 : f32 to vector<16xf32>
        %mul3A_579 = arith.mulf %mul3A_578, %mul3A_568 : vector<16xf32>
        %mul3A_580 = arith.mulf %mul3A_579, %mul3A_576 : vector<16xf32>
        %mul3A_581 = arith.mulf %mul3A_580, %div3A_566 : vector<16xf32>
        %mul3A_582 = arith.constant 6.000000e+00 : f32
        %mul3A_583 = vector.broadcast %mul3A_582 : f32 to vector<16xf32>
        %mul3A_584 = arith.mulf %mul3A_583, %mul3A_568 : vector<16xf32>
        %mul3A_585 = arith.mulf %mul3A_584, %mul3A_576 : vector<16xf32>
        %mul3A_586 = arith.mulf %mul3A_568, %div3A_566 : vector<16xf32>
        %mul3A_587 = arith.mulf %sub3A_561, %mul3A_496 : vector<16xf32>
        %mul3A_588 = arith.mulf %sub3A_562, %mul3A_497 : vector<16xf32>
        %add3A_589 = arith.addf %mul3A_587, %mul3A_588 : vector<16xf32>
        %mul3A_590 = arith.mulf %sub3A_563, %mul3A_498 : vector<16xf32>
        %add3A_591 = arith.addf %add3A_589, %mul3A_590 : vector<16xf32>
        %mul3A_592 = arith.mulf %gather3A_430, %mul3A_558 : vector<16xf32>
        %mul3A_593 = arith.mulf %gather3A_431, %mul3A_559 : vector<16xf32>
        %add3A_594 = arith.addf %mul3A_592, %mul3A_593 : vector<16xf32>
        %mul3A_595 = arith.mulf %gather3A_432, %mul3A_560 : vector<16xf32>
        %add3A_596 = arith.addf %add3A_594, %mul3A_595 : vector<16xf32>
        %mul3A_597 = arith.mulf %gather3A_436, %mul3A_558 : vector<16xf32>
        %mul3A_598 = arith.mulf %gather3A_437, %mul3A_559 : vector<16xf32>
        %add3A_599 = arith.addf %mul3A_597, %mul3A_598 : vector<16xf32>
        %mul3A_600 = arith.mulf %gather3A_438, %mul3A_560 : vector<16xf32>
        %add3A_601 = arith.addf %add3A_599, %mul3A_600 : vector<16xf32>
        %mul3A_602 = arith.mulf %mul3A_581, %add3A_591 : vector<16xf32>
        %add3A_603 = arith.addf %add3A_596, %add3A_601 : vector<16xf32>
        %mul3A_604 = arith.mulf %mul3A_585, %add3A_603 : vector<16xf32>
        %add3A_605 = arith.addf %mul3A_602, %mul3A_604 : vector<16xf32>
        %mul3A_606 = arith.mulf %mul3A_585, %add3A_591 : vector<16xf32>
        %mul3A_607 = arith.constant 2.000000e+00 : f32
        %mul3A_608 = vector.broadcast %mul3A_607 : f32 to vector<16xf32>
        %mul3A_609 = arith.mulf %mul3A_608, %add3A_596 : vector<16xf32>
        %add3A_610 = arith.addf %mul3A_609, %add3A_601 : vector<16xf32>
        %mul3A_611 = arith.mulf %mul3A_586, %add3A_610 : vector<16xf32>
        %add3A_612 = arith.addf %mul3A_606, %mul3A_611 : vector<16xf32>
        %mul3A_613 = arith.mulf %mul3A_585, %add3A_591 : vector<16xf32>
        %mul3A_614 = arith.constant 2.000000e+00 : f32
        %mul3A_615 = vector.broadcast %mul3A_614 : f32 to vector<16xf32>
        %mul3A_616 = arith.mulf %mul3A_615, %add3A_601 : vector<16xf32>
        %add3A_617 = arith.addf %add3A_596, %mul3A_616 : vector<16xf32>
        %mul3A_618 = arith.mulf %mul3A_586, %add3A_617 : vector<16xf32>
        %add3A_619 = arith.addf %mul3A_613, %mul3A_618 : vector<16xf32>
        %mul3A_620 = arith.mulf %sub3A_561, %mul3A_558 : vector<16xf32>
        %mul3A_621 = arith.mulf %sub3A_562, %mul3A_559 : vector<16xf32>
        %add3A_622 = arith.addf %mul3A_620, %mul3A_621 : vector<16xf32>
        %mul3A_623 = arith.mulf %sub3A_563, %mul3A_560 : vector<16xf32>
        %add3A_624 = arith.addf %add3A_622, %mul3A_623 : vector<16xf32>
        %mul3A_625 = arith.mulf %gather3A_430, %mul3A_496 : vector<16xf32>
        %mul3A_626 = arith.mulf %gather3A_431, %mul3A_497 : vector<16xf32>
        %add3A_627 = arith.addf %mul3A_625, %mul3A_626 : vector<16xf32>
        %mul3A_628 = arith.mulf %gather3A_432, %mul3A_498 : vector<16xf32>
        %add3A_629 = arith.addf %add3A_627, %mul3A_628 : vector<16xf32>
        %mul3A_630 = arith.mulf %gather3A_436, %mul3A_496 : vector<16xf32>
        %mul3A_631 = arith.mulf %gather3A_437, %mul3A_497 : vector<16xf32>
        %add3A_632 = arith.addf %mul3A_630, %mul3A_631 : vector<16xf32>
        %mul3A_633 = arith.mulf %gather3A_438, %mul3A_498 : vector<16xf32>
        %add3A_634 = arith.addf %add3A_632, %mul3A_633 : vector<16xf32>
        %mul3A_635 = arith.mulf %mul3A_581, %add3A_624 : vector<16xf32>
        %add3A_636 = arith.addf %add3A_629, %add3A_634 : vector<16xf32>
        %mul3A_637 = arith.mulf %mul3A_585, %add3A_636 : vector<16xf32>
        %add3A_638 = arith.addf %mul3A_635, %mul3A_637 : vector<16xf32>
        %mul3A_639 = arith.mulf %mul3A_585, %add3A_624 : vector<16xf32>
        %mul3A_640 = arith.constant 2.000000e+00 : f32
        %mul3A_641 = vector.broadcast %mul3A_640 : f32 to vector<16xf32>
        %mul3A_642 = arith.mulf %mul3A_641, %add3A_629 : vector<16xf32>
        %add3A_643 = arith.addf %mul3A_642, %add3A_634 : vector<16xf32>
        %mul3A_644 = arith.mulf %mul3A_586, %add3A_643 : vector<16xf32>
        %add3A_645 = arith.addf %mul3A_639, %mul3A_644 : vector<16xf32>
        %mul3A_646 = arith.mulf %mul3A_585, %add3A_624 : vector<16xf32>
        %mul3A_647 = arith.constant 2.000000e+00 : f32
        %mul3A_648 = vector.broadcast %mul3A_647 : f32 to vector<16xf32>
        %mul3A_649 = arith.mulf %mul3A_648, %add3A_634 : vector<16xf32>
        %add3A_650 = arith.addf %add3A_629, %mul3A_649 : vector<16xf32>
        %mul3A_651 = arith.mulf %mul3A_586, %add3A_650 : vector<16xf32>
        %add3A_652 = arith.addf %mul3A_646, %mul3A_651 : vector<16xf32>
        %mul3A_653 = arith.mulf %mul3A_575, %gather3A : vector<16xf32>
        %mul3A_654 = arith.mulf %add3A_605, %mul3A_496 : vector<16xf32>
        %add3A_655 = arith.addf %mul3A_653, %mul3A_654 : vector<16xf32>
        %mul3A_656 = arith.mulf %add3A_638, %mul3A_558 : vector<16xf32>
        %add3A_657 = arith.addf %add3A_655, %mul3A_656 : vector<16xf32>
        %mul3A_658 = arith.mulf %mul3A_575, %gather3A_416 : vector<16xf32>
        %mul3A_659 = arith.mulf %add3A_605, %mul3A_497 : vector<16xf32>
        %add3A_660 = arith.addf %mul3A_658, %mul3A_659 : vector<16xf32>
        %mul3A_661 = arith.mulf %add3A_638, %mul3A_559 : vector<16xf32>
        %add3A_662 = arith.addf %add3A_660, %mul3A_661 : vector<16xf32>
        %mul3A_663 = arith.mulf %mul3A_575, %gather3A_417 : vector<16xf32>
        %mul3A_664 = arith.mulf %add3A_605, %mul3A_498 : vector<16xf32>
        %add3A_665 = arith.addf %mul3A_663, %mul3A_664 : vector<16xf32>
        %mul3A_666 = arith.mulf %add3A_638, %mul3A_560 : vector<16xf32>
        %add3A_667 = arith.addf %add3A_665, %mul3A_666 : vector<16xf32>
        %mul3A_668 = arith.mulf %add3A_612, %mul3A_558 : vector<16xf32>
        %mul3A_669 = arith.mulf %add3A_645, %mul3A_496 : vector<16xf32>
        %add3A_670 = arith.addf %mul3A_668, %mul3A_669 : vector<16xf32>
        %mul3A_671 = arith.mulf %add3A_612, %mul3A_559 : vector<16xf32>
        %mul3A_672 = arith.mulf %add3A_645, %mul3A_497 : vector<16xf32>
        %add3A_673 = arith.addf %mul3A_671, %mul3A_672 : vector<16xf32>
        %mul3A_674 = arith.mulf %add3A_612, %mul3A_560 : vector<16xf32>
        %mul3A_675 = arith.mulf %add3A_645, %mul3A_498 : vector<16xf32>
        %add3A_676 = arith.addf %mul3A_674, %mul3A_675 : vector<16xf32>
        %mul3A_677 = arith.mulf %add3A_619, %mul3A_558 : vector<16xf32>
        %mul3A_678 = arith.mulf %add3A_652, %mul3A_496 : vector<16xf32>
        %add3A_679 = arith.addf %mul3A_677, %mul3A_678 : vector<16xf32>
        %mul3A_680 = arith.mulf %add3A_619, %mul3A_559 : vector<16xf32>
        %mul3A_681 = arith.mulf %add3A_652, %mul3A_497 : vector<16xf32>
        %add3A_682 = arith.addf %mul3A_680, %mul3A_681 : vector<16xf32>
        %mul3A_683 = arith.mulf %add3A_619, %mul3A_560 : vector<16xf32>
        %mul3A_684 = arith.mulf %add3A_652, %mul3A_498 : vector<16xf32>
        %add3A_685 = arith.addf %mul3A_683, %mul3A_684 : vector<16xf32>
        tpu.vector_store_idx %arg21[%add3A_403, %broadcast_in_dim3A_405], %add3A_657 : memref<800x8xf32, #tpu.memory_space<vmem>>[vector<16xi32>, vector<16xi32>], vector<16xf32>,
        tpu.vector_store_idx %arg21[%add3A_403, %broadcast_in_dim3A_407], %add3A_662 : memref<800x8xf32, #tpu.memory_space<vmem>>[vector<16xi32>, vector<16xi32>], vector<16xf32>,
        tpu.vector_store_idx %arg21[%add3A_403, %broadcast_in_dim3A_409], %add3A_667 : memref<800x8xf32, #tpu.memory_space<vmem>>[vector<16xi32>, vector<16xi32>], vector<16xf32>,
        tpu.vector_store_idx %arg21[%add3A_403, %broadcast_in_dim3A_411], %add3A_670 : memref<800x8xf32, #tpu.memory_space<vmem>>[vector<16xi32>, vector<16xi32>], vector<16xf32>,
        tpu.vector_store_idx %arg21[%add3A_403, %broadcast_in_dim3A_413], %add3A_673 : memref<800x8xf32, #tpu.memory_space<vmem>>[vector<16xi32>, vector<16xi32>], vector<16xf32>,
        tpu.vector_store_idx %arg21[%add3A_403, %broadcast_in_dim3A_415], %add3A_676 : memref<800x8xf32, #tpu.memory_space<vmem>>[vector<16xi32>, vector<16xi32>], vector<16xf32>,
        %neg3A_686 = arith.constant 0.000000e+00 : f32
        %neg3A_687 = vector.broadcast %neg3A_686 : f32 to vector<16xf32>
        %neg3A_688 = arith.subf %neg3A_687, %add3A_657 : vector<16xf32>
        tpu.vector_store_idx %arg22[%add3A_403, %broadcast_in_dim3A_405], %neg3A_688 : memref<800x8xf32, #tpu.memory_space<vmem>>[vector<16xi32>, vector<16xi32>], vector<16xf32>,
        %neg3A_689 = arith.constant 0.000000e+00 : f32
        %neg3A_690 = vector.broadcast %neg3A_689 : f32 to vector<16xf32>
        %neg3A_691 = arith.subf %neg3A_690, %add3A_662 : vector<16xf32>
        tpu.vector_store_idx %arg22[%add3A_403, %broadcast_in_dim3A_407], %neg3A_691 : memref<800x8xf32, #tpu.memory_space<vmem>>[vector<16xi32>, vector<16xi32>], vector<16xf32>,
        %neg3A_692 = arith.constant 0.000000e+00 : f32
        %neg3A_693 = vector.broadcast %neg3A_692 : f32 to vector<16xf32>
        %neg3A_694 = arith.subf %neg3A_693, %add3A_667 : vector<16xf32>
        tpu.vector_store_idx %arg22[%add3A_403, %broadcast_in_dim3A_409], %neg3A_694 : memref<800x8xf32, #tpu.memory_space<vmem>>[vector<16xi32>, vector<16xi32>], vector<16xf32>,
        tpu.vector_store_idx %arg22[%add3A_403, %broadcast_in_dim3A_411], %add3A_679 : memref<800x8xf32, #tpu.memory_space<vmem>>[vector<16xi32>, vector<16xi32>], vector<16xf32>,
        tpu.vector_store_idx %arg22[%add3A_403, %broadcast_in_dim3A_413], %add3A_682 : memref<800x8xf32, #tpu.memory_space<vmem>>[vector<16xi32>, vector<16xi32>], vector<16xf32>,
        tpu.vector_store_idx %arg22[%add3A_403, %broadcast_in_dim3A_415], %add3A_685 : memref<800x8xf32, #tpu.memory_space<vmem>>[vector<16xi32>, vector<16xi32>], vector<16xf32>,
        %add3A_695 = arith.addf %scan3A_398, %mul3A_567 : vector<16xf32>
        %add3A_696 = arith.addf %scan3A_399, %mul3A_586 : vector<16xf32>
        scf.yield %add3A_695, %add3A_696 : vector<16xf32>, vector<16xf32>
      }
      %scan3A_381 = arith.constant 50 : i32
      %run_scoped3A = arith.constant 0 : i32
      "tpu.region"() ({
        %run_scoped3A_397 = tpu.sem_alloc : memref<!tpu.dma_semaphore, #tpu.memory_space<semaphore_mem>>
        %dma_start3A_398 = arith.constant 0 : i32
        %dma_start3A_399 = arith.constant 0 : i32
        %dma_start3A_400 = tpu.memref_slice %arg21[%dma_start3A_398, %dma_start3A_399] : memref<800x8xf32, #tpu.memory_space<vmem>> -> memref<100x8xf32, #tpu.memory_space<vmem>>
        %dma_start3A_401 = arith.constant 0 : i32
        %dma_start3A_402 = tpu.memref_slice %arg17[%run_scoped3A, %dma_start3A_401] : memref<8x100xi32, #tpu.memory_space<vmem>> -> memref<1x100xi32, #tpu.memory_space<vmem>>
        %dma_start3A_403 = tpu.memref_squeeze %dma_start3A_402 : memref<1x100xi32, #tpu.memory_space<vmem>> -> memref<100xi32, #tpu.memory_space<vmem>>
        %dma_start3A_404 = arith.constant 0 : i32
        %dma_start3A_405 = arith.constant 0 : i32
        %dma_start3A_406 = tpu.memref_slice %arg25[%dma_start3A_404, %dma_start3A_405] : memref<100000x8xf32, #tpu.memory_space<vmem_shared>> -> memref<100000x8xf32, #tpu.memory_space<vmem_shared>>
        tpu.enqueue_indirect_dma source(%dma_start3A_400 : memref<100x8xf32, #tpu.memory_space<vmem>>) target(%dma_start3A_406 : memref<100000x8xf32, #tpu.memory_space<vmem_shared>>) offsets(%dma_start3A_403 : memref<100xi32, #tpu.memory_space<vmem>>) semaphore(%run_scoped3A_397 : memref<!tpu.dma_semaphore, #tpu.memory_space<semaphore_mem>>) {add = true}
        %dma_wait3A_407 = arith.constant 0 : i32
        %dma_wait3A_408 = arith.constant 0 : i32
        %dma_wait3A_409 = tpu.memref_slice %arg21[%dma_wait3A_407, %dma_wait3A_408] : memref<800x8xf32, #tpu.memory_space<vmem>> -> memref<100x8xf32, #tpu.memory_space<vmem>>
        %dma_wait3A_410 = arith.constant 0 : i32
        %dma_wait3A_411 = tpu.memref_slice %arg17[%run_scoped3A, %dma_wait3A_410] : memref<8x100xi32, #tpu.memory_space<vmem>> -> memref<1x100xi32, #tpu.memory_space<vmem>>
        %dma_wait3A_412 = tpu.memref_squeeze %dma_wait3A_411 : memref<1x100xi32, #tpu.memory_space<vmem>> -> memref<100xi32, #tpu.memory_space<vmem>>
        %dma_wait3A_413 = arith.constant 0 : i32
        %dma_wait3A_414 = arith.constant 0 : i32
        %dma_wait3A_415 = tpu.memref_slice %arg25[%dma_wait3A_413, %dma_wait3A_414] : memref<100000x8xf32, #tpu.memory_space<vmem_shared>> -> memref<100000x8xf32, #tpu.memory_space<vmem_shared>>
        tpu.wait_indirect_dma semaphore(%run_scoped3A_397 : memref<!tpu.dma_semaphore, #tpu.memory_space<semaphore_mem>>) src(%dma_wait3A_409 : memref<100x8xf32, #tpu.memory_space<vmem>>) dst(%dma_wait3A_415 : memref<100000x8xf32, #tpu.memory_space<vmem_shared>>)
        tpu.yield
      }) : () -> ()
      %run_scoped3A_382 = arith.constant 0 : i32
      "tpu.region"() ({
        %run_scoped3A_397 = tpu.sem_alloc : memref<!tpu.dma_semaphore, #tpu.memory_space<semaphore_mem>>
        %dma_start3A_398 = arith.constant 0 : i32
        %dma_start3A_399 = arith.constant 0 : i32
        %dma_start3A_400 = tpu.memref_slice %arg22[%dma_start3A_398, %dma_start3A_399] : memref<800x8xf32, #tpu.memory_space<vmem>> -> memref<100x8xf32, #tpu.memory_space<vmem>>
        %dma_start3A_401 = arith.constant 0 : i32
        %dma_start3A_402 = tpu.memref_slice %arg18[%run_scoped3A_382, %dma_start3A_401] : memref<8x100xi32, #tpu.memory_space<vmem>> -> memref<1x100xi32, #tpu.memory_space<vmem>>
        %dma_start3A_403 = tpu.memref_squeeze %dma_start3A_402 : memref<1x100xi32, #tpu.memory_space<vmem>> -> memref<100xi32, #tpu.memory_space<vmem>>
        %dma_start3A_404 = arith.constant 0 : i32
        %dma_start3A_405 = arith.constant 0 : i32
        %dma_start3A_406 = tpu.memref_slice %arg25[%dma_start3A_404, %dma_start3A_405] : memref<100000x8xf32, #tpu.memory_space<vmem_shared>> -> memref<100000x8xf32, #tpu.memory_space<vmem_shared>>
        tpu.enqueue_indirect_dma source(%dma_start3A_400 : memref<100x8xf32, #tpu.memory_space<vmem>>) target(%dma_start3A_406 : memref<100000x8xf32, #tpu.memory_space<vmem_shared>>) offsets(%dma_start3A_403 : memref<100xi32, #tpu.memory_space<vmem>>) semaphore(%run_scoped3A_397 : memref<!tpu.dma_semaphore, #tpu.memory_space<semaphore_mem>>) {add = true}
        %dma_wait3A_407 = arith.constant 0 : i32
        %dma_wait3A_408 = arith.constant 0 : i32
        %dma_wait3A_409 = tpu.memref_slice %arg22[%dma_wait3A_407, %dma_wait3A_408] : memref<800x8xf32, #tpu.memory_space<vmem>> -> memref<100x8xf32, #tpu.memory_space<vmem>>
        %dma_wait3A_410 = arith.constant 0 : i32
        %dma_wait3A_411 = tpu.memref_slice %arg18[%run_scoped3A_382, %dma_wait3A_410] : memref<8x100xi32, #tpu.memory_space<vmem>> -> memref<1x100xi32, #tpu.memory_space<vmem>>
        %dma_wait3A_412 = tpu.memref_squeeze %dma_wait3A_411 : memref<1x100xi32, #tpu.memory_space<vmem>> -> memref<100xi32, #tpu.memory_space<vmem>>
        %dma_wait3A_413 = arith.constant 0 : i32
        %dma_wait3A_414 = arith.constant 0 : i32
        %dma_wait3A_415 = tpu.memref_slice %arg25[%dma_wait3A_413, %dma_wait3A_414] : memref<100000x8xf32, #tpu.memory_space<vmem_shared>> -> memref<100000x8xf32, #tpu.memory_space<vmem_shared>>
        tpu.wait_indirect_dma semaphore(%run_scoped3A_397 : memref<!tpu.dma_semaphore, #tpu.memory_space<semaphore_mem>>) src(%dma_wait3A_409 : memref<100x8xf32, #tpu.memory_space<vmem>>) dst(%dma_wait3A_415 : memref<100000x8xf32, #tpu.memory_space<vmem_shared>>)
        tpu.yield
      }) : () -> ()
      %run_scoped3A_383 = arith.constant 1 : i32
      "tpu.region"() ({
        %run_scoped3A_397 = tpu.sem_alloc : memref<!tpu.dma_semaphore, #tpu.memory_space<semaphore_mem>>
        %dma_start3A_398 = arith.constant 100 : i32
        %dma_start3A_399 = arith.constant 0 : i32
        %dma_start3A_400 = tpu.memref_slice %arg21[%dma_start3A_398, %dma_start3A_399] : memref<800x8xf32, #tpu.memory_space<vmem>> -> memref<100x8xf32, #tpu.memory_space<vmem>>
        %dma_start3A_401 = arith.constant 0 : i32
        %dma_start3A_402 = tpu.memref_slice %arg17[%run_scoped3A_383, %dma_start3A_401] : memref<8x100xi32, #tpu.memory_space<vmem>> -> memref<1x100xi32, #tpu.memory_space<vmem>>
        %dma_start3A_403 = tpu.memref_squeeze %dma_start3A_402 : memref<1x100xi32, #tpu.memory_space<vmem>> -> memref<100xi32, #tpu.memory_space<vmem>>
        %dma_start3A_404 = arith.constant 0 : i32
        %dma_start3A_405 = arith.constant 0 : i32
        %dma_start3A_406 = tpu.memref_slice %arg25[%dma_start3A_404, %dma_start3A_405] : memref<100000x8xf32, #tpu.memory_space<vmem_shared>> -> memref<100000x8xf32, #tpu.memory_space<vmem_shared>>
        tpu.enqueue_indirect_dma source(%dma_start3A_400 : memref<100x8xf32, #tpu.memory_space<vmem>>) target(%dma_start3A_406 : memref<100000x8xf32, #tpu.memory_space<vmem_shared>>) offsets(%dma_start3A_403 : memref<100xi32, #tpu.memory_space<vmem>>) semaphore(%run_scoped3A_397 : memref<!tpu.dma_semaphore, #tpu.memory_space<semaphore_mem>>) {add = true}
        %dma_wait3A_407 = arith.constant 100 : i32
        %dma_wait3A_408 = arith.constant 0 : i32
        %dma_wait3A_409 = tpu.memref_slice %arg21[%dma_wait3A_407, %dma_wait3A_408] : memref<800x8xf32, #tpu.memory_space<vmem>> -> memref<100x8xf32, #tpu.memory_space<vmem>>
        %dma_wait3A_410 = arith.constant 0 : i32
        %dma_wait3A_411 = tpu.memref_slice %arg17[%run_scoped3A_383, %dma_wait3A_410] : memref<8x100xi32, #tpu.memory_space<vmem>> -> memref<1x100xi32, #tpu.memory_space<vmem>>
        %dma_wait3A_412 = tpu.memref_squeeze %dma_wait3A_411 : memref<1x100xi32, #tpu.memory_space<vmem>> -> memref<100xi32, #tpu.memory_space<vmem>>
        %dma_wait3A_413 = arith.constant 0 : i32
        %dma_wait3A_414 = arith.constant 0 : i32
        %dma_wait3A_415 = tpu.memref_slice %arg25[%dma_wait3A_413, %dma_wait3A_414] : memref<100000x8xf32, #tpu.memory_space<vmem_shared>> -> memref<100000x8xf32, #tpu.memory_space<vmem_shared>>
        tpu.wait_indirect_dma semaphore(%run_scoped3A_397 : memref<!tpu.dma_semaphore, #tpu.memory_space<semaphore_mem>>) src(%dma_wait3A_409 : memref<100x8xf32, #tpu.memory_space<vmem>>) dst(%dma_wait3A_415 : memref<100000x8xf32, #tpu.memory_space<vmem_shared>>)
        tpu.yield
      }) : () -> ()
      %run_scoped3A_384 = arith.constant 1 : i32
      "tpu.region"() ({
        %run_scoped3A_397 = tpu.sem_alloc : memref<!tpu.dma_semaphore, #tpu.memory_space<semaphore_mem>>
        %dma_start3A_398 = arith.constant 100 : i32
        %dma_start3A_399 = arith.constant 0 : i32
        %dma_start3A_400 = tpu.memref_slice %arg22[%dma_start3A_398, %dma_start3A_399] : memref<800x8xf32, #tpu.memory_space<vmem>> -> memref<100x8xf32, #tpu.memory_space<vmem>>
        %dma_start3A_401 = arith.constant 0 : i32
        %dma_start3A_402 = tpu.memref_slice %arg18[%run_scoped3A_384, %dma_start3A_401] : memref<8x100xi32, #tpu.memory_space<vmem>> -> memref<1x100xi32, #tpu.memory_space<vmem>>
        %dma_start3A_403 = tpu.memref_squeeze %dma_start3A_402 : memref<1x100xi32, #tpu.memory_space<vmem>> -> memref<100xi32, #tpu.memory_space<vmem>>
        %dma_start3A_404 = arith.constant 0 : i32
        %dma_start3A_405 = arith.constant 0 : i32
        %dma_start3A_406 = tpu.memref_slice %arg25[%dma_start3A_404, %dma_start3A_405] : memref<100000x8xf32, #tpu.memory_space<vmem_shared>> -> memref<100000x8xf32, #tpu.memory_space<vmem_shared>>
        tpu.enqueue_indirect_dma source(%dma_start3A_400 : memref<100x8xf32, #tpu.memory_space<vmem>>) target(%dma_start3A_406 : memref<100000x8xf32, #tpu.memory_space<vmem_shared>>) offsets(%dma_start3A_403 : memref<100xi32, #tpu.memory_space<vmem>>) semaphore(%run_scoped3A_397 : memref<!tpu.dma_semaphore, #tpu.memory_space<semaphore_mem>>) {add = true}
        %dma_wait3A_407 = arith.constant 100 : i32
        %dma_wait3A_408 = arith.constant 0 : i32
        %dma_wait3A_409 = tpu.memref_slice %arg22[%dma_wait3A_407, %dma_wait3A_408] : memref<800x8xf32, #tpu.memory_space<vmem>> -> memref<100x8xf32, #tpu.memory_space<vmem>>
        %dma_wait3A_410 = arith.constant 0 : i32
        %dma_wait3A_411 = tpu.memref_slice %arg18[%run_scoped3A_384, %dma_wait3A_410] : memref<8x100xi32, #tpu.memory_space<vmem>> -> memref<1x100xi32, #tpu.memory_space<vmem>>
        %dma_wait3A_412 = tpu.memref_squeeze %dma_wait3A_411 : memref<1x100xi32, #tpu.memory_space<vmem>> -> memref<100xi32, #tpu.memory_space<vmem>>
        %dma_wait3A_413 = arith.constant 0 : i32
        %dma_wait3A_414 = arith.constant 0 : i32
        %dma_wait3A_415 = tpu.memref_slice %arg25[%dma_wait3A_413, %dma_wait3A_414] : memref<100000x8xf32, #tpu.memory_space<vmem_shared>> -> memref<100000x8xf32, #tpu.memory_space<vmem_shared>>
        tpu.wait_indirect_dma semaphore(%run_scoped3A_397 : memref<!tpu.dma_semaphore, #tpu.memory_space<semaphore_mem>>) src(%dma_wait3A_409 : memref<100x8xf32, #tpu.memory_space<vmem>>) dst(%dma_wait3A_415 : memref<100000x8xf32, #tpu.memory_space<vmem_shared>>)
        tpu.yield
      }) : () -> ()
      %run_scoped3A_385 = arith.constant 2 : i32
      "tpu.region"() ({
        %run_scoped3A_397 = tpu.sem_alloc : memref<!tpu.dma_semaphore, #tpu.memory_space<semaphore_mem>>
        %dma_start3A_398 = arith.constant 200 : i32
        %dma_start3A_399 = arith.constant 0 : i32
        %dma_start3A_400 = tpu.memref_slice %arg21[%dma_start3A_398, %dma_start3A_399] : memref<800x8xf32, #tpu.memory_space<vmem>> -> memref<100x8xf32, #tpu.memory_space<vmem>>
        %dma_start3A_401 = arith.constant 0 : i32
        %dma_start3A_402 = tpu.memref_slice %arg17[%run_scoped3A_385, %dma_start3A_401] : memref<8x100xi32, #tpu.memory_space<vmem>> -> memref<1x100xi32, #tpu.memory_space<vmem>>
        %dma_start3A_403 = tpu.memref_squeeze %dma_start3A_402 : memref<1x100xi32, #tpu.memory_space<vmem>> -> memref<100xi32, #tpu.memory_space<vmem>>
        %dma_start3A_404 = arith.constant 0 : i32
        %dma_start3A_405 = arith.constant 0 : i32
        %dma_start3A_406 = tpu.memref_slice %arg25[%dma_start3A_404, %dma_start3A_405] : memref<100000x8xf32, #tpu.memory_space<vmem_shared>> -> memref<100000x8xf32, #tpu.memory_space<vmem_shared>>
        tpu.enqueue_indirect_dma source(%dma_start3A_400 : memref<100x8xf32, #tpu.memory_space<vmem>>) target(%dma_start3A_406 : memref<100000x8xf32, #tpu.memory_space<vmem_shared>>) offsets(%dma_start3A_403 : memref<100xi32, #tpu.memory_space<vmem>>) semaphore(%run_scoped3A_397 : memref<!tpu.dma_semaphore, #tpu.memory_space<semaphore_mem>>) {add = true}
        %dma_wait3A_407 = arith.constant 200 : i32
        %dma_wait3A_408 = arith.constant 0 : i32
        %dma_wait3A_409 = tpu.memref_slice %arg21[%dma_wait3A_407, %dma_wait3A_408] : memref<800x8xf32, #tpu.memory_space<vmem>> -> memref<100x8xf32, #tpu.memory_space<vmem>>
        %dma_wait3A_410 = arith.constant 0 : i32
        %dma_wait3A_411 = tpu.memref_slice %arg17[%run_scoped3A_385, %dma_wait3A_410] : memref<8x100xi32, #tpu.memory_space<vmem>> -> memref<1x100xi32, #tpu.memory_space<vmem>>
        %dma_wait3A_412 = tpu.memref_squeeze %dma_wait3A_411 : memref<1x100xi32, #tpu.memory_space<vmem>> -> memref<100xi32, #tpu.memory_space<vmem>>
        %dma_wait3A_413 = arith.constant 0 : i32
        %dma_wait3A_414 = arith.constant 0 : i32
        %dma_wait3A_415 = tpu.memref_slice %arg25[%dma_wait3A_413, %dma_wait3A_414] : memref<100000x8xf32, #tpu.memory_space<vmem_shared>> -> memref<100000x8xf32, #tpu.memory_space<vmem_shared>>
        tpu.wait_indirect_dma semaphore(%run_scoped3A_397 : memref<!tpu.dma_semaphore, #tpu.memory_space<semaphore_mem>>) src(%dma_wait3A_409 : memref<100x8xf32, #tpu.memory_space<vmem>>) dst(%dma_wait3A_415 : memref<100000x8xf32, #tpu.memory_space<vmem_shared>>)
        tpu.yield
      }) : () -> ()
      %run_scoped3A_386 = arith.constant 2 : i32
      "tpu.region"() ({
        %run_scoped3A_397 = tpu.sem_alloc : memref<!tpu.dma_semaphore, #tpu.memory_space<semaphore_mem>>
        %dma_start3A_398 = arith.constant 200 : i32
        %dma_start3A_399 = arith.constant 0 : i32
        %dma_start3A_400 = tpu.memref_slice %arg22[%dma_start3A_398, %dma_start3A_399] : memref<800x8xf32, #tpu.memory_space<vmem>> -> memref<100x8xf32, #tpu.memory_space<vmem>>
        %dma_start3A_401 = arith.constant 0 : i32
        %dma_start3A_402 = tpu.memref_slice %arg18[%run_scoped3A_386, %dma_start3A_401] : memref<8x100xi32, #tpu.memory_space<vmem>> -> memref<1x100xi32, #tpu.memory_space<vmem>>
        %dma_start3A_403 = tpu.memref_squeeze %dma_start3A_402 : memref<1x100xi32, #tpu.memory_space<vmem>> -> memref<100xi32, #tpu.memory_space<vmem>>
        %dma_start3A_404 = arith.constant 0 : i32
        %dma_start3A_405 = arith.constant 0 : i32
        %dma_start3A_406 = tpu.memref_slice %arg25[%dma_start3A_404, %dma_start3A_405] : memref<100000x8xf32, #tpu.memory_space<vmem_shared>> -> memref<100000x8xf32, #tpu.memory_space<vmem_shared>>
        tpu.enqueue_indirect_dma source(%dma_start3A_400 : memref<100x8xf32, #tpu.memory_space<vmem>>) target(%dma_start3A_406 : memref<100000x8xf32, #tpu.memory_space<vmem_shared>>) offsets(%dma_start3A_403 : memref<100xi32, #tpu.memory_space<vmem>>) semaphore(%run_scoped3A_397 : memref<!tpu.dma_semaphore, #tpu.memory_space<semaphore_mem>>) {add = true}
        %dma_wait3A_407 = arith.constant 200 : i32
        %dma_wait3A_408 = arith.constant 0 : i32
        %dma_wait3A_409 = tpu.memref_slice %arg22[%dma_wait3A_407, %dma_wait3A_408] : memref<800x8xf32, #tpu.memory_space<vmem>> -> memref<100x8xf32, #tpu.memory_space<vmem>>
        %dma_wait3A_410 = arith.constant 0 : i32
        %dma_wait3A_411 = tpu.memref_slice %arg18[%run_scoped3A_386, %dma_wait3A_410] : memref<8x100xi32, #tpu.memory_space<vmem>> -> memref<1x100xi32, #tpu.memory_space<vmem>>
        %dma_wait3A_412 = tpu.memref_squeeze %dma_wait3A_411 : memref<1x100xi32, #tpu.memory_space<vmem>> -> memref<100xi32, #tpu.memory_space<vmem>>
        %dma_wait3A_413 = arith.constant 0 : i32
        %dma_wait3A_414 = arith.constant 0 : i32
        %dma_wait3A_415 = tpu.memref_slice %arg25[%dma_wait3A_413, %dma_wait3A_414] : memref<100000x8xf32, #tpu.memory_space<vmem_shared>> -> memref<100000x8xf32, #tpu.memory_space<vmem_shared>>
        tpu.wait_indirect_dma semaphore(%run_scoped3A_397 : memref<!tpu.dma_semaphore, #tpu.memory_space<semaphore_mem>>) src(%dma_wait3A_409 : memref<100x8xf32, #tpu.memory_space<vmem>>) dst(%dma_wait3A_415 : memref<100000x8xf32, #tpu.memory_space<vmem_shared>>)
        tpu.yield
      }) : () -> ()
      %run_scoped3A_387 = arith.constant 3 : i32
      "tpu.region"() ({
        %run_scoped3A_397 = tpu.sem_alloc : memref<!tpu.dma_semaphore, #tpu.memory_space<semaphore_mem>>
        %dma_start3A_398 = arith.constant 300 : i32
        %dma_start3A_399 = arith.constant 0 : i32
        %dma_start3A_400 = tpu.memref_slice %arg21[%dma_start3A_398, %dma_start3A_399] : memref<800x8xf32, #tpu.memory_space<vmem>> -> memref<100x8xf32, #tpu.memory_space<vmem>>
        %dma_start3A_401 = arith.constant 0 : i32
        %dma_start3A_402 = tpu.memref_slice %arg17[%run_scoped3A_387, %dma_start3A_401] : memref<8x100xi32, #tpu.memory_space<vmem>> -> memref<1x100xi32, #tpu.memory_space<vmem>>
        %dma_start3A_403 = tpu.memref_squeeze %dma_start3A_402 : memref<1x100xi32, #tpu.memory_space<vmem>> -> memref<100xi32, #tpu.memory_space<vmem>>
        %dma_start3A_404 = arith.constant 0 : i32
        %dma_start3A_405 = arith.constant 0 : i32
        %dma_start3A_406 = tpu.memref_slice %arg25[%dma_start3A_404, %dma_start3A_405] : memref<100000x8xf32, #tpu.memory_space<vmem_shared>> -> memref<100000x8xf32, #tpu.memory_space<vmem_shared>>
        tpu.enqueue_indirect_dma source(%dma_start3A_400 : memref<100x8xf32, #tpu.memory_space<vmem>>) target(%dma_start3A_406 : memref<100000x8xf32, #tpu.memory_space<vmem_shared>>) offsets(%dma_start3A_403 : memref<100xi32, #tpu.memory_space<vmem>>) semaphore(%run_scoped3A_397 : memref<!tpu.dma_semaphore, #tpu.memory_space<semaphore_mem>>) {add = true}
        %dma_wait3A_407 = arith.constant 300 : i32
        %dma_wait3A_408 = arith.constant 0 : i32
        %dma_wait3A_409 = tpu.memref_slice %arg21[%dma_wait3A_407, %dma_wait3A_408] : memref<800x8xf32, #tpu.memory_space<vmem>> -> memref<100x8xf32, #tpu.memory_space<vmem>>
        %dma_wait3A_410 = arith.constant 0 : i32
        %dma_wait3A_411 = tpu.memref_slice %arg17[%run_scoped3A_387, %dma_wait3A_410] : memref<8x100xi32, #tpu.memory_space<vmem>> -> memref<1x100xi32, #tpu.memory_space<vmem>>
        %dma_wait3A_412 = tpu.memref_squeeze %dma_wait3A_411 : memref<1x100xi32, #tpu.memory_space<vmem>> -> memref<100xi32, #tpu.memory_space<vmem>>
        %dma_wait3A_413 = arith.constant 0 : i32
        %dma_wait3A_414 = arith.constant 0 : i32
        %dma_wait3A_415 = tpu.memref_slice %arg25[%dma_wait3A_413, %dma_wait3A_414] : memref<100000x8xf32, #tpu.memory_space<vmem_shared>> -> memref<100000x8xf32, #tpu.memory_space<vmem_shared>>
        tpu.wait_indirect_dma semaphore(%run_scoped3A_397 : memref<!tpu.dma_semaphore, #tpu.memory_space<semaphore_mem>>) src(%dma_wait3A_409 : memref<100x8xf32, #tpu.memory_space<vmem>>) dst(%dma_wait3A_415 : memref<100000x8xf32, #tpu.memory_space<vmem_shared>>)
        tpu.yield
      }) : () -> ()
      %run_scoped3A_388 = arith.constant 3 : i32
      "tpu.region"() ({
        %run_scoped3A_397 = tpu.sem_alloc : memref<!tpu.dma_semaphore, #tpu.memory_space<semaphore_mem>>
        %dma_start3A_398 = arith.constant 300 : i32
        %dma_start3A_399 = arith.constant 0 : i32
        %dma_start3A_400 = tpu.memref_slice %arg22[%dma_start3A_398, %dma_start3A_399] : memref<800x8xf32, #tpu.memory_space<vmem>> -> memref<100x8xf32, #tpu.memory_space<vmem>>
        %dma_start3A_401 = arith.constant 0 : i32
        %dma_start3A_402 = tpu.memref_slice %arg18[%run_scoped3A_388, %dma_start3A_401] : memref<8x100xi32, #tpu.memory_space<vmem>> -> memref<1x100xi32, #tpu.memory_space<vmem>>
        %dma_start3A_403 = tpu.memref_squeeze %dma_start3A_402 : memref<1x100xi32, #tpu.memory_space<vmem>> -> memref<100xi32, #tpu.memory_space<vmem>>
        %dma_start3A_404 = arith.constant 0 : i32
        %dma_start3A_405 = arith.constant 0 : i32
        %dma_start3A_406 = tpu.memref_slice %arg25[%dma_start3A_404, %dma_start3A_405] : memref<100000x8xf32, #tpu.memory_space<vmem_shared>> -> memref<100000x8xf32, #tpu.memory_space<vmem_shared>>
        tpu.enqueue_indirect_dma source(%dma_start3A_400 : memref<100x8xf32, #tpu.memory_space<vmem>>) target(%dma_start3A_406 : memref<100000x8xf32, #tpu.memory_space<vmem_shared>>) offsets(%dma_start3A_403 : memref<100xi32, #tpu.memory_space<vmem>>) semaphore(%run_scoped3A_397 : memref<!tpu.dma_semaphore, #tpu.memory_space<semaphore_mem>>) {add = true}
        %dma_wait3A_407 = arith.constant 300 : i32
        %dma_wait3A_408 = arith.constant 0 : i32
        %dma_wait3A_409 = tpu.memref_slice %arg22[%dma_wait3A_407, %dma_wait3A_408] : memref<800x8xf32, #tpu.memory_space<vmem>> -> memref<100x8xf32, #tpu.memory_space<vmem>>
        %dma_wait3A_410 = arith.constant 0 : i32
        %dma_wait3A_411 = tpu.memref_slice %arg18[%run_scoped3A_388, %dma_wait3A_410] : memref<8x100xi32, #tpu.memory_space<vmem>> -> memref<1x100xi32, #tpu.memory_space<vmem>>
        %dma_wait3A_412 = tpu.memref_squeeze %dma_wait3A_411 : memref<1x100xi32, #tpu.memory_space<vmem>> -> memref<100xi32, #tpu.memory_space<vmem>>
        %dma_wait3A_413 = arith.constant 0 : i32
        %dma_wait3A_414 = arith.constant 0 : i32
        %dma_wait3A_415 = tpu.memref_slice %arg25[%dma_wait3A_413, %dma_wait3A_414] : memref<100000x8xf32, #tpu.memory_space<vmem_shared>> -> memref<100000x8xf32, #tpu.memory_space<vmem_shared>>
        tpu.wait_indirect_dma semaphore(%run_scoped3A_397 : memref<!tpu.dma_semaphore, #tpu.memory_space<semaphore_mem>>) src(%dma_wait3A_409 : memref<100x8xf32, #tpu.memory_space<vmem>>) dst(%dma_wait3A_415 : memref<100000x8xf32, #tpu.memory_space<vmem_shared>>)
        tpu.yield
      }) : () -> ()
      %run_scoped3A_389 = arith.constant 4 : i32
      "tpu.region"() ({
        %run_scoped3A_397 = tpu.sem_alloc : memref<!tpu.dma_semaphore, #tpu.memory_space<semaphore_mem>>
        %dma_start3A_398 = arith.constant 400 : i32
        %dma_start3A_399 = arith.constant 0 : i32
        %dma_start3A_400 = tpu.memref_slice %arg21[%dma_start3A_398, %dma_start3A_399] : memref<800x8xf32, #tpu.memory_space<vmem>> -> memref<100x8xf32, #tpu.memory_space<vmem>>
        %dma_start3A_401 = arith.constant 0 : i32
        %dma_start3A_402 = tpu.memref_slice %arg17[%run_scoped3A_389, %dma_start3A_401] : memref<8x100xi32, #tpu.memory_space<vmem>> -> memref<1x100xi32, #tpu.memory_space<vmem>>
        %dma_start3A_403 = tpu.memref_squeeze %dma_start3A_402 : memref<1x100xi32, #tpu.memory_space<vmem>> -> memref<100xi32, #tpu.memory_space<vmem>>
        %dma_start3A_404 = arith.constant 0 : i32
        %dma_start3A_405 = arith.constant 0 : i32
        %dma_start3A_406 = tpu.memref_slice %arg25[%dma_start3A_404, %dma_start3A_405] : memref<100000x8xf32, #tpu.memory_space<vmem_shared>> -> memref<100000x8xf32, #tpu.memory_space<vmem_shared>>
        tpu.enqueue_indirect_dma source(%dma_start3A_400 : memref<100x8xf32, #tpu.memory_space<vmem>>) target(%dma_start3A_406 : memref<100000x8xf32, #tpu.memory_space<vmem_shared>>) offsets(%dma_start3A_403 : memref<100xi32, #tpu.memory_space<vmem>>) semaphore(%run_scoped3A_397 : memref<!tpu.dma_semaphore, #tpu.memory_space<semaphore_mem>>) {add = true}
        %dma_wait3A_407 = arith.constant 400 : i32
        %dma_wait3A_408 = arith.constant 0 : i32
        %dma_wait3A_409 = tpu.memref_slice %arg21[%dma_wait3A_407, %dma_wait3A_408] : memref<800x8xf32, #tpu.memory_space<vmem>> -> memref<100x8xf32, #tpu.memory_space<vmem>>
        %dma_wait3A_410 = arith.constant 0 : i32
        %dma_wait3A_411 = tpu.memref_slice %arg17[%run_scoped3A_389, %dma_wait3A_410] : memref<8x100xi32, #tpu.memory_space<vmem>> -> memref<1x100xi32, #tpu.memory_space<vmem>>
        %dma_wait3A_412 = tpu.memref_squeeze %dma_wait3A_411 : memref<1x100xi32, #tpu.memory_space<vmem>> -> memref<100xi32, #tpu.memory_space<vmem>>
        %dma_wait3A_413 = arith.constant 0 : i32
        %dma_wait3A_414 = arith.constant 0 : i32
        %dma_wait3A_415 = tpu.memref_slice %arg25[%dma_wait3A_413, %dma_wait3A_414] : memref<100000x8xf32, #tpu.memory_space<vmem_shared>> -> memref<100000x8xf32, #tpu.memory_space<vmem_shared>>
        tpu.wait_indirect_dma semaphore(%run_scoped3A_397 : memref<!tpu.dma_semaphore, #tpu.memory_space<semaphore_mem>>) src(%dma_wait3A_409 : memref<100x8xf32, #tpu.memory_space<vmem>>) dst(%dma_wait3A_415 : memref<100000x8xf32, #tpu.memory_space<vmem_shared>>)
        tpu.yield
      }) : () -> ()
      %run_scoped3A_390 = arith.constant 4 : i32
      "tpu.region"() ({
        %run_scoped3A_397 = tpu.sem_alloc : memref<!tpu.dma_semaphore, #tpu.memory_space<semaphore_mem>>
        %dma_start3A_398 = arith.constant 400 : i32
        %dma_start3A_399 = arith.constant 0 : i32
        %dma_start3A_400 = tpu.memref_slice %arg22[%dma_start3A_398, %dma_start3A_399] : memref<800x8xf32, #tpu.memory_space<vmem>> -> memref<100x8xf32, #tpu.memory_space<vmem>>
        %dma_start3A_401 = arith.constant 0 : i32
        %dma_start3A_402 = tpu.memref_slice %arg18[%run_scoped3A_390, %dma_start3A_401] : memref<8x100xi32, #tpu.memory_space<vmem>> -> memref<1x100xi32, #tpu.memory_space<vmem>>
        %dma_start3A_403 = tpu.memref_squeeze %dma_start3A_402 : memref<1x100xi32, #tpu.memory_space<vmem>> -> memref<100xi32, #tpu.memory_space<vmem>>
        %dma_start3A_404 = arith.constant 0 : i32
        %dma_start3A_405 = arith.constant 0 : i32
        %dma_start3A_406 = tpu.memref_slice %arg25[%dma_start3A_404, %dma_start3A_405] : memref<100000x8xf32, #tpu.memory_space<vmem_shared>> -> memref<100000x8xf32, #tpu.memory_space<vmem_shared>>
        tpu.enqueue_indirect_dma source(%dma_start3A_400 : memref<100x8xf32, #tpu.memory_space<vmem>>) target(%dma_start3A_406 : memref<100000x8xf32, #tpu.memory_space<vmem_shared>>) offsets(%dma_start3A_403 : memref<100xi32, #tpu.memory_space<vmem>>) semaphore(%run_scoped3A_397 : memref<!tpu.dma_semaphore, #tpu.memory_space<semaphore_mem>>) {add = true}
        %dma_wait3A_407 = arith.constant 400 : i32
        %dma_wait3A_408 = arith.constant 0 : i32
        %dma_wait3A_409 = tpu.memref_slice %arg22[%dma_wait3A_407, %dma_wait3A_408] : memref<800x8xf32, #tpu.memory_space<vmem>> -> memref<100x8xf32, #tpu.memory_space<vmem>>
        %dma_wait3A_410 = arith.constant 0 : i32
        %dma_wait3A_411 = tpu.memref_slice %arg18[%run_scoped3A_390, %dma_wait3A_410] : memref<8x100xi32, #tpu.memory_space<vmem>> -> memref<1x100xi32, #tpu.memory_space<vmem>>
        %dma_wait3A_412 = tpu.memref_squeeze %dma_wait3A_411 : memref<1x100xi32, #tpu.memory_space<vmem>> -> memref<100xi32, #tpu.memory_space<vmem>>
        %dma_wait3A_413 = arith.constant 0 : i32
        %dma_wait3A_414 = arith.constant 0 : i32
        %dma_wait3A_415 = tpu.memref_slice %arg25[%dma_wait3A_413, %dma_wait3A_414] : memref<100000x8xf32, #tpu.memory_space<vmem_shared>> -> memref<100000x8xf32, #tpu.memory_space<vmem_shared>>
        tpu.wait_indirect_dma semaphore(%run_scoped3A_397 : memref<!tpu.dma_semaphore, #tpu.memory_space<semaphore_mem>>) src(%dma_wait3A_409 : memref<100x8xf32, #tpu.memory_space<vmem>>) dst(%dma_wait3A_415 : memref<100000x8xf32, #tpu.memory_space<vmem_shared>>)
        tpu.yield
      }) : () -> ()
      %run_scoped3A_391 = arith.constant 5 : i32
      "tpu.region"() ({
        %run_scoped3A_397 = tpu.sem_alloc : memref<!tpu.dma_semaphore, #tpu.memory_space<semaphore_mem>>
        %dma_start3A_398 = arith.constant 500 : i32
        %dma_start3A_399 = arith.constant 0 : i32
        %dma_start3A_400 = tpu.memref_slice %arg21[%dma_start3A_398, %dma_start3A_399] : memref<800x8xf32, #tpu.memory_space<vmem>> -> memref<100x8xf32, #tpu.memory_space<vmem>>
        %dma_start3A_401 = arith.constant 0 : i32
        %dma_start3A_402 = tpu.memref_slice %arg17[%run_scoped3A_391, %dma_start3A_401] : memref<8x100xi32, #tpu.memory_space<vmem>> -> memref<1x100xi32, #tpu.memory_space<vmem>>
        %dma_start3A_403 = tpu.memref_squeeze %dma_start3A_402 : memref<1x100xi32, #tpu.memory_space<vmem>> -> memref<100xi32, #tpu.memory_space<vmem>>
        %dma_start3A_404 = arith.constant 0 : i32
        %dma_start3A_405 = arith.constant 0 : i32
        %dma_start3A_406 = tpu.memref_slice %arg25[%dma_start3A_404, %dma_start3A_405] : memref<100000x8xf32, #tpu.memory_space<vmem_shared>> -> memref<100000x8xf32, #tpu.memory_space<vmem_shared>>
        tpu.enqueue_indirect_dma source(%dma_start3A_400 : memref<100x8xf32, #tpu.memory_space<vmem>>) target(%dma_start3A_406 : memref<100000x8xf32, #tpu.memory_space<vmem_shared>>) offsets(%dma_start3A_403 : memref<100xi32, #tpu.memory_space<vmem>>) semaphore(%run_scoped3A_397 : memref<!tpu.dma_semaphore, #tpu.memory_space<semaphore_mem>>) {add = true}
        %dma_wait3A_407 = arith.constant 500 : i32
        %dma_wait3A_408 = arith.constant 0 : i32
        %dma_wait3A_409 = tpu.memref_slice %arg21[%dma_wait3A_407, %dma_wait3A_408] : memref<800x8xf32, #tpu.memory_space<vmem>> -> memref<100x8xf32, #tpu.memory_space<vmem>>
        %dma_wait3A_410 = arith.constant 0 : i32
        %dma_wait3A_411 = tpu.memref_slice %arg17[%run_scoped3A_391, %dma_wait3A_410] : memref<8x100xi32, #tpu.memory_space<vmem>> -> memref<1x100xi32, #tpu.memory_space<vmem>>
        %dma_wait3A_412 = tpu.memref_squeeze %dma_wait3A_411 : memref<1x100xi32, #tpu.memory_space<vmem>> -> memref<100xi32, #tpu.memory_space<vmem>>
        %dma_wait3A_413 = arith.constant 0 : i32
        %dma_wait3A_414 = arith.constant 0 : i32
        %dma_wait3A_415 = tpu.memref_slice %arg25[%dma_wait3A_413, %dma_wait3A_414] : memref<100000x8xf32, #tpu.memory_space<vmem_shared>> -> memref<100000x8xf32, #tpu.memory_space<vmem_shared>>
        tpu.wait_indirect_dma semaphore(%run_scoped3A_397 : memref<!tpu.dma_semaphore, #tpu.memory_space<semaphore_mem>>) src(%dma_wait3A_409 : memref<100x8xf32, #tpu.memory_space<vmem>>) dst(%dma_wait3A_415 : memref<100000x8xf32, #tpu.memory_space<vmem_shared>>)
        tpu.yield
      }) : () -> ()
      %run_scoped3A_392 = arith.constant 5 : i32
      "tpu.region"() ({
        %run_scoped3A_397 = tpu.sem_alloc : memref<!tpu.dma_semaphore, #tpu.memory_space<semaphore_mem>>
        %dma_start3A_398 = arith.constant 500 : i32
        %dma_start3A_399 = arith.constant 0 : i32
        %dma_start3A_400 = tpu.memref_slice %arg22[%dma_start3A_398, %dma_start3A_399] : memref<800x8xf32, #tpu.memory_space<vmem>> -> memref<100x8xf32, #tpu.memory_space<vmem>>
        %dma_start3A_401 = arith.constant 0 : i32
        %dma_start3A_402 = tpu.memref_slice %arg18[%run_scoped3A_392, %dma_start3A_401] : memref<8x100xi32, #tpu.memory_space<vmem>> -> memref<1x100xi32, #tpu.memory_space<vmem>>
        %dma_start3A_403 = tpu.memref_squeeze %dma_start3A_402 : memref<1x100xi32, #tpu.memory_space<vmem>> -> memref<100xi32, #tpu.memory_space<vmem>>
        %dma_start3A_404 = arith.constant 0 : i32
        %dma_start3A_405 = arith.constant 0 : i32
        %dma_start3A_406 = tpu.memref_slice %arg25[%dma_start3A_404, %dma_start3A_405] : memref<100000x8xf32, #tpu.memory_space<vmem_shared>> -> memref<100000x8xf32, #tpu.memory_space<vmem_shared>>
        tpu.enqueue_indirect_dma source(%dma_start3A_400 : memref<100x8xf32, #tpu.memory_space<vmem>>) target(%dma_start3A_406 : memref<100000x8xf32, #tpu.memory_space<vmem_shared>>) offsets(%dma_start3A_403 : memref<100xi32, #tpu.memory_space<vmem>>) semaphore(%run_scoped3A_397 : memref<!tpu.dma_semaphore, #tpu.memory_space<semaphore_mem>>) {add = true}
        %dma_wait3A_407 = arith.constant 500 : i32
        %dma_wait3A_408 = arith.constant 0 : i32
        %dma_wait3A_409 = tpu.memref_slice %arg22[%dma_wait3A_407, %dma_wait3A_408] : memref<800x8xf32, #tpu.memory_space<vmem>> -> memref<100x8xf32, #tpu.memory_space<vmem>>
        %dma_wait3A_410 = arith.constant 0 : i32
        %dma_wait3A_411 = tpu.memref_slice %arg18[%run_scoped3A_392, %dma_wait3A_410] : memref<8x100xi32, #tpu.memory_space<vmem>> -> memref<1x100xi32, #tpu.memory_space<vmem>>
        %dma_wait3A_412 = tpu.memref_squeeze %dma_wait3A_411 : memref<1x100xi32, #tpu.memory_space<vmem>> -> memref<100xi32, #tpu.memory_space<vmem>>
        %dma_wait3A_413 = arith.constant 0 : i32
        %dma_wait3A_414 = arith.constant 0 : i32
        %dma_wait3A_415 = tpu.memref_slice %arg25[%dma_wait3A_413, %dma_wait3A_414] : memref<100000x8xf32, #tpu.memory_space<vmem_shared>> -> memref<100000x8xf32, #tpu.memory_space<vmem_shared>>
        tpu.wait_indirect_dma semaphore(%run_scoped3A_397 : memref<!tpu.dma_semaphore, #tpu.memory_space<semaphore_mem>>) src(%dma_wait3A_409 : memref<100x8xf32, #tpu.memory_space<vmem>>) dst(%dma_wait3A_415 : memref<100000x8xf32, #tpu.memory_space<vmem_shared>>)
        tpu.yield
      }) : () -> ()
      %run_scoped3A_393 = arith.constant 6 : i32
      "tpu.region"() ({
        %run_scoped3A_397 = tpu.sem_alloc : memref<!tpu.dma_semaphore, #tpu.memory_space<semaphore_mem>>
        %dma_start3A_398 = arith.constant 600 : i32
        %dma_start3A_399 = arith.constant 0 : i32
        %dma_start3A_400 = tpu.memref_slice %arg21[%dma_start3A_398, %dma_start3A_399] : memref<800x8xf32, #tpu.memory_space<vmem>> -> memref<100x8xf32, #tpu.memory_space<vmem>>
        %dma_start3A_401 = arith.constant 0 : i32
        %dma_start3A_402 = tpu.memref_slice %arg17[%run_scoped3A_393, %dma_start3A_401] : memref<8x100xi32, #tpu.memory_space<vmem>> -> memref<1x100xi32, #tpu.memory_space<vmem>>
        %dma_start3A_403 = tpu.memref_squeeze %dma_start3A_402 : memref<1x100xi32, #tpu.memory_space<vmem>> -> memref<100xi32, #tpu.memory_space<vmem>>
        %dma_start3A_404 = arith.constant 0 : i32
        %dma_start3A_405 = arith.constant 0 : i32
        %dma_start3A_406 = tpu.memref_slice %arg25[%dma_start3A_404, %dma_start3A_405] : memref<100000x8xf32, #tpu.memory_space<vmem_shared>> -> memref<100000x8xf32, #tpu.memory_space<vmem_shared>>
        tpu.enqueue_indirect_dma source(%dma_start3A_400 : memref<100x8xf32, #tpu.memory_space<vmem>>) target(%dma_start3A_406 : memref<100000x8xf32, #tpu.memory_space<vmem_shared>>) offsets(%dma_start3A_403 : memref<100xi32, #tpu.memory_space<vmem>>) semaphore(%run_scoped3A_397 : memref<!tpu.dma_semaphore, #tpu.memory_space<semaphore_mem>>) {add = true}
        %dma_wait3A_407 = arith.constant 600 : i32
        %dma_wait3A_408 = arith.constant 0 : i32
        %dma_wait3A_409 = tpu.memref_slice %arg21[%dma_wait3A_407, %dma_wait3A_408] : memref<800x8xf32, #tpu.memory_space<vmem>> -> memref<100x8xf32, #tpu.memory_space<vmem>>
        %dma_wait3A_410 = arith.constant 0 : i32
        %dma_wait3A_411 = tpu.memref_slice %arg17[%run_scoped3A_393, %dma_wait3A_410] : memref<8x100xi32, #tpu.memory_space<vmem>> -> memref<1x100xi32, #tpu.memory_space<vmem>>
        %dma_wait3A_412 = tpu.memref_squeeze %dma_wait3A_411 : memref<1x100xi32, #tpu.memory_space<vmem>> -> memref<100xi32, #tpu.memory_space<vmem>>
        %dma_wait3A_413 = arith.constant 0 : i32
        %dma_wait3A_414 = arith.constant 0 : i32
        %dma_wait3A_415 = tpu.memref_slice %arg25[%dma_wait3A_413, %dma_wait3A_414] : memref<100000x8xf32, #tpu.memory_space<vmem_shared>> -> memref<100000x8xf32, #tpu.memory_space<vmem_shared>>
        tpu.wait_indirect_dma semaphore(%run_scoped3A_397 : memref<!tpu.dma_semaphore, #tpu.memory_space<semaphore_mem>>) src(%dma_wait3A_409 : memref<100x8xf32, #tpu.memory_space<vmem>>) dst(%dma_wait3A_415 : memref<100000x8xf32, #tpu.memory_space<vmem_shared>>)
        tpu.yield
      }) : () -> ()
      %run_scoped3A_394 = arith.constant 6 : i32
      "tpu.region"() ({
        %run_scoped3A_397 = tpu.sem_alloc : memref<!tpu.dma_semaphore, #tpu.memory_space<semaphore_mem>>
        %dma_start3A_398 = arith.constant 600 : i32
        %dma_start3A_399 = arith.constant 0 : i32
        %dma_start3A_400 = tpu.memref_slice %arg22[%dma_start3A_398, %dma_start3A_399] : memref<800x8xf32, #tpu.memory_space<vmem>> -> memref<100x8xf32, #tpu.memory_space<vmem>>
        %dma_start3A_401 = arith.constant 0 : i32
        %dma_start3A_402 = tpu.memref_slice %arg18[%run_scoped3A_394, %dma_start3A_401] : memref<8x100xi32, #tpu.memory_space<vmem>> -> memref<1x100xi32, #tpu.memory_space<vmem>>
        %dma_start3A_403 = tpu.memref_squeeze %dma_start3A_402 : memref<1x100xi32, #tpu.memory_space<vmem>> -> memref<100xi32, #tpu.memory_space<vmem>>
        %dma_start3A_404 = arith.constant 0 : i32
        %dma_start3A_405 = arith.constant 0 : i32
        %dma_start3A_406 = tpu.memref_slice %arg25[%dma_start3A_404, %dma_start3A_405] : memref<100000x8xf32, #tpu.memory_space<vmem_shared>> -> memref<100000x8xf32, #tpu.memory_space<vmem_shared>>
        tpu.enqueue_indirect_dma source(%dma_start3A_400 : memref<100x8xf32, #tpu.memory_space<vmem>>) target(%dma_start3A_406 : memref<100000x8xf32, #tpu.memory_space<vmem_shared>>) offsets(%dma_start3A_403 : memref<100xi32, #tpu.memory_space<vmem>>) semaphore(%run_scoped3A_397 : memref<!tpu.dma_semaphore, #tpu.memory_space<semaphore_mem>>) {add = true}
        %dma_wait3A_407 = arith.constant 600 : i32
        %dma_wait3A_408 = arith.constant 0 : i32
        %dma_wait3A_409 = tpu.memref_slice %arg22[%dma_wait3A_407, %dma_wait3A_408] : memref<800x8xf32, #tpu.memory_space<vmem>> -> memref<100x8xf32, #tpu.memory_space<vmem>>
        %dma_wait3A_410 = arith.constant 0 : i32
        %dma_wait3A_411 = tpu.memref_slice %arg18[%run_scoped3A_394, %dma_wait3A_410] : memref<8x100xi32, #tpu.memory_space<vmem>> -> memref<1x100xi32, #tpu.memory_space<vmem>>
        %dma_wait3A_412 = tpu.memref_squeeze %dma_wait3A_411 : memref<1x100xi32, #tpu.memory_space<vmem>> -> memref<100xi32, #tpu.memory_space<vmem>>
        %dma_wait3A_413 = arith.constant 0 : i32
        %dma_wait3A_414 = arith.constant 0 : i32
        %dma_wait3A_415 = tpu.memref_slice %arg25[%dma_wait3A_413, %dma_wait3A_414] : memref<100000x8xf32, #tpu.memory_space<vmem_shared>> -> memref<100000x8xf32, #tpu.memory_space<vmem_shared>>
        tpu.wait_indirect_dma semaphore(%run_scoped3A_397 : memref<!tpu.dma_semaphore, #tpu.memory_space<semaphore_mem>>) src(%dma_wait3A_409 : memref<100x8xf32, #tpu.memory_space<vmem>>) dst(%dma_wait3A_415 : memref<100000x8xf32, #tpu.memory_space<vmem_shared>>)
        tpu.yield
      }) : () -> ()
      %run_scoped3A_395 = arith.constant 7 : i32
      "tpu.region"() ({
        %run_scoped3A_397 = tpu.sem_alloc : memref<!tpu.dma_semaphore, #tpu.memory_space<semaphore_mem>>
        %dma_start3A_398 = arith.constant 700 : i32
        %dma_start3A_399 = arith.constant 0 : i32
        %dma_start3A_400 = tpu.memref_slice %arg21[%dma_start3A_398, %dma_start3A_399] : memref<800x8xf32, #tpu.memory_space<vmem>> -> memref<100x8xf32, #tpu.memory_space<vmem>>
        %dma_start3A_401 = arith.constant 0 : i32
        %dma_start3A_402 = tpu.memref_slice %arg17[%run_scoped3A_395, %dma_start3A_401] : memref<8x100xi32, #tpu.memory_space<vmem>> -> memref<1x100xi32, #tpu.memory_space<vmem>>
        %dma_start3A_403 = tpu.memref_squeeze %dma_start3A_402 : memref<1x100xi32, #tpu.memory_space<vmem>> -> memref<100xi32, #tpu.memory_space<vmem>>
        %dma_start3A_404 = arith.constant 0 : i32
        %dma_start3A_405 = arith.constant 0 : i32
        %dma_start3A_406 = tpu.memref_slice %arg25[%dma_start3A_404, %dma_start3A_405] : memref<100000x8xf32, #tpu.memory_space<vmem_shared>> -> memref<100000x8xf32, #tpu.memory_space<vmem_shared>>
        tpu.enqueue_indirect_dma source(%dma_start3A_400 : memref<100x8xf32, #tpu.memory_space<vmem>>) target(%dma_start3A_406 : memref<100000x8xf32, #tpu.memory_space<vmem_shared>>) offsets(%dma_start3A_403 : memref<100xi32, #tpu.memory_space<vmem>>) semaphore(%run_scoped3A_397 : memref<!tpu.dma_semaphore, #tpu.memory_space<semaphore_mem>>) {add = true}
        %dma_wait3A_407 = arith.constant 700 : i32
        %dma_wait3A_408 = arith.constant 0 : i32
        %dma_wait3A_409 = tpu.memref_slice %arg21[%dma_wait3A_407, %dma_wait3A_408] : memref<800x8xf32, #tpu.memory_space<vmem>> -> memref<100x8xf32, #tpu.memory_space<vmem>>
        %dma_wait3A_410 = arith.constant 0 : i32
        %dma_wait3A_411 = tpu.memref_slice %arg17[%run_scoped3A_395, %dma_wait3A_410] : memref<8x100xi32, #tpu.memory_space<vmem>> -> memref<1x100xi32, #tpu.memory_space<vmem>>
        %dma_wait3A_412 = tpu.memref_squeeze %dma_wait3A_411 : memref<1x100xi32, #tpu.memory_space<vmem>> -> memref<100xi32, #tpu.memory_space<vmem>>
        %dma_wait3A_413 = arith.constant 0 : i32
        %dma_wait3A_414 = arith.constant 0 : i32
        %dma_wait3A_415 = tpu.memref_slice %arg25[%dma_wait3A_413, %dma_wait3A_414] : memref<100000x8xf32, #tpu.memory_space<vmem_shared>> -> memref<100000x8xf32, #tpu.memory_space<vmem_shared>>
        tpu.wait_indirect_dma semaphore(%run_scoped3A_397 : memref<!tpu.dma_semaphore, #tpu.memory_space<semaphore_mem>>) src(%dma_wait3A_409 : memref<100x8xf32, #tpu.memory_space<vmem>>) dst(%dma_wait3A_415 : memref<100000x8xf32, #tpu.memory_space<vmem_shared>>)
        tpu.yield
      }) : () -> ()
      %run_scoped3A_396 = arith.constant 7 : i32
      "tpu.region"() ({
        %run_scoped3A_397 = tpu.sem_alloc : memref<!tpu.dma_semaphore, #tpu.memory_space<semaphore_mem>>
        %dma_start3A_398 = arith.constant 700 : i32
        %dma_start3A_399 = arith.constant 0 : i32
        %dma_start3A_400 = tpu.memref_slice %arg22[%dma_start3A_398, %dma_start3A_399] : memref<800x8xf32, #tpu.memory_space<vmem>> -> memref<100x8xf32, #tpu.memory_space<vmem>>
        %dma_start3A_401 = arith.constant 0 : i32
        %dma_start3A_402 = tpu.memref_slice %arg18[%run_scoped3A_396, %dma_start3A_401] : memref<8x100xi32, #tpu.memory_space<vmem>> -> memref<1x100xi32, #tpu.memory_space<vmem>>
        %dma_start3A_403 = tpu.memref_squeeze %dma_start3A_402 : memref<1x100xi32, #tpu.memory_space<vmem>> -> memref<100xi32, #tpu.memory_space<vmem>>
        %dma_start3A_404 = arith.constant 0 : i32
        %dma_start3A_405 = arith.constant 0 : i32
        %dma_start3A_406 = tpu.memref_slice %arg25[%dma_start3A_404, %dma_start3A_405] : memref<100000x8xf32, #tpu.memory_space<vmem_shared>> -> memref<100000x8xf32, #tpu.memory_space<vmem_shared>>
        tpu.enqueue_indirect_dma source(%dma_start3A_400 : memref<100x8xf32, #tpu.memory_space<vmem>>) target(%dma_start3A_406 : memref<100000x8xf32, #tpu.memory_space<vmem_shared>>) offsets(%dma_start3A_403 : memref<100xi32, #tpu.memory_space<vmem>>) semaphore(%run_scoped3A_397 : memref<!tpu.dma_semaphore, #tpu.memory_space<semaphore_mem>>) {add = true}
        %dma_wait3A_407 = arith.constant 700 : i32
        %dma_wait3A_408 = arith.constant 0 : i32
        %dma_wait3A_409 = tpu.memref_slice %arg22[%dma_wait3A_407, %dma_wait3A_408] : memref<800x8xf32, #tpu.memory_space<vmem>> -> memref<100x8xf32, #tpu.memory_space<vmem>>
        %dma_wait3A_410 = arith.constant 0 : i32
        %dma_wait3A_411 = tpu.memref_slice %arg18[%run_scoped3A_396, %dma_wait3A_410] : memref<8x100xi32, #tpu.memory_space<vmem>> -> memref<1x100xi32, #tpu.memory_space<vmem>>
        %dma_wait3A_412 = tpu.memref_squeeze %dma_wait3A_411 : memref<1x100xi32, #tpu.memory_space<vmem>> -> memref<100xi32, #tpu.memory_space<vmem>>
        %dma_wait3A_413 = arith.constant 0 : i32
        %dma_wait3A_414 = arith.constant 0 : i32
        %dma_wait3A_415 = tpu.memref_slice %arg25[%dma_wait3A_413, %dma_wait3A_414] : memref<100000x8xf32, #tpu.memory_space<vmem_shared>> -> memref<100000x8xf32, #tpu.memory_space<vmem_shared>>
        tpu.wait_indirect_dma semaphore(%run_scoped3A_397 : memref<!tpu.dma_semaphore, #tpu.memory_space<semaphore_mem>>) src(%dma_wait3A_409 : memref<100x8xf32, #tpu.memory_space<vmem>>) dst(%dma_wait3A_415 : memref<100000x8xf32, #tpu.memory_space<vmem_shared>>)
        tpu.yield
      }) : () -> ()
      scf.yield %scan3A_380#0, %scan3A_380#1 : vector<16xf32>, vector<16xf32>
    }
    %scan3A_29 = arith.constant 125 : i32
    %barrier3A_30 = arith.constant 0 : index
    tpu.barrier barrier_id(%barrier3A_30)
    %swap3A = arith.constant 0 : index
    %swap3A_31 = tpu.vector_load %arg24[%swap3A] {strides = array<i32>} : memref<32xf32, #tpu.memory_space<vmem>>, vector<16xf32>,
    tpu.vector_store %arg24[%swap3A], %scan3A_28#0 {strides = array<i32>} : memref<32xf32, #tpu.memory_space<vmem>>, vector<16xf32>,
    %swap3A_32 = arith.constant 16 : index
    %swap3A_33 = tpu.vector_load %arg24[%swap3A_32] {strides = array<i32>} : memref<32xf32, #tpu.memory_space<vmem>>, vector<16xf32>,
    tpu.vector_store %arg24[%swap3A_32], %scan3A_28#1 {strides = array<i32>} : memref<32xf32, #tpu.memory_space<vmem>>, vector<16xf32>,
    "tpu.region"() ({
      %run_scoped3A = tpu.sem_alloc : memref<!tpu.dma_semaphore, #tpu.memory_space<semaphore_mem>>
      %dma_start3A = arith.constant 0 : i32
      %dma_start3A_41 = tpu.memref_slice %arg10[%add3A, %dma_start3A] : memref<32x32xf32, #tpu.memory_space<hbm>> -> memref<1x32xf32, #tpu.memory_space<hbm>>
      %dma_start3A_42 = tpu.memref_squeeze %dma_start3A_41 : memref<1x32xf32, #tpu.memory_space<hbm>> -> memref<32xf32, #tpu.memory_space<hbm>>
      %dma_start3A_43 = arith.constant 0 : i32
      %dma_start3A_44 = tpu.memref_slice %arg10[%add3A, %dma_start3A_43] : memref<32x32xf32, #tpu.memory_space<hbm>> -> memref<1x32xf32, #tpu.memory_space<hbm>>
      %dma_start3A_45 = tpu.memref_squeeze %dma_start3A_44 : memref<1x32xf32, #tpu.memory_space<hbm>> -> memref<32xf32, #tpu.memory_space<hbm>>
      tpu.enqueue_dma source(%arg24 : memref<32xf32, #tpu.memory_space<vmem>>) target(%dma_start3A_45 : memref<32xf32, #tpu.memory_space<hbm>>) target_semaphore(%run_scoped3A : memref<!tpu.dma_semaphore, #tpu.memory_space<semaphore_mem>>)
      %dma_wait3A = arith.constant 0 : i32
      %dma_wait3A_46 = tpu.memref_slice %arg10[%add3A, %dma_wait3A] : memref<32x32xf32, #tpu.memory_space<hbm>> -> memref<1x32xf32, #tpu.memory_space<hbm>>
      %dma_wait3A_47 = tpu.memref_squeeze %dma_wait3A_46 : memref<1x32xf32, #tpu.memory_space<hbm>> -> memref<32xf32, #tpu.memory_space<hbm>>
      %dma_wait3A_48 = arith.constant 0 : i32
      %dma_wait3A_49 = tpu.memref_slice %arg10[%add3A, %dma_wait3A_48] : memref<32x32xf32, #tpu.memory_space<hbm>> -> memref<1x32xf32, #tpu.memory_space<hbm>>
      %dma_wait3A_50 = tpu.memref_squeeze %dma_wait3A_49 : memref<1x32xf32, #tpu.memory_space<hbm>> -> memref<32xf32, #tpu.memory_space<hbm>>
      tpu.wait_dma2 semaphore(%run_scoped3A : memref<!tpu.dma_semaphore, #tpu.memory_space<semaphore_mem>>) src(%arg24 : memref<32xf32, #tpu.memory_space<vmem>>) dst(%dma_wait3A_50 : memref<32xf32, #tpu.memory_space<hbm>>)
      tpu.yield
    }) : () -> ()
    %scan3A_34 = arith.constant 0 : i32
    %scan3A_35 = arith.constant 0 : i32
    %scan3A_36 = arith.constant 25 : i32
    %scan3A_37 = arith.addi %scan3A_35, %scan3A_36 : i32
    %scan3A_38 = arith.constant 1 : i32
    %scan3A_39 = scf.for %scan3A_41 = %scan3A_35 to %scan3A_37 step %scan3A_38 iter_args(%scan3A_42 = %scan3A_34) -> (i32)  : i32 {
      %mul3A_43 = arith.constant 6250 : i32
      %mul3A_44 = arith.muli %arg1, %mul3A_43 : i32
      %mul3A_45 = arith.constant 250 : i32
      %mul3A_46 = arith.muli %scan3A_41, %mul3A_45 : i32
      %add3A_47 = arith.addi %mul3A_44, %mul3A_46 : i32
      "tpu.region"() ({
        %run_scoped3A = tpu.sem_alloc : memref<!tpu.dma_semaphore, #tpu.memory_space<semaphore_mem>>
        %dma_start3A = arith.constant 0 : i32
        %dma_start3A_49 = tpu.memref_slice %arg25[%add3A_47, %dma_start3A] : memref<100000x8xf32, #tpu.memory_space<vmem_shared>> -> memref<250x8xf32, #tpu.memory_space<vmem_shared>>
        %dma_start3A_50 = arith.constant 0 : i32
        %dma_start3A_51 = tpu.memref_slice %arg25[%add3A_47, %dma_start3A_50] : memref<100000x8xf32, #tpu.memory_space<vmem_shared>> -> memref<250x8xf32, #tpu.memory_space<vmem_shared>>
        tpu.enqueue_dma source(%dma_start3A_51 : memref<250x8xf32, #tpu.memory_space<vmem_shared>>) target(%arg23 : memref<250x8xf32, #tpu.memory_space<vmem>>) target_semaphore(%run_scoped3A : memref<!tpu.dma_semaphore, #tpu.memory_space<semaphore_mem>>)
        %dma_wait3A = arith.constant 0 : i32
        %dma_wait3A_52 = tpu.memref_slice %arg25[%add3A_47, %dma_wait3A] : memref<100000x8xf32, #tpu.memory_space<vmem_shared>> -> memref<250x8xf32, #tpu.memory_space<vmem_shared>>
        %dma_wait3A_53 = arith.constant 0 : i32
        %dma_wait3A_54 = tpu.memref_slice %arg25[%add3A_47, %dma_wait3A_53] : memref<100000x8xf32, #tpu.memory_space<vmem_shared>> -> memref<250x8xf32, #tpu.memory_space<vmem_shared>>
        tpu.wait_dma2 semaphore(%run_scoped3A : memref<!tpu.dma_semaphore, #tpu.memory_space<semaphore_mem>>) src(%dma_wait3A_54 : memref<250x8xf32, #tpu.memory_space<vmem_shared>>) dst(%arg23 : memref<250x8xf32, #tpu.memory_space<vmem>>)
        tpu.yield
      }) : () -> ()
      "tpu.region"() ({
        %run_scoped3A = tpu.sem_alloc : memref<!tpu.dma_semaphore, #tpu.memory_space<semaphore_mem>>
        %dma_start3A = arith.constant 0 : i32
        %dma_start3A_49 = tpu.memref_slice %arg9[%arg0, %add3A_47, %dma_start3A] : memref<2x100000x8xf32, #tpu.memory_space<hbm>> -> memref<1x250x8xf32, #tpu.memory_space<hbm>>
        %dma_start3A_50 = tpu.memref_squeeze %dma_start3A_49 : memref<1x250x8xf32, #tpu.memory_space<hbm>> -> memref<250x8xf32, #tpu.memory_space<hbm>>
        %dma_start3A_51 = arith.constant 0 : i32
        %dma_start3A_52 = tpu.memref_slice %arg9[%arg0, %add3A_47, %dma_start3A_51] : memref<2x100000x8xf32, #tpu.memory_space<hbm>> -> memref<1x250x8xf32, #tpu.memory_space<hbm>>
        %dma_start3A_53 = tpu.memref_squeeze %dma_start3A_52 : memref<1x250x8xf32, #tpu.memory_space<hbm>> -> memref<250x8xf32, #tpu.memory_space<hbm>>
        tpu.enqueue_dma source(%arg23 : memref<250x8xf32, #tpu.memory_space<vmem>>) target(%dma_start3A_53 : memref<250x8xf32, #tpu.memory_space<hbm>>) target_semaphore(%run_scoped3A : memref<!tpu.dma_semaphore, #tpu.memory_space<semaphore_mem>>)
        %dma_wait3A = arith.constant 0 : i32
        %dma_wait3A_54 = tpu.memref_slice %arg9[%arg0, %add3A_47, %dma_wait3A] : memref<2x100000x8xf32, #tpu.memory_space<hbm>> -> memref<1x250x8xf32, #tpu.memory_space<hbm>>
        %dma_wait3A_55 = tpu.memref_squeeze %dma_wait3A_54 : memref<1x250x8xf32, #tpu.memory_space<hbm>> -> memref<250x8xf32, #tpu.memory_space<hbm>>
        %dma_wait3A_56 = arith.constant 0 : i32
        %dma_wait3A_57 = tpu.memref_slice %arg9[%arg0, %add3A_47, %dma_wait3A_56] : memref<2x100000x8xf32, #tpu.memory_space<hbm>> -> memref<1x250x8xf32, #tpu.memory_space<hbm>>
        %dma_wait3A_58 = tpu.memref_squeeze %dma_wait3A_57 : memref<1x250x8xf32, #tpu.memory_space<hbm>> -> memref<250x8xf32, #tpu.memory_space<hbm>>
        tpu.wait_dma2 semaphore(%run_scoped3A : memref<!tpu.dma_semaphore, #tpu.memory_space<semaphore_mem>>) src(%arg23 : memref<250x8xf32, #tpu.memory_space<vmem>>) dst(%dma_wait3A_58 : memref<250x8xf32, #tpu.memory_space<hbm>>)
        tpu.yield
      }) : () -> ()
      %scan3A_48 = arith.constant 0 : i32
      scf.yield %scan3A_48 : i32
    }
    %scan3A_40 = arith.constant 25 : i32
    return
  }
}

module attributes {stable_mosaic.version = 14 : i64} {
  func.func @body(%arg0: memref<16x100000xf32, #tpu.memory_space<vmem>>, %arg1: memref<32x32xf32, #tpu.memory_space<vmem>>, %arg2: memref<3x100000xf32, #tpu.memory_space<vmem>>, %arg3: memref<1x100000xf32, #tpu.memory_space<vmem>>, %arg4: memref<1x100000xf32, #tpu.memory_space<vmem>>, %arg5: memref<1x1xf32, #tpu.memory_space<smem>>) attributes {dimension_semantics = [], scalar_prefetch = 0 : i64, scratch_operands = 0 : i64, tpu.core_type = #tpu.core_type<tc>} {
    %get3A = arith.constant 0 : index
    %get3A_0 = arith.constant 0 : index
    %get3A_1 = vector.load %arg1[%get3A, %get3A_0] : memref<32x32xf32, #tpu.memory_space<vmem>>, vector<32x32xf32>
    %slice3A = vector.extract_strided_slice %get3A_1 {offsets = [0, 0], sizes = [32, 16], strides = [1, 1]} : vector<32x32xf32> to vector<32x16xf32>
    %reduce_sum3A = vector.shape_cast %slice3A : vector<32x16xf32> to vector<1x32x16xf32>
    %reduce_sum3A_2 = arith.constant dense<0.000000e+00> : vector<1xf32>
    %reduce_sum3A_3 = vector.multi_reduction <add>, %reduce_sum3A, %reduce_sum3A_2 [1, 2] : vector<1x32x16xf32> to vector<1xf32>
    %reduce_sum3A_4 = vector.shape_cast %reduce_sum3A_3 : vector<1xf32> to vector<1x1x1xf32>
    %reduce_sum3A_5 = vector.extract %reduce_sum3A_4[0, 0, 0] : f32 from vector<1x1x1xf32>
    %mul3A = arith.constant 3.125000e-07 : f32
    %mul3A_6 = arith.mulf %reduce_sum3A_5, %mul3A : f32
    %slice3A_7 = vector.extract_strided_slice %get3A_1 {offsets = [0, 16], sizes = [32, 16], strides = [1, 1]} : vector<32x32xf32> to vector<32x16xf32>
    %reduce_sum3A_8 = vector.shape_cast %slice3A_7 : vector<32x16xf32> to vector<1x32x16xf32>
    %reduce_sum3A_9 = arith.constant dense<0.000000e+00> : vector<1xf32>
    %reduce_sum3A_10 = vector.multi_reduction <add>, %reduce_sum3A_8, %reduce_sum3A_9 [1, 2] : vector<1x32x16xf32> to vector<1xf32>
    %reduce_sum3A_11 = vector.shape_cast %reduce_sum3A_10 : vector<1xf32> to vector<1x1x1xf32>
    %reduce_sum3A_12 = vector.extract %reduce_sum3A_11[0, 0, 0] : f32 from vector<1x1x1xf32>
    %mul3A_13 = arith.constant 3.125000e-07 : f32
    %mul3A_14 = arith.mulf %reduce_sum3A_12, %mul3A_13 : f32
    %max3A = arith.constant 1.000000e+00 : f32
    %max3A_15 = arith.maximumf %mul3A_6, %max3A : f32
    %div3A = arith.constant 1.000000e+00 : f32
    %div3A_16 = arith.divf %div3A, %max3A_15 : f32
    %max3A_17 = arith.constant 1.000000e+00 : f32
    %max3A_18 = arith.maximumf %mul3A_14, %max3A_17 : f32
    %div3A_19 = arith.constant 1.000000e+00 : f32
    %div3A_20 = arith.divf %div3A_19, %max3A_18 : f32
    %get3A_21 = arith.constant 0 : index
    %get3A_22 = arith.constant 0 : index
    %get3A_23 = vector.load %arg3[%get3A_21, %get3A_22] : memref<1x100000xf32, #tpu.memory_space<vmem>>, vector<1x100000xf32>
    %lt3A = arith.constant 5.000000e-01 : f32
    %lt3A_24 = vector.broadcast %lt3A : f32 to vector<1x100000xf32>
    %lt3A_25 = arith.cmpf olt, %get3A_23, %lt3A_24 : vector<1x100000xf32>
    %get3A_26 = arith.constant 0 : index
    %get3A_27 = arith.constant 0 : index
    %get3A_28 = vector.load %arg4[%get3A_26, %get3A_27] : memref<1x100000xf32, #tpu.memory_space<vmem>>, vector<1x100000xf32>
    %lt3A_29 = arith.constant 5.000000e-01 : f32
    %lt3A_30 = vector.broadcast %lt3A_29 : f32 to vector<1x100000xf32>
    %lt3A_31 = arith.cmpf olt, %get3A_28, %lt3A_30 : vector<1x100000xf32>
    %get3A_32 = arith.constant 0 : index
    %get3A_33 = arith.constant 0 : index
    %get3A_34 = vector.load %arg0[%get3A_32, %get3A_33] : memref<16x100000xf32, #tpu.memory_space<vmem>>, vector<16x100000xf32>
    %get3A_35 = arith.constant 0 : index
    %get3A_36 = arith.constant 0 : index
    %get3A_37 = vector.load %arg2[%get3A_35, %get3A_36] : memref<3x100000xf32, #tpu.memory_space<vmem>>, vector<3x100000xf32>
    %slice3A_38 = vector.extract_strided_slice %get3A_34 {offsets = [0, 0], sizes = [1, 100000], strides = [1, 1]} : vector<16x100000xf32> to vector<1x100000xf32>
    %slice3A_39 = vector.extract_strided_slice %get3A_34 {offsets = [8, 0], sizes = [1, 100000], strides = [1, 1]} : vector<16x100000xf32> to vector<1x100000xf32>
    %add3A = arith.addf %slice3A_38, %slice3A_39 : vector<1x100000xf32>
    %slice3A_40 = vector.extract_strided_slice %get3A_37 {offsets = [0, 0], sizes = [1, 100000], strides = [1, 1]} : vector<3x100000xf32> to vector<1x100000xf32>
    %add3A_41 = arith.addf %add3A, %slice3A_40 : vector<1x100000xf32>
    %mul3A_42 = vector.broadcast %div3A_16 : f32 to vector<1x100000xf32>
    %mul3A_43 = arith.mulf %add3A_41, %mul3A_42 : vector<1x100000xf32>
    %slice3A_44 = vector.extract_strided_slice %get3A_34 {offsets = [3, 0], sizes = [1, 100000], strides = [1, 1]} : vector<16x100000xf32> to vector<1x100000xf32>
    %slice3A_45 = vector.extract_strided_slice %get3A_34 {offsets = [11, 0], sizes = [1, 100000], strides = [1, 1]} : vector<16x100000xf32> to vector<1x100000xf32>
    %add3A_46 = arith.addf %slice3A_44, %slice3A_45 : vector<1x100000xf32>
    %mul3A_47 = vector.broadcast %div3A_20 : f32 to vector<1x100000xf32>
    %mul3A_48 = arith.mulf %add3A_46, %mul3A_47 : vector<1x100000xf32>
    %mul3A_49 = arith.mulf %mul3A_43, %mul3A_43 : vector<1x100000xf32>
    %jit3A = arith.constant 0.000000e+00 : f32
    %broadcast_in_dim3A = vector.broadcast %jit3A : f32 to vector<1x100000xf32>
    %select_n3A = arith.select %lt3A_25, %mul3A_49, %broadcast_in_dim3A : vector<1x100000xi1>, vector<1x100000xf32>
    %reduce_sum3A_50 = vector.shape_cast %select_n3A : vector<1x100000xf32> to vector<1x1x100000xf32>
    %reduce_sum3A_51 = arith.constant dense<0.000000e+00> : vector<1xf32>
    %reduce_sum3A_52 = vector.multi_reduction <add>, %reduce_sum3A_50, %reduce_sum3A_51 [1, 2] : vector<1x1x100000xf32> to vector<1xf32>
    %reduce_sum3A_53 = vector.shape_cast %reduce_sum3A_52 : vector<1xf32> to vector<1x1x1xf32>
    %reduce_sum3A_54 = vector.extract %reduce_sum3A_53[0, 0, 0] : f32 from vector<1x1x1xf32>
    %add3A_55 = arith.constant 0.000000e+00 : f32
    %add3A_56 = arith.addf %add3A_55, %reduce_sum3A_54 : f32
    %mul3A_57 = arith.mulf %mul3A_48, %mul3A_48 : vector<1x100000xf32>
    %jit3A_58 = arith.constant 0.000000e+00 : f32
    %broadcast_in_dim3A_59 = vector.broadcast %jit3A_58 : f32 to vector<1x100000xf32>
    %select_n3A_60 = arith.select %lt3A_31, %mul3A_57, %broadcast_in_dim3A_59 : vector<1x100000xi1>, vector<1x100000xf32>
    %reduce_sum3A_61 = vector.shape_cast %select_n3A_60 : vector<1x100000xf32> to vector<1x1x100000xf32>
    %reduce_sum3A_62 = arith.constant dense<0.000000e+00> : vector<1xf32>
    %reduce_sum3A_63 = vector.multi_reduction <add>, %reduce_sum3A_61, %reduce_sum3A_62 [1, 2] : vector<1x1x100000xf32> to vector<1xf32>
    %reduce_sum3A_64 = vector.shape_cast %reduce_sum3A_63 : vector<1xf32> to vector<1x1x1xf32>
    %reduce_sum3A_65 = vector.extract %reduce_sum3A_64[0, 0, 0] : f32 from vector<1x1x1xf32>
    %add3A_66 = arith.constant 0.000000e+00 : f32
    %add3A_67 = arith.addf %add3A_66, %reduce_sum3A_65 : f32
    %slice3A_68 = vector.extract_strided_slice %get3A_34 {offsets = [1, 0], sizes = [1, 100000], strides = [1, 1]} : vector<16x100000xf32> to vector<1x100000xf32>
    %slice3A_69 = vector.extract_strided_slice %get3A_34 {offsets = [9, 0], sizes = [1, 100000], strides = [1, 1]} : vector<16x100000xf32> to vector<1x100000xf32>
    %add3A_70 = arith.addf %slice3A_68, %slice3A_69 : vector<1x100000xf32>
    %slice3A_71 = vector.extract_strided_slice %get3A_37 {offsets = [1, 0], sizes = [1, 100000], strides = [1, 1]} : vector<3x100000xf32> to vector<1x100000xf32>
    %add3A_72 = arith.addf %add3A_70, %slice3A_71 : vector<1x100000xf32>
    %mul3A_73 = vector.broadcast %div3A_16 : f32 to vector<1x100000xf32>
    %mul3A_74 = arith.mulf %add3A_72, %mul3A_73 : vector<1x100000xf32>
    %slice3A_75 = vector.extract_strided_slice %get3A_34 {offsets = [4, 0], sizes = [1, 100000], strides = [1, 1]} : vector<16x100000xf32> to vector<1x100000xf32>
    %slice3A_76 = vector.extract_strided_slice %get3A_34 {offsets = [12, 0], sizes = [1, 100000], strides = [1, 1]} : vector<16x100000xf32> to vector<1x100000xf32>
    %add3A_77 = arith.addf %slice3A_75, %slice3A_76 : vector<1x100000xf32>
    %mul3A_78 = vector.broadcast %div3A_20 : f32 to vector<1x100000xf32>
    %mul3A_79 = arith.mulf %add3A_77, %mul3A_78 : vector<1x100000xf32>
    %mul3A_80 = arith.mulf %mul3A_74, %mul3A_74 : vector<1x100000xf32>
    %jit3A_81 = arith.constant 0.000000e+00 : f32
    %broadcast_in_dim3A_82 = vector.broadcast %jit3A_81 : f32 to vector<1x100000xf32>
    %select_n3A_83 = arith.select %lt3A_25, %mul3A_80, %broadcast_in_dim3A_82 : vector<1x100000xi1>, vector<1x100000xf32>
    %reduce_sum3A_84 = vector.shape_cast %select_n3A_83 : vector<1x100000xf32> to vector<1x1x100000xf32>
    %reduce_sum3A_85 = arith.constant dense<0.000000e+00> : vector<1xf32>
    %reduce_sum3A_86 = vector.multi_reduction <add>, %reduce_sum3A_84, %reduce_sum3A_85 [1, 2] : vector<1x1x100000xf32> to vector<1xf32>
    %reduce_sum3A_87 = vector.shape_cast %reduce_sum3A_86 : vector<1xf32> to vector<1x1x1xf32>
    %reduce_sum3A_88 = vector.extract %reduce_sum3A_87[0, 0, 0] : f32 from vector<1x1x1xf32>
    %add3A_89 = arith.addf %add3A_56, %reduce_sum3A_88 : f32
    %mul3A_90 = arith.mulf %mul3A_79, %mul3A_79 : vector<1x100000xf32>
    %jit3A_91 = arith.constant 0.000000e+00 : f32
    %broadcast_in_dim3A_92 = vector.broadcast %jit3A_91 : f32 to vector<1x100000xf32>
    %select_n3A_93 = arith.select %lt3A_31, %mul3A_90, %broadcast_in_dim3A_92 : vector<1x100000xi1>, vector<1x100000xf32>
    %reduce_sum3A_94 = vector.shape_cast %select_n3A_93 : vector<1x100000xf32> to vector<1x1x100000xf32>
    %reduce_sum3A_95 = arith.constant dense<0.000000e+00> : vector<1xf32>
    %reduce_sum3A_96 = vector.multi_reduction <add>, %reduce_sum3A_94, %reduce_sum3A_95 [1, 2] : vector<1x1x100000xf32> to vector<1xf32>
    %reduce_sum3A_97 = vector.shape_cast %reduce_sum3A_96 : vector<1xf32> to vector<1x1x1xf32>
    %reduce_sum3A_98 = vector.extract %reduce_sum3A_97[0, 0, 0] : f32 from vector<1x1x1xf32>
    %add3A_99 = arith.addf %add3A_67, %reduce_sum3A_98 : f32
    %slice3A_100 = vector.extract_strided_slice %get3A_34 {offsets = [2, 0], sizes = [1, 100000], strides = [1, 1]} : vector<16x100000xf32> to vector<1x100000xf32>
    %slice3A_101 = vector.extract_strided_slice %get3A_34 {offsets = [10, 0], sizes = [1, 100000], strides = [1, 1]} : vector<16x100000xf32> to vector<1x100000xf32>
    %add3A_102 = arith.addf %slice3A_100, %slice3A_101 : vector<1x100000xf32>
    %slice3A_103 = vector.extract_strided_slice %get3A_37 {offsets = [2, 0], sizes = [1, 100000], strides = [1, 1]} : vector<3x100000xf32> to vector<1x100000xf32>
    %add3A_104 = arith.addf %add3A_102, %slice3A_103 : vector<1x100000xf32>
    %mul3A_105 = vector.broadcast %div3A_16 : f32 to vector<1x100000xf32>
    %mul3A_106 = arith.mulf %add3A_104, %mul3A_105 : vector<1x100000xf32>
    %slice3A_107 = vector.extract_strided_slice %get3A_34 {offsets = [5, 0], sizes = [1, 100000], strides = [1, 1]} : vector<16x100000xf32> to vector<1x100000xf32>
    %slice3A_108 = vector.extract_strided_slice %get3A_34 {offsets = [13, 0], sizes = [1, 100000], strides = [1, 1]} : vector<16x100000xf32> to vector<1x100000xf32>
    %add3A_109 = arith.addf %slice3A_107, %slice3A_108 : vector<1x100000xf32>
    %mul3A_110 = vector.broadcast %div3A_20 : f32 to vector<1x100000xf32>
    %mul3A_111 = arith.mulf %add3A_109, %mul3A_110 : vector<1x100000xf32>
    %mul3A_112 = arith.mulf %mul3A_106, %mul3A_106 : vector<1x100000xf32>
    %jit3A_113 = arith.constant 0.000000e+00 : f32
    %broadcast_in_dim3A_114 = vector.broadcast %jit3A_113 : f32 to vector<1x100000xf32>
    %select_n3A_115 = arith.select %lt3A_25, %mul3A_112, %broadcast_in_dim3A_114 : vector<1x100000xi1>, vector<1x100000xf32>
    %reduce_sum3A_116 = vector.shape_cast %select_n3A_115 : vector<1x100000xf32> to vector<1x1x100000xf32>
    %reduce_sum3A_117 = arith.constant dense<0.000000e+00> : vector<1xf32>
    %reduce_sum3A_118 = vector.multi_reduction <add>, %reduce_sum3A_116, %reduce_sum3A_117 [1, 2] : vector<1x1x100000xf32> to vector<1xf32>
    %reduce_sum3A_119 = vector.shape_cast %reduce_sum3A_118 : vector<1xf32> to vector<1x1x1xf32>
    %reduce_sum3A_120 = vector.extract %reduce_sum3A_119[0, 0, 0] : f32 from vector<1x1x1xf32>
    %add3A_121 = arith.addf %add3A_89, %reduce_sum3A_120 : f32
    %mul3A_122 = arith.mulf %mul3A_111, %mul3A_111 : vector<1x100000xf32>
    %jit3A_123 = arith.constant 0.000000e+00 : f32
    %broadcast_in_dim3A_124 = vector.broadcast %jit3A_123 : f32 to vector<1x100000xf32>
    %select_n3A_125 = arith.select %lt3A_31, %mul3A_122, %broadcast_in_dim3A_124 : vector<1x100000xi1>, vector<1x100000xf32>
    %reduce_sum3A_126 = vector.shape_cast %select_n3A_125 : vector<1x100000xf32> to vector<1x1x100000xf32>
    %reduce_sum3A_127 = arith.constant dense<0.000000e+00> : vector<1xf32>
    %reduce_sum3A_128 = vector.multi_reduction <add>, %reduce_sum3A_126, %reduce_sum3A_127 [1, 2] : vector<1x1x100000xf32> to vector<1xf32>
    %reduce_sum3A_129 = vector.shape_cast %reduce_sum3A_128 : vector<1xf32> to vector<1x1x1xf32>
    %reduce_sum3A_130 = vector.extract %reduce_sum3A_129[0, 0, 0] : f32 from vector<1x1x1xf32>
    %add3A_131 = arith.addf %add3A_99, %reduce_sum3A_130 : f32
    %jit3A_132 = arith.constant 1.000000e+00 : f32
    %jit3A_133 = arith.constant 0.000000e+00 : f32
    %broadcast_in_dim3A_134 = vector.broadcast %jit3A_132 : f32 to vector<1x100000xf32>
    %broadcast_in_dim3A_135 = vector.broadcast %jit3A_133 : f32 to vector<1x100000xf32>
    %select_n3A_136 = arith.select %lt3A_25, %broadcast_in_dim3A_134, %broadcast_in_dim3A_135 : vector<1x100000xi1>, vector<1x100000xf32>
    %reduce_sum3A_137 = vector.shape_cast %select_n3A_136 : vector<1x100000xf32> to vector<1x1x100000xf32>
    %reduce_sum3A_138 = arith.constant dense<0.000000e+00> : vector<1xf32>
    %reduce_sum3A_139 = vector.multi_reduction <add>, %reduce_sum3A_137, %reduce_sum3A_138 [1, 2] : vector<1x1x100000xf32> to vector<1xf32>
    %reduce_sum3A_140 = vector.shape_cast %reduce_sum3A_139 : vector<1xf32> to vector<1x1x1xf32>
    %reduce_sum3A_141 = vector.extract %reduce_sum3A_140[0, 0, 0] : f32 from vector<1x1x1xf32>
    %mul3A_142 = arith.constant 3.000000e+00 : f32
    %mul3A_143 = arith.mulf %reduce_sum3A_141, %mul3A_142 : f32
    %jit3A_144 = arith.constant 1.000000e+00 : f32
    %jit3A_145 = arith.constant 0.000000e+00 : f32
    %broadcast_in_dim3A_146 = vector.broadcast %jit3A_144 : f32 to vector<1x100000xf32>
    %broadcast_in_dim3A_147 = vector.broadcast %jit3A_145 : f32 to vector<1x100000xf32>
    %select_n3A_148 = arith.select %lt3A_31, %broadcast_in_dim3A_146, %broadcast_in_dim3A_147 : vector<1x100000xi1>, vector<1x100000xf32>
    %reduce_sum3A_149 = vector.shape_cast %select_n3A_148 : vector<1x100000xf32> to vector<1x1x100000xf32>
    %reduce_sum3A_150 = arith.constant dense<0.000000e+00> : vector<1xf32>
    %reduce_sum3A_151 = vector.multi_reduction <add>, %reduce_sum3A_149, %reduce_sum3A_150 [1, 2] : vector<1x1x100000xf32> to vector<1xf32>
    %reduce_sum3A_152 = vector.shape_cast %reduce_sum3A_151 : vector<1xf32> to vector<1x1x1xf32>
    %reduce_sum3A_153 = vector.extract %reduce_sum3A_152[0, 0, 0] : f32 from vector<1x1x1xf32>
    %mul3A_154 = arith.constant 3.000000e+00 : f32
    %mul3A_155 = arith.mulf %reduce_sum3A_153, %mul3A_154 : f32
    %div3A_156 = arith.divf %add3A_121, %mul3A_143 : f32
    %div3A_157 = arith.divf %add3A_131, %mul3A_155 : f32
    %add3A_158 = arith.addf %div3A_156, %div3A_157 : f32
    %swap3A = arith.constant 0 : index
    %swap3A_159 = arith.constant 0 : index
    %swap3A_160 = memref.load %arg5[%swap3A, %swap3A_159] : memref<1x1xf32, #tpu.memory_space<smem>>
    memref.store %add3A_158, %arg5[%swap3A, %swap3A_159] : memref<1x1xf32, #tpu.memory_space<smem>>
    return
  }
}

</mosaic_0001>

<sc_bundles>
// kernel: kernel.4.cloned.1.call-start
scs
__scs_entry_jumppad:
0x0: {  	(pc) =	sbr.rel $0x88, $3  }
0x1: {  	(tag) =	ssettag $0x0;
	lr =	simm.s32 $0x1  }
0x2: {  	[smem:$0x3F97] =	sst lr;
	_ =	strace $0xD0000000  }
0x3: {  	_ = 	snop  }
0x4: {  	_ = 	snop  }
0x5: {  	_ = 	snop  }
0x6: {  	_ = 	snop  }
0x7: {  	_ = 	snop  }
__scs_overlays_trampoline_lowered:
0x8: {  	[smem:$0x3FA6] =	sst s0  }
0x9: {  	[smem:$0x3FA7] =	sst s1  }
0xa: {  	[smem:$0x3FA8] =	sst s2  }
0xb: {  	[smem:$0x3FA9] =	sst s3  }
0xc: {  	[smem:$0x3FAA] =	sst s4  }
0xd: {  	[smem:$0x3FAB] =	sst s5  }
0xe: {  	[smem:$0x3FAC] =	sst s6  }
0xf: {  	[smem:$0x3FAD] =	sst s7  }
0x10: {  	[smem:$0x3FAE] =	sst s8  }
0x11: {  	[smem:$0x3FAF] =	sst s9;
	s0 =	simm.s32 @!p0 $0x0  }
0x12: {  	s1 =	sld [smem:$0x3F95];
	s0 =	simm.s32 @p0 $0x1  }
0x13: {  	[smem:$0x3FB0] =	sst s0;
	s0 =	simm.s32 @!p1 $0x0  }
0x14: {  	s2 =	sld [smem:$0x3F94];
	s0 =	simm.s32 @p1 $0x1  }
0x15: {  	[smem:$0x3FB1] =	sst s0;
	s0 =	simm.s32 @!p2 $0x0  }
0x16: {  	s3 =	sld [smem:$0x3FDB];
	s0 =	simm.s32 @p2 $0x1  }
0x17: {  	s4 =	simm.s32 $0x1BF5;
	[smem:$0x3FB3] =	sst s0  }
0x18: {  	s0 =	sld [smem:$0x3F96];
	_ =	swait.ge [sflag:s4], $0x0  }
0x19: {  	s7 =	sld [smem:$0x3F97]  }
0x1a: {  	s8 =	sadd.s32 $0xFFFFE003, lr  }
0x1b: {  	s9 =	sadd.s32 $0xFFFFFEF7, lr;
	s5 =	simm.s32 $0xFFFFFFFF;
	p2 =	slt.u32 s8, $0xFFFFF086  }
0x1c: {  	p1 =	slt.u32 s9, $0xF7A;
	s5 =	simm.s32 @!p2 $0x0  }
0x1d: {  	s5 =	simm.s32 @p1 $0x1;
	p0 =	seq.s32 s7, s2  }
0x1e: {  	s7 =	smul.u32 @!p0 $0xF7A, s2;
	p2 =	seq.s32 @!p0 s5, $0x0  }
0x1f: {  	s9 =	smul.u32 $0xF7A, s1;
	s8 =	simm.s32 @!p0 $0x1BF5;
	p2 =	por !p2, p0  }
0x20: {  	[sflag:s8] =	ssyncset.s32 @!p0 $0xFFFFF086;
	s6 =	sadd.s32 @!p0 s3, s7;
	s7 =	simm.s32 @!p0 $0x108  }
0x21: {  	s3 =	sadd.s32 s3, s9;
	s6 =	sadd.s32 @!p0 $0x88, s6;
	s7 =	simm.s32 @p2 $0x1082  }
0x22: {  	[simem:s7], [sflag:s8] =	dma.local @!p0 [hbm:s6], $0xF7A  }
0x23: {  	s9 =	sor.u32 $0xD0000000, s2;
	s6 =	simm.s32 $0x108;
	_ =	swait.ge @!p0 [sflag:s8], $0x0  }
0x24: {  	s3 =	sadd.s32 $0x88, s3;
	s6 =	simm.s32 @!p1 $0x1082;
	[sflag:s4] =	ssyncset.s32 $0xFFFFF086  }
0x25: {  	[simem:s6], [sflag:s4] =	dma.local [hbm:s3], $0xF7A  }
0x26: {  	[smem:$0x3F97] =	sst s1;
	(tag) =	ssettag s2;
	_ =	strace s9  }
0x27: {  	s1 =	sld [smem:$0x3FA7]  }
0x28: {  	s2 =	sld [smem:$0x3FA8]  }
0x29: {  	s4 =	sld [smem:$0x3FAA]  }
0x2a: {  	p0 =	seq.s32 s5, $0x0;
	s5 =	sld [smem:$0x3FAB]  }
0x2b: {  	s6 =	sld [smem:$0x3FAC]  }
0x2c: {  	s7 =	sld [smem:$0x3FAD]  }
0x2d: {  	s3 =	simm.s32 $0x108;
	s8 =	sld [smem:$0x3FAE]  }
0x2e: {  	s3 =	simm.s32 @!p0 $0x1082;
	s9 =	sld [smem:$0x3FAF]  }
0x2f: {  	lr =	sadd.s32 s0, s3;
	s0 =	sld [smem:$0x3FA6]  }
0x30: {  	s3 =	sld [smem:$0x3FA9]  }
0x31: {  	[smem:$0x3FB2] =	sst s10  }
0x32: {  	s10 =	sld [smem:$0x3FB0];
	_ =	sdelay $0x3  }
0x33: {  	p0 =	seq.s32 s10, $0x1;
	s10 =	sld [smem:$0x3FB2];
	_ =	sdelay $0x3  }
0x34: {  	[smem:$0x3FB2] =	sst s10  }
0x35: {  	s10 =	sld [smem:$0x3FB1];
	_ =	sdelay $0x3  }
0x36: {  	p1 =	seq.s32 s10, $0x1;
	s10 =	sld [smem:$0x3FB2];
	_ =	sdelay $0x3  }
0x37: {  	[smem:$0x3FB2] =	sst s10  }
0x38: {  	s10 =	sld [smem:$0x3FB3]  }
0x39: {  	_ = 	snop;
	(pc) =	sbr.ind lr, $3  }
0x3a: {  	_ = 	snop  }
0x3b: {  	_ = 	snop  }
0x3c: {  	p2 =	seq.s32 s10, $0x1;
	s10 =	sld [smem:$0x3FB2]  }
0x3d: {  	_ =	shalt  }
0x3e: {  	_ =	shalt  }
0x3f: {  	_ =	shalt  }
0x40: {  	_ =	shalt  }
0x41: {  	_ =	shalt  }
0x42: {  	_ =	shalt  }
0x43: {  	_ =	shalt  }
0x44: {  	_ =	shalt  }
0x45: {  	_ =	shalt  }
0x46: {  	_ =	shalt  }
0x47: {  	_ =	shalt  }
0x48: {  	_ =	shalt  }
0x49: {  	_ =	shalt  }
0x4a: {  	_ =	shalt  }
0x4b: {  	_ =	shalt  }
0x4c: {  	_ =	shalt  }
0x4d: {  	_ =	shalt  }
0x4e: {  	_ =	shalt  }
0x4f: {  	_ =	shalt  }
0x50: {  	_ =	shalt  }
0x51: {  	_ =	shalt  }
0x52: {  	_ =	shalt  }
0x53: {  	_ =	shalt  }
0x54: {  	_ =	shalt  }
0x55: {  	_ =	shalt  }
0x56: {  	_ =	shalt  }
0x57: {  	_ =	shalt  }
0x58: {  	_ =	shalt  }
0x59: {  	_ =	shalt  }
0x5a: {  	_ =	shalt  }
0x5b: {  	_ =	shalt  }
0x5c: {  	_ =	shalt  }
0x5d: {  	_ =	shalt  }
0x5e: {  	_ =	shalt  }
0x5f: {  	_ =	shalt  }
0x60: {  	_ =	shalt  }
0x61: {  	_ =	shalt  }
0x62: {  	_ =	shalt  }
0x63: {  	_ =	shalt  }
0x64: {  	_ =	shalt  }
0x65: {  	_ =	shalt  }
0x66: {  	_ =	shalt  }
0x67: {  	_ =	shalt  }
0x68: {  	_ =	shalt  }
0x69: {  	_ =	shalt  }
0x6a: {  	_ =	shalt  }
0x6b: {  	_ =	shalt  }
0x6c: {  	_ =	shalt  }
0x6d: {  	_ =	shalt  }
0x6e: {  	_ =	shalt  }
0x6f: {  	_ =	shalt  }
0x70: {  	_ =	shalt  }
0x71: {  	_ =	shalt  }
0x72: {  	_ =	shalt  }
0x73: {  	_ =	shalt  }
0x74: {  	_ =	shalt  }
0x75: {  	_ =	shalt  }
0x76: {  	_ =	shalt  }
0x77: {  	_ =	shalt  }
0x78: {  	_ =	shalt  }
0x79: {  	_ =	shalt  }
0x7a: {  	_ =	shalt  }
0x7b: {  	_ =	shalt  }
0x7c: {  	_ =	shalt  }
0x7d: {  	_ =	shalt  }
0x7e: {  	_ =	shalt  }
0x7f: {  	_ =	shalt  }
0x80: {  	_ =	shalt  }
0x81: {  	_ =	shalt  }
0x82: {  	_ =	shalt  }
0x83: {  	_ =	shalt  }
0x84: {  	_ =	shalt  }
0x85: {  	_ =	shalt  }
0x86: {  	_ =	shalt  }
0x87: {  	_ =	shalt  }
.Lfunc_end0:
.L_simem_size_0:
called_computation_lowered:
.L_overlay_start_0:
0x88: {  	s2 =	sld [smem:$0x3FD9]  }
0x89: {  	s3 =	sld [smem:$0x3FFE];
	_ =	sdelay $0x1  }
0x8a: {  	s1 =	srdreg.scid  }
0x8b: {  	s0 =	sand.u32 $0x1, s1  }
0x8c: {  	s17 =	sshll.u32 s0, $0xA;
	s2 =	sadd.s32 s3, s2  }
0x8d: {  	s2 =	sadd.s32 s2, s17  }
0x8e: {  	[smem:$0x3FBE] =	sst s2  }
0x8f: {  	_ = 	snop  }
0x90: {  	s2 =	sld [smem:$0x3FC6]  }
0x91: {  	s18 =	sld [smem:$0x3FC5]  }
0x92: {  	s4 =	sld [smem:$0x3FC4]  }
0x93: {  	s5 =	sld [smem:$0x3FC3];
	(tm) =	ssettm $0x1  }
0x94: {  	s6 =	sld [smem:$0x3FFB];
	_ =	sdelay $0x3  }
0x95: {  	_ =	strace s6  }
0x96: {  	s6 =	sld [smem:$0x3FFC];
	_ =	sdelay $0x3  }
0x97: {  	_ =	strace s6  }
0x98: {  	s6 =	sld [smem:$0x3FFD];
	_ =	sdelay $0x3  }
0x99: {  	_ =	strace s6  }
0x9a: {  	_ =	strace $0x8FFFFFFF  }
0x9b: {  	s19 =	sld [smem:$0x3FDB];
	_ =	sdelay $0x1  }
0x9c: {  	s7 =	simm.s32 $_scs_section_size  }
0x9d: {  	s8 =	simm.s32 $_size__tile_overlayer_lowered;
	s9 =	simm.s32 $_tile_overlayer_lowered  }
0x9e: {  	s22 =	simm.s32 $0x1BFF;
	s21 =	sshll.u32 s9, $0x1;
	s6 =	sadd.s32 s7, s19  }
0x9f: {  	s10 =	simm.s32 $0x0;
	s20 =	sshll.u32 s8, $0x1;
	s8 =	sadd.s32 s21, s6  }
0xa0: {  	[timem:s10], [sflag:s22] =	dma.local [hbm:s8], s20  }
0xa1: {  	_ =	swait.ge [sflag:s22], s20  }
0xa2: {  	s7 =	ssub.s32 $0x0, s20;
	[sflag:s22] =	ssyncset.done $0x0  }
0xa3: {  	[sflag:s22] =	ssyncadd.s32 s7;
	_ =	sdelay $0x1  }
0xa4: {  	s23 =	simm.s32 $0x1B8B  }
0xa5: {  	_ =	swait.ge [sflag:s23], $0x1  }
0xa6: {  	[sflag:s23] =	ssyncset.done $0x0  }
0xa7: {  	s25 =	simm.s32 $0x1B8E;
	s24 =	sld [smem:$0x3FFE];
	[sflag:s23] =	ssyncadd.s32 $0xFFFFFFFF  }
0xa8: {  	s26 =	simm.s32 $execute0_lowered;
	[smem:$0x3FD2] =	sst s25  }
0xa9: {  	s8 =	sshll.u32 s26, $0x1;
	_ =	strace $0x80000046;
	[dreg:$0x1] =	wrdreg $0xFFFFFFFF  }
0xaa: {  	s28 =	simm.s32 $_size_execute0_lowered;
	s6 =	sadd.s32 s6, s8;
	[dreg:$0x0] =	wrdreg $0x0  }
0xab: {  	s8 =	sshll.u32 s28, $0x1;
	[dreg:$0x2] =	wrdreg s6  }
0xac: {  	[dreg:$0x3] =	wrdreg s8  }
0xad: {  	[dreg:$0x4] =	wrdreg $0xC0  }
0xae: {  	_ =	task [dreg:s10], $0x5FFFF  }
0xaf: {  	[dreg:$0x1] =	wrdreg $0xFFFFFFFF  }
0xb0: {  	[dreg:$0x0] =	wrdreg $0x60  }
0xb1: {  	[dreg:$0x2] =	wrdreg s24  }
0xb2: {  	[dreg:$0x3] =	wrdreg s2  }
0xb3: {  	[dreg:$0x4] =	wrdreg s18  }
0xb4: {  	[dreg:$0x5] =	wrdreg s4  }
0xb5: {  	[dreg:$0x6] =	wrdreg s5  }
0xb6: {  	[dreg:$0x7] =	wrdreg $0xB0F00  }
0xb7: {  	[dreg:$0x8] =	wrdreg $0x9  }
0xb8: {  	_ =	task.clear_ibuf [dreg:s10], $0x9FFFF;
	_ =	strace $0x90000046  }
0xb9: {  	s29 =	simm.s32 $0x9;
	_ =	strace $0x80000048  }
0xba: {  	_ =	swait.ge [sflag:s29], $0x1  }
0xbb: {  	[sflag:s29] =	ssyncadd.s32 $0xFFFFFFFF  }
0xbc: {  	_ =	strace $0x90000048  }
0xbd: {  	_ =	sfence  }
0xbe: {  	s30 =	sld [smem:$0x0];
	_ =	sdelay $0x2  }
0xbf: {  	s31 =	sshll.u32 s1, $0xD;
	s1 =	sshrl.u32 s1, $0x2  }
0xc0: {  	s3 =	sand.u32 $0x4000, s31;
	s1 =	sadd.s32 s1, s30  }
0xc1: {  	s0 =	sor.u32 s3, s0;
	s1 =	sshll.u32 s1, $0x11  }
0xc2: {  	s0 =	sor.u32 s1, s0  }
0xc3: {  	s0 =	sadd.s32 $0x8F2B, s0  }
0xc4: {  	[sflag:s0] =	ssyncadd.remote.s32 $0x1  }
0xc5: {  	_ =	sfence.sel $0xFFFF  }
0xc6: {  	[dreg:$0x0] =	wrdreg $0xFFFFFFFF;
	(pc) =	sbr.abs _section_cstart, $3  }
0xc7: {  	[dreg:$0x1] =	wrdreg $0xFFFFFFFF  }
0xc8: {  	_ =	task.clear_ibuf [dreg:s10], $0x2FFFF;
	_ =	strace $0x9FFFFFFF  }
0xc9: {  	(tm) =	ssettm $0x7FFFFFFF  }
tec
execute0_lowered:
.L_overlay_start_1:
0x0: {  	(tag) =	ssettag $0x1  }
0x1: {  	s0 =	rddreg [dreg:$0x0]  }
0x2: {  	s5 =	rddreg [dreg:$0x5];
	s6 =	simm.s32 $0x0  }
0x3: {  	s1 =	srdreg.scid;
	s10 =	stileid.u32;
	s16 =	simm.s32 $0xA900  }
0x4: {  	s17 =	simm.s32 $0x7700;
	s18 =	simm.s32 $0x9000;
	s19 =	simm.s32 $0x2  }
0x5: {  	s20 =	simm.s32 $0x1900;
	s28 =	simm.s32 $0x64;
	s29 =	simm.s32 $0x4500  }
0x6: {  	s30 =	simm.s32 $0x5E00;
	s12 =	simm.s32 $0x3EE8;
	s13 =	simm.s32 $0x4228  }
0x7: {  	s22 =	simm.s32 $0x3F50;
	s21 =	simm.s32 $0x4158;
	s11 =	simm.s32 $0x0  }
0x8: {  	[smem:$0x7FF] =	sst s6;
	s7 =	sadd.s32 $0x61BC00, s0;
	s1 =	sand.u32 $0x1, s1  }
0x9: {  	s2 =	sadd.s32 $0x30E800, s0;
	s3 =	sadd.s32 $0x1400, s0;
	s9 =	smul.u32 $0x30D40, s10  }
0xa: {  	s25 =	smul.u32 $0x186A, s10;
	_ =	strace $0x80000047;
	[dreg:$0x7] =	wrdreg s2  }
0xb: {  	s23 =	smul.u32 $0x186A0, s1;
	s24 =	sshll.u32 s1, $0x4;
	s1 =	ssub.s32 $0x2, s1  }
0xc: {  	[dreg:$0x8] =	wrdreg s3;
	s3 =	sor.u32 s10, s24;
	s8 =	sshrl.u32 s1, $0x1  }
0xd: {  	s26 =	sshrl.u32 s9, $0x2;
	s24 =	simm.s32 $0x4290;
	s9 =	simm.s32 $0x4498  }
0xe: {  	s10 =	simm.s32 $0x1;
	s2 =	sadd.s32 s23, s0;
	s4 =	sshll.u32 s3, $0x2  }
0xf: {  	s1 =	ssub.s32 s1, s8;
	s3 =	smul.u32 $0x186A0, s3;
	s14 =	sadd.s32 s26, s5  }
0x10: {  	s26 =	simm.s32 $0x41C0;
	s23 =	simm.s32 $0x43C8;
	s0 =	sadd.s32 s4, s0  }
0x11: {  	s1 =	smax.u32 s1, $0x1;
	s31 =	sadd.s32 s25, s2;
	s25 =	simm.s32 $0x3E80  }
0x12: {  	s4 =	simm.s32 $0x0;
	[dreg:$0x9] =	wrdreg s3;
	s0 =	sadd.s32 $0x665200, s0  }
0x13: {  	v0 =	vlaneseq.u32;
	[dreg:$0xb] =	wrdreg s1;
	s15 =	sadd.s32 $0x634400, s31;
	s3 =	simm.s32 $0x4088  }
0x14: {  	v1 =	vimm.f32 $0.0e+00;
	v2 =	vmul.u32 $0x8, v0;
	s1 =	simm.s32 $0x40F0;
	[dreg:$0xa] =	wrdreg s0;
	s0 =	simm.s32 $0x4430  }
.LBB2_1:
0x15: {  	s2 =	simm.s32 $0x0  }
.LBB2_2:
0x16: {  	v3 =	vor.u32 s2, v0;
	p0 =	seq.s32 s2, $0x7C0  }
.Ltmp0:
0x17: {  	_ = 	snop;
	(pc) =	sbr.rel @!p0 .LBB2_2-.Ltmp0, $2  }
0x18: {  	_ =	sdelay $0x2  }
0x19: {  	s2 =	sadd.s32 $0x10, s2;
	[tilespmem:v3+s16+$0x0] =	vst.idx.msk $0xffff, v1  }
0x1a: {  	s2 =	simm.s32 $0x0  }
0x1b: {  	v3 =	vor.u32 s2, v0;
	_ =	sdelay $0x4  }
0x1c: {  	s2 =	simm.s32 $0x10;
	[tilespmem:v3+s17+$0x0] =	vst.idx.msk $0xffff, v1  }
.LBB2_4:
0x1d: {  	[tilespmem:v3+s18+$0x0] =	vst.idx.msk $0xffff, v1;
	v3 =	vor.u32 s2, v0;
	p0 =	seq.s32 s2, $0x18F0  }
.Ltmp1:
0x1e: {  	s2 =	sadd.s32 $0x10, s2;
	(pc) =	sbr.rel @!p0 .LBB2_4-.Ltmp1, $2  }
0x1f: {  	_ =	sdelay $0x2  }
0x20: {  	[tilespmem:v3+s17+$0x0] =	vst.idx.msk $0xffff, v1  }
0x21: {  	_ =	sdelay $0x3  }
0x22: {  	[tilespmem:v3+s18+$0x0] =	vst.idx.msk $0xffff, v1;
	[dreg:$0xc] =	wrdreg s4;
	s2 =	sadd.s32 $0x0, s14  }
0x23: {  	[spmem:s2] =	stream.linear.scatter [tilespmem:s16], [sflag:$0x2], $0x7D0, $0x38;
	[tilespmem:$0x17440] =	vst v63  }
0x24: {  	s2 =	simm.s32 $0x1F40;
	_ =	swait.ge [sflag:s19], $0x7D0  }
.LBB2_6:
0x25: {  	s4 =	sshra.s32 s2, $0x2;
	[sflag:s19] =	ssyncset.done $0x0;
	p0 =	sne.s32 s2, $0x2EE00  }
.Ltmp2:
0x26: {  	s4 =	sadd.s32 s4, s14;
	[sflag:s19] =	ssyncadd.s32 $0xFFFFF830;
	(pc) =	sbr.rel @p0 .LBB2_6-.Ltmp2, $3  }
0x27: {  	[spmem:s4] =	stream.linear.scatter [tilespmem:s16], [sflag:$0x2], $0x7D0, $0x38;
	[tilespmem:$0x17440] =	vst v63  }
0x28: {  	s2 =	sadd.s32 $0x1F40, s2;
	_ =	sdelay $0x1  }
0x29: {  	_ =	swait.ge [sflag:s19], $0x7D0  }
0x2a: {  	[sflag:s19] =	ssyncset.done $0x0  }
0x2b: {  	[sflag:s19] =	ssyncadd.s32 $0xFFFFF830  }
0x2c: {  	v3 =	vimm.f32 $0.0e+00;
	v4 =	vimm.f32 $0.0e+00;
	s31 =	simm.s32 $0x0;
	[bflag:$0x0] =	sbarrier.arrive $0xFFFF  }
.LBB2_8:
0x2d: {  	s2 =	smul.u32 $0x320, s31  }
0x2e: {  	s4 =	rddreg [dreg:$0x9]  }
0x2f: {  	s8 =	rddreg [dreg:$0x7];
	s2 =	sadd.s32 s4, s2  }
0x30: {  	s4 =	sadd.s32 s8, s2  }
0x31: {  	[tilespmem:s11], [sflag:$0x2] =	stream.linear.gather [hbm4b:s4+s11], $0x1900, $0x38;
	[tilespmem:$0x17440] =	vst v63  }
0x32: {  	_ =	swait.ge [sflag:s19], $0x1900  }
0x33: {  	[sflag:s19] =	ssyncset.done $0x0;
	s8 =	rddreg [dreg:$0x8]  }
0x34: {  	[sflag:s19] =	ssyncadd.s32 $0xFFFFE700;
	s4 =	sadd.s32 s8, s2  }
0x35: {  	[tilespmem:s20], [sflag:$0x2] =	stream.linear.gather [hbm4b:s4+s11], $0x1900, $0x38;
	[tilespmem:$0x17440] =	vst v63  }
0x36: {  	_ =	swait.ge [sflag:s19], $0x1900  }
0x37: {  	[sflag:s19] =	ssyncset.done $0x0  }
0x38: {  	[sflag:s19] =	ssyncadd.s32 $0xFFFFE700  }
0x39: {  	s2 =	sshrl.u32 s2, $0x3;
	s8 =	rddreg [dreg:$0x1]  }
0x3a: {  	s4 =	sadd.s32 s8, s2;
	s8 =	simm.s32 $0x3200  }
0x3b: {  	[tilespmem:s8], [sflag:$0x2] =	stream.linear.gather [hbm4b:s4+s11], $0x320, $0x38;
	[tilespmem:$0x17440] =	vst v63  }
0x3c: {  	_ =	swait.ge [sflag:s19], $0x320  }
0x3d: {  	[sflag:s19] =	ssyncset.done $0x0  }
0x3e: {  	[sflag:s19] =	ssyncadd.s32 $0xFFFFFCE0  }
0x3f: {  	s8 =	rddreg [dreg:$0x2]  }
0x40: {  	s4 =	sadd.s32 s8, s2;
	s8 =	simm.s32 $0x3520  }
0x41: {  	[tilespmem:s8], [sflag:$0x2] =	stream.linear.gather [hbm4b:s4+s11], $0x320, $0x38;
	[tilespmem:$0x17440] =	vst v63  }
0x42: {  	_ =	swait.ge [sflag:s19], $0x320  }
0x43: {  	[sflag:s19] =	ssyncset.done $0x0  }
0x44: {  	[sflag:s19] =	ssyncadd.s32 $0xFFFFFCE0  }
0x45: {  	s8 =	rddreg [dreg:$0x3]  }
0x46: {  	s4 =	sadd.s32 s8, s2;
	s8 =	simm.s32 $0x3840  }
0x47: {  	[tilespmem:s8], [sflag:$0x2] =	stream.linear.gather [hbm4b:s4+s11], $0x320, $0x38;
	[tilespmem:$0x17440] =	vst v63  }
0x48: {  	_ =	swait.ge [sflag:s19], $0x320  }
0x49: {  	v5 =	vor.u32 s11, v0;
	[sflag:s19] =	ssyncset.done $0x0  }
0x4a: {  	v6 =	vmulhi.u32 $0x51EB851F, v5;
	[sflag:s19] =	ssyncadd.s32 $0xFFFFFCE0  }
0x4b: {  	s8 =	rddreg [dreg:$0x4]  }
0x4c: {  	v7 =	vshll.u32 v5, $0x3;
	v6 =	vshrl.u32 v6, $0x5;
	s2 =	sadd.s32 s8, s2;
	s8 =	simm.s32 $0x3B60  }
0x4d: {  	v8 =	vor.u32 $0x1, v7;
	v9 =	vmul.u32 $0xFFFFFF9C, v6;
	[tilespmem:s8], [sflag:$0x2] =	stream.linear.gather [hbm4b:s2+s11], $0x320, $0x38;
	[tilespmem:$0x17440] =	vst v63  }
0x4e: {  	_ =	swait.ge [sflag:s19], $0x320  }
0x4f: {  	v10 =	vmul.u32 $0x68, v6;
	v9 =	vadd.s32 v5, v9;
	[sflag:s19] =	ssyncset.done $0x0  }
0x50: {  	v11 =	vand.u32 $0xFFFFFFF8, v9;
	s8 =	simm.s32 $0x10;
	[sflag:s19] =	ssyncadd.s32 $0xFFFFFCE0  }
0x51: {  	v12 =	vand.u32 $0x7, v9;
	v10 =	vadd.s32 v10, v11;
	v6 =	vor.u32 s8, v0;
	v5 =	vld.idx.msk [tilespmem:v7+s6+$0x0], $0xffff  }
0x52: {  	s2 =	simm.s32 $0x20;
	v9 =	vmulhi.u32 $0x51EB851F, v6;
	v7 =	vld.idx.msk [tilespmem:v8+s6+$0x0], $0xffff;
	v8 =	vor.u32 v12, v10  }
.LBB2_9:
0x53: {  	p0 =	sne.s32 s2, $0x310  }
0x54: {  	v10 =	vshll.u32 v6, $0x3;
	v9 =	vshrl.u32 v9, $0x5  }
0x55: {  	v11 =	vor.u32 $0x1, v10;
	v12 =	vmul.u32 $0xFFFFFF9C, v9  }
.Ltmp3:
0x56: {  	(pc) =	sbr.rel @p0 .LBB2_9-.Ltmp3, $4  }
0x57: {  	v9 =	vmul.u32 $0x68, v9;
	v12 =	vadd.s32 v6, v12;
	[tilespmem:v8+s25+$0x0] =	vst.idx.msk $0xffff, v5  }
0x58: {  	v13 =	vand.u32 $0xFFFFFFF8, v12;
	[tilespmem:v8+s26+$0x0] =	vst.idx.msk $0xffff, v7  }
0x59: {  	v6 =	vor.u32 s2, v0;
	v8 =	vand.u32 $0x7, v12;
	v5 =	vld.idx.msk [tilespmem:v10+s6+$0x0], $0xffff;
	v10 =	vadd.s32 v9, v13  }
0x5a: {  	s2 =	sadd.s32 $0x10, s2;
	v9 =	vmulhi.u32 $0x51EB851F, v6;
	v7 =	vld.idx.msk [tilespmem:v11+s6+$0x0], $0xffff;
	v8 =	vor.u32 v8, v10  }
0x5b: {  	_ = 	snop  }
0x5c: {  	v9 =	vshrl.u32 v9, $0x5  }
0x5d: {  	v10 =	vshll.u32 v6, $0x3;
	v11 =	vmul.u32 $0xFFFFFF9C, v9  }
0x5e: {  	v12 =	vor.u32 $0x1, v10  }
0x5f: {  	v9 =	vmul.u32 $0x68, v9;
	v6 =	vadd.s32 v6, v11  }
0x60: {  	[tilespmem:v8+s25+$0x0] =	vst.idx.msk $0xffff, v5;
	v5 =	vand.u32 $0xFFFFFFF8, v6  }
0x61: {  	[tilespmem:v8+s26+$0x0] =	vst.idx.msk $0xffff, v7;
	v6 =	vand.u32 $0x7, v6;
	v5 =	vadd.s32 v9, v5  }
0x62: {  	v7 =	vld.idx.msk [tilespmem:v10+s6+$0x0], $0xffff;
	v5 =	vor.u32 v6, v5  }
0x63: {  	v6 =	vld.idx.msk [tilespmem:v12+s6+$0x0], $0xffff;
	_ =	sdelay $0x3  }
0x64: {  	[tilespmem:v5+s25+$0x0] =	vst.idx.msk $0xffff, v7  }
0x65: {  	[tilespmem:v5+s26+$0x0] =	vst.idx.msk $0xffff, v6  }
0x66: {  	[tilespmem:s29], [sflag:$0x1] =	stream.indirect.gather [hbm4b:s7+s28], $0x8, s25, s28, $0xb8;
	[tilespmem:$0x17440] =	vst v63  }
0x67: {  	_ = 	snop  }
0x68: {  	[tilespmem:s30], [sflag:$0x1] =	stream.indirect.gather [hbm4b:s7+s28], $0x8, s26, s28, $0xb8;
	[tilespmem:$0x17440] =	vst v63  }
0x69: {  	s2 =	simm.s32 $0x4820  }
0x6a: {  	[tilespmem:s2], [sflag:$0x1] =	stream.indirect.gather [hbm4b:s7+s28], $0x8, s12, s28, $0xb8;
	[tilespmem:$0x17440] =	vst v63  }
0x6b: {  	s12 =	simm.s32 $0x6120  }
0x6c: {  	[tilespmem:s12], [sflag:$0x1] =	stream.indirect.gather [hbm4b:s7+s28], $0x8, s13, s28, $0xb8;
	[tilespmem:$0x17440] =	vst v63  }
0x6d: {  	s13 =	simm.s32 $0x4B40  }
0x6e: {  	[tilespmem:s13], [sflag:$0x1] =	stream.indirect.gather [hbm4b:s7+s28], $0x8, s22, s28, $0xb8;
	[tilespmem:$0x17440] =	vst v63  }
0x6f: {  	s4 =	simm.s32 $0x6440  }
0x70: {  	[tilespmem:s4], [sflag:$0x1] =	stream.indirect.gather [hbm4b:s7+s28], $0x8, s24, s28, $0xb8;
	[tilespmem:$0x17440] =	vst v63  }
0x71: {  	s8 =	simm.s32 $0x3FB8;
	s4 =	simm.s32 $0x4E60  }
0x72: {  	[tilespmem:s4], [sflag:$0x1] =	stream.indirect.gather [hbm4b:s7+s28], $0x8, s8, s28, $0xb8;
	[tilespmem:$0x17440] =	vst v63  }
0x73: {  	s12 =	simm.s32 $0x42F8;
	s13 =	simm.s32 $0x6760  }
0x74: {  	[tilespmem:s13], [sflag:$0x1] =	stream.indirect.gather [hbm4b:s7+s28], $0x8, s12, s28, $0xb8;
	[tilespmem:$0x17440] =	vst v63  }
0x75: {  	s22 =	simm.s32 $0x4020;
	s24 =	simm.s32 $0x5180  }
0x76: {  	[tilespmem:s24], [sflag:$0x1] =	stream.indirect.gather [hbm4b:s7+s28], $0x8, s22, s28, $0xb8;
	[tilespmem:$0x17440] =	vst v63  }
0x77: {  	s8 =	simm.s32 $0x4360;
	s12 =	simm.s32 $0x6A80  }
0x78: {  	[tilespmem:s12], [sflag:$0x1] =	stream.indirect.gather [hbm4b:s7+s28], $0x8, s8, s28, $0xb8;
	[tilespmem:$0x17440] =	vst v63  }
0x79: {  	s13 =	simm.s32 $0x54A0  }
0x7a: {  	[tilespmem:s13], [sflag:$0x1] =	stream.indirect.gather [hbm4b:s7+s28], $0x8, s3, s28, $0xb8;
	[tilespmem:$0x17440] =	vst v63  }
0x7b: {  	s22 =	simm.s32 $0x6DA0  }
0x7c: {  	[tilespmem:s22], [sflag:$0x1] =	stream.indirect.gather [hbm4b:s7+s28], $0x8, s23, s28, $0xb8;
	[tilespmem:$0x17440] =	vst v63  }
0x7d: {  	s24 =	simm.s32 $0x57C0  }
0x7e: {  	[tilespmem:s24], [sflag:$0x1] =	stream.indirect.gather [hbm4b:s7+s28], $0x8, s1, s28, $0xb8;
	[tilespmem:$0x17440] =	vst v63  }
0x7f: {  	s4 =	simm.s32 $0x70C0  }
0x80: {  	[tilespmem:s4], [sflag:$0x1] =	stream.indirect.gather [hbm4b:s7+s28], $0x8, s0, s28, $0xb8;
	[tilespmem:$0x17440] =	vst v63  }
0x81: {  	s8 =	simm.s32 $0x5AE0  }
0x82: {  	[tilespmem:s8], [sflag:$0x1] =	stream.indirect.gather [hbm4b:s7+s28], $0x8, s21, s28, $0xb8;
	[tilespmem:$0x17440] =	vst v63  }
0x83: {  	s12 =	simm.s32 $0x73E0  }
0x84: {  	[tilespmem:s12], [sflag:$0x1] =	stream.indirect.gather [hbm4b:s7+s28], $0x8, s9, s28, $0xb8;
	[tilespmem:$0x17440] =	vst v63  }
0x85: {  	_ =	swait.ge [sflag:s10], $0x320  }
0x86: {  	[sflag:s10] =	ssyncset.done $0x0  }
0x87: {  	[sflag:s10] =	ssyncadd.s32 $0xFFFFFCE0  }
0x88: {  	_ =	swait.ge [sflag:s10], $0x320  }
0x89: {  	[sflag:s10] =	ssyncset.done $0x0  }
0x8a: {  	[sflag:s10] =	ssyncadd.s32 $0xFFFFFCE0  }
0x8b: {  	_ =	swait.ge [sflag:s10], $0x320  }
0x8c: {  	[sflag:s10] =	ssyncset.done $0x0  }
0x8d: {  	[sflag:s10] =	ssyncadd.s32 $0xFFFFFCE0  }
0x8e: {  	_ =	swait.ge [sflag:s10], $0x320  }
0x8f: {  	[sflag:s10] =	ssyncset.done $0x0  }
0x90: {  	[sflag:s10] =	ssyncadd.s32 $0xFFFFFCE0  }
0x91: {  	_ =	swait.ge [sflag:s10], $0x320  }
0x92: {  	[sflag:s10] =	ssyncset.done $0x0  }
0x93: {  	[sflag:s10] =	ssyncadd.s32 $0xFFFFFCE0  }
0x94: {  	_ =	swait.ge [sflag:s10], $0x320  }
0x95: {  	[sflag:s10] =	ssyncset.done $0x0  }
0x96: {  	[sflag:s10] =	ssyncadd.s32 $0xFFFFFCE0  }
0x97: {  	_ =	swait.ge [sflag:s10], $0x320  }
0x98: {  	[sflag:s10] =	ssyncset.done $0x0  }
0x99: {  	[sflag:s10] =	ssyncadd.s32 $0xFFFFFCE0  }
0x9a: {  	_ =	swait.ge [sflag:s10], $0x320  }
0x9b: {  	[sflag:s10] =	ssyncset.done $0x0  }
0x9c: {  	[sflag:s10] =	ssyncadd.s32 $0xFFFFFCE0  }
0x9d: {  	_ =	swait.ge [sflag:s10], $0x320  }
0x9e: {  	[sflag:s10] =	ssyncset.done $0x0  }
0x9f: {  	[sflag:s10] =	ssyncadd.s32 $0xFFFFFCE0  }
0xa0: {  	_ =	swait.ge [sflag:s10], $0x320  }
0xa1: {  	[sflag:s10] =	ssyncset.done $0x0  }
0xa2: {  	[sflag:s10] =	ssyncadd.s32 $0xFFFFFCE0  }
0xa3: {  	_ =	swait.ge [sflag:s10], $0x320  }
0xa4: {  	[sflag:s10] =	ssyncset.done $0x0  }
0xa5: {  	[sflag:s10] =	ssyncadd.s32 $0xFFFFFCE0  }
0xa6: {  	_ =	swait.ge [sflag:s10], $0x320  }
0xa7: {  	[sflag:s10] =	ssyncset.done $0x0  }
0xa8: {  	[sflag:s10] =	ssyncadd.s32 $0xFFFFFCE0  }
0xa9: {  	_ =	swait.ge [sflag:s10], $0x320  }
0xaa: {  	[sflag:s10] =	ssyncset.done $0x0  }
0xab: {  	[sflag:s10] =	ssyncadd.s32 $0xFFFFFCE0  }
0xac: {  	_ =	swait.ge [sflag:s10], $0x320  }
0xad: {  	s13 =	simm.s32 $0x0;
	[sflag:s10] =	ssyncset.done $0x0  }
0xae: {  	v5 =	vmov s13;
	[sflag:s10] =	ssyncadd.s32 $0xFFFFFCE0  }
0xaf: {  	v5 =	vshll.u32 v5, $0x3;
	_ =	swait.ge [sflag:s10], $0x320  }
0xb0: {  	v6 =	vor.u32 v2, v5;
	[sflag:s10] =	ssyncset.done $0x0  }
0xb1: {  	v5 =	vor.u32 $0x2, v6;
	[sflag:s10] =	ssyncadd.s32 $0xFFFFFCE0  }
0xb2: {  	v7 =	vor.u32 $0x1, v6;
	_ =	swait.ge [sflag:s10], $0x320  }
0xb3: {  	[sflag:s10] =	ssyncset.done $0x0  }
0xb4: {  	[sflag:s10] =	ssyncadd.s32 $0xFFFFFCE0  }
0xb5: {  	v24 =	vld.idx.msk [tilespmem:v6+s20+$0x0], $0xffff  }
0xb6: {  	v23 =	vld.idx.msk [tilespmem:v5+s20+$0x0], $0xffff  }
0xb7: {  	v25 =	vld.idx.msk [tilespmem:v7+s20+$0x0], $0xffff;
	_ =	sdelay $0x4  }
0xb8: {  	v8 =	vsub.f32 $0.0e+00, v23;
	v9 =	vsub.f32 $0.0e+00, v24;
	v10 =	vand.u32 $0x7FFFFFFF, v25  }
0xb9: {  	vm0 =	vgt.f32 v10, $9.900000090e-01  }
0xba: {  	v8 =	vsel vm0, v25, v8;
	v9 =	vnsel vm0, $0x0, v9  }
0xbb: {  	v10 =	vmul.f32 v8, v8;
	v11 =	vmul.f32 v9, v9  }
0xbc: {  	v12 =	vsel vm0, $0x0, v24  }
0xbd: {  	v10 =	vadd.f32 v11, v10;
	v11 =	vmul.f32 v12, v12;
	_ =	sdelay $0x1  }
0xbe: {  	v10 =	vadd.f32 v10, v11;
	_ =	sdelay $0x1  }
0xbf: {  	v10 =	vmax.f32 v10, $1.000000000e-30  }
0xc0: {  	v11 =	vshrl.u32 v10, $0x1;
	v13 =	vmul.f32 $5.000000000e-01, v10  }
0xc1: {  	v11 =	vsub.s32 $0x5F3759DF, v11  }
0xc2: {  	v14 =	vmul.f32 v11, v13;
	_ =	sdelay $0x1  }
0xc3: {  	v14 =	vmul.f32 v11, v14;
	_ =	sdelay $0x1  }
0xc4: {  	v14 =	vsub.f32 $1.500000000e+00, v14;
	_ =	sdelay $0x1  }
0xc5: {  	v11 =	vmul.f32 v11, v14;
	_ =	sdelay $0x1  }
0xc6: {  	v14 =	vmul.f32 v11, v13;
	_ =	sdelay $0x1  }
0xc7: {  	v14 =	vmul.f32 v14, v11;
	_ =	sdelay $0x1  }
0xc8: {  	v14 =	vsub.f32 $1.500000000e+00, v14;
	_ =	sdelay $0x1  }
0xc9: {  	v11 =	vmul.f32 v14, v11;
	_ =	sdelay $0x1  }
0xca: {  	v13 =	vmul.f32 v11, v13;
	_ =	sdelay $0x1  }
0xcb: {  	v13 =	vmul.f32 v13, v11;
	_ =	sdelay $0x1  }
0xcc: {  	v13 =	vsub.f32 $1.500000000e+00, v13;
	_ =	sdelay $0x1  }
0xcd: {  	v11 =	vmul.f32 v13, v11;
	_ =	sdelay $0x1  }
0xce: {  	v10 =	vmul.f32 v11, v10;
	_ =	sdelay $0x1  }
0xcf: {  	v10 =	vmax.f32 v10, $9.999999930e-09  }
0xd0: {  	(erf) = vrcp.f32 v10;
	_ =	sdelay $0x8  }
0xd1: {  	v10 =	vpop (erf)  }
0xd2: {  	v13 =	vmul.f32 v10, v9;
	v12 =	vmul.f32 v10, v12  }
0xd3: {  	v11 =	vmul.f32 v10, v8  }
0xd4: {  	v8 =	vmul.f32 v13, v23;
	v9 =	vmul.f32 v12, v25  }
0xd5: {  	v10 =	vmul.f32 v12, v24;
	v14 =	vmul.f32 v11, v23  }
0xd6: {  	v15 =	vmul.f32 v13, v24  }
0xd7: {  	v16 =	vmul.f32 v11, v25;
	v20 =	vsub.f32 v8, v9;
	v22 =	vsub.f32 v10, v14;
	_ =	sdelay $0x1  }
0xd8: {  	v21 =	vsub.f32 v16, v15;
	v8 =	vmul.f32 v20, v20;
	v9 =	vmul.f32 v22, v22;
	_ =	sdelay $0x1  }
0xd9: {  	v10 =	vmul.f32 v21, v21;
	v9 =	vadd.f32 v9, v8;
	_ =	sdelay $0x1  }
0xda: {  	v10 =	vadd.f32 v9, v10;
	_ =	sdelay $0x1  }
0xdb: {  	v30 =	vmax.f32 v10, $1.000000000e-30  }
0xdc: {  	v15 =	vshrl.u32 v30, $0x1;
	v26 =	vmul.f32 $5.000000000e-01, v30  }
0xdd: {  	v27 =	vsub.s32 $0x5F3759DF, v15  }
0xde: {  	v15 =	vmul.f32 v27, v26;
	_ =	sdelay $0x1  }
0xdf: {  	v18 =	vmul.f32 v27, v15  }
0xe0: {  	s8 =	simm.s32 $0x3200  }
0xe1: {  	v31 =	vld [tilespmem:s8+$0x0];
	v29 =	vsub.f32 $1.500000000e+00, v18;
	_ =	sdelay $0x1  }
0xe2: {  	v28 =	vld.idx.msk [tilespmem:v6+s30+$0x0], $0xffff;
	v27 =	vmul.f32 v27, v29  }
0xe3: {  	v32 =	vld.idx.msk [tilespmem:v7+s29+$0x0], $0xffff  }
0xe4: {  	s22 =	simm.s32 $0x3840;
	v34 =	vld.idx.msk [tilespmem:v6+s29+$0x0], $0xffff;
	v33 =	vmul.f32 v27, v26  }
0xe5: {  	s13 =	simm.s32 $0x3520;
	v35 =	vld [tilespmem:s22+$0x0];
	(erf) = vrcp.f32 v31  }
0xe6: {  	v40 =	vld [tilespmem:s13+$0x0];
	v8 =	vor.u32 $0x4, v6;
	v33 =	vmul.f32 v33, v27  }
0xe7: {  	v29 =	vld.idx.msk [tilespmem:v7+s30+$0x0], $0xffff  }
0xe8: {  	v36 =	vld.idx.msk [tilespmem:v5+s30+$0x0], $0xffff;
	v9 =	vor.u32 $0x3, v6;
	v31 =	vsub.f32 $1.500000000e+00, v33  }
0xe9: {  	s24 =	simm.s32 $0x3B60;
	v38 =	vld.idx.msk [tilespmem:v5+s29+$0x0], $0xffff  }
0xea: {  	v42 =	vld [tilespmem:s24+$0x0];
	v43 =	vmul.f32 v31, v27  }
0xeb: {  	v28 =	vsub.f32 v28, v34;
	v10 =	vor.u32 $0x5, v6;
	v14 =	vld.idx.msk [tilespmem:v8+s30+$0x0], $0xffff  }
0xec: {  	v48 =	vmul.f32 v35, v40;
	v16 =	vld.idx.msk [tilespmem:v8+s29+$0x0], $0xffff;
	v29 =	vsub.f32 v29, v32;
	v26 =	vmul.f32 v43, v26  }
0xed: {  	v47 =	vmul.f32 v28, v24;
	v45 =	vmul.f32 v11, v28;
	v17 =	vld.idx.msk [tilespmem:v9+s30+$0x0], $0xffff  }
0xee: {  	v34 =	vpop (erf);
	v19 =	vld.idx.msk [tilespmem:v9+s29+$0x0], $0xffff;
	v32 =	vsub.f32 v36, v38;
	v27 =	vmul.f32 v29, v25;
	v26 =	vmul.f32 v26, v43  }
0xef: {  	v35 =	vmul.f32 v34, v34;
	v60 =	vmul.f32 v48, v34  }
0xf0: {  	v15 =	vld.idx.msk [tilespmem:v10+s30+$0x0], $0xffff;
	v38 =	vmul.f32 v32, v23;
	v58 =	vadd.f32 v27, v47;
	v26 =	vsub.f32 $1.500000000e+00, v26  }
0xf1: {  	v56 =	vmul.f32 v13, v14;
	v44 =	vmul.f32 v13, v16  }
0xf2: {  	v37 =	vmul.f32 v11, v17;
	v61 =	vadd.f32 v38, v58;
	v62 =	vmul.f32 v26, v43  }
0xf3: {  	v41 =	vmul.f32 v11, v19;
	v33 =	vmul.f32 v42, v40  }
0xf4: {  	v4 =	vadd.f32 v48, v4;
	v18 =	vld.idx.msk [tilespmem:v10+s29+$0x0], $0xffff;
	v63 =	vmul.f32 v61, v60;
	v42 =	vmul.f32 v62, v30  }
0xf5: {  	v39 =	vmul.f32 v12, v15;
	v57 =	vadd.f32 v56, v37;
	v59 =	vmul.f32 $1.200000000e+01, v33  }
0xf6: {  	v30 =	vmul.f32 v63, v24;
	v24 =	vmul.f32 v63, v25;
	v25 =	vmax.f32 v42, $9.999999930e-09  }
0xf7: {  	v37 =	vadd.f32 v44, v41;
	v46 =	vmul.f32 v13, v29;
	(erf) = vrcp.f32 v25  }
0xf8: {  	v40 =	vmul.f32 v12, v32;
	v27 =	vadd.f32 v57, v39;
	v36 =	vmul.f32 v59, v35  }
0xf9: {  	s2 =	simm.s32 $0x3850;
	v31 =	vmul.f32 v12, v18;
	v39 =	vadd.f32 v46, v45;
	v38 =	vmul.f32 $6.000000000e+00, v33  }
0xfa: {  	s4 =	simm.s32 $0x3B70;
	s22 =	simm.s32 $0x10;
	s24 =	simm.s32 $0x20;
	v36 =	vmul.f32 v36, v34;
	v26 =	vadd.f32 v27, v27;
	v23 =	vmul.f32 v63, v23  }
.LBB2_11:
0xfb: {  	s8 =	sadd.s32 $0x10, s8  }
0xfc: {  	v25 =	vmov s22;
	s13 =	sadd.s32 $0x10, s13;
	s22 =	smov.u32 s24;
	s12 =	sadd.s32 $0x10, s24  }
0xfd: {  	p0 =	sne.s32 s24, $0x310;
	v25 =	vshll.u32 v25, $0x3  }
0xfe: {  	v25 =	vor.u32 v2, v25  }
0xff: {  	v41 =	vor.u32 $0x1, v25;
	v42 =	vor.u32 $0x2, v25  }
0x100: {  	v31 =	vadd.f32 v37, v31;
	v37 =	vpop (erf)  }
0x101: {  	v20 =	vmul.f32 v37, v20;
	v22 =	vmul.f32 v37, v22  }
0x102: {  	v43 =	vadd.f32 v31, v31;
	v21 =	vmul.f32 v37, v21;
	v37 =	vadd.f32 v27, v31  }
0x103: {  	v39 =	vadd.f32 v39, v40;
	v19 =	vmul.f32 v20, v19;
	v16 =	vmul.f32 v22, v16  }
0x104: {  	v27 =	vadd.f32 v43, v27;
	v17 =	vmul.f32 v20, v17;
	v14 =	vmul.f32 v22, v14  }
0x105: {  	v18 =	vmul.f32 v21, v18;
	v15 =	vmul.f32 v21, v15;
	v16 =	vadd.f32 v16, v19  }
0x106: {  	v14 =	vadd.f32 v14, v17;
	v17 =	vmul.f32 v20, v28;
	v19 =	vmul.f32 v22, v29  }
0x107: {  	v26 =	vadd.f32 v26, v31;
	v16 =	vadd.f32 v16, v18;
	v18 =	vmul.f32 v21, v32  }
0x108: {  	v28 =	vmul.f32 v33, v34;
	v14 =	vadd.f32 v14, v15;
	v15 =	vadd.f32 v19, v17  }
0x109: {  	v17 =	vmul.f32 v38, v35;
	v19 =	vmul.f32 v39, v36;
	v29 =	vadd.f32 v16, v16  }
0x10a: {  	v31 =	vadd.f32 v14, v16;
	v15 =	vadd.f32 v15, v18;
	v18 =	vmul.f32 v27, v28  }
0x10b: {  	v27 =	vadd.f32 v29, v14;
	v14 =	vadd.f32 v14, v14;
	v29 =	vmul.f32 v37, v17  }
0x10c: {  	v3 =	vadd.f32 v28, v3;
	v31 =	vmul.f32 v31, v17;
	v32 =	vmul.f32 v15, v36  }
0x10d: {  	v15 =	vmul.f32 v15, v17;
	v27 =	vmul.f32 v27, v28;
	v14 =	vadd.f32 v14, v16  }
0x10e: {  	v26 =	vmul.f32 v26, v28;
	v16 =	vadd.f32 v31, v19;
	v19 =	vadd.f32 v32, v29  }
0x10f: {  	v18 =	vadd.f32 v15, v18;
	v14 =	vmul.f32 v14, v28  }
0x110: {  	v15 =	vadd.f32 v15, v26;
	v26 =	vmul.f32 v16, v11;
	v28 =	vmul.f32 v19, v20  }
0x111: {  	v29 =	vmul.f32 v16, v13;
	v16 =	vmul.f32 v16, v12  }
0x112: {  	v17 =	vmul.f32 v39, v17;
	v26 =	vadd.f32 v26, v30;
	v30 =	vmul.f32 v19, v22  }
0x113: {  	v24 =	vadd.f32 v29, v24;
	v19 =	vmul.f32 v19, v21;
	v29 =	vmul.f32 v18, v11  }
0x114: {  	v16 =	vadd.f32 v16, v23;
	v26 =	vadd.f32 v26, v28  }
0x115: {  	v23 =	vadd.f32 v27, v17;
	v27 =	vmul.f32 v18, v13;
	v24 =	vadd.f32 v24, v30  }
0x116: {  	v18 =	vmul.f32 v18, v12;
	v16 =	vadd.f32 v16, v19;
	[tilespmem:v6+s17+$0x0] =	vst.idx.msk $0xffff, v26  }
0x117: {  	v19 =	vmul.f32 v23, v20;
	v28 =	vmul.f32 v23, v22;
	[tilespmem:v7+s17+$0x0] =	vst.idx.msk $0xffff, v24  }
0x118: {  	v14 =	vadd.f32 v14, v17;
	v17 =	vmul.f32 v23, v21;
	[tilespmem:v5+s17+$0x0] =	vst.idx.msk $0xffff, v16  }
0x119: {  	v19 =	vadd.f32 v19, v29;
	v23 =	vadd.f32 v28, v27  }
0x11a: {  	v13 =	vmul.f32 v15, v13;
	v12 =	vmul.f32 v15, v12;
	v26 =	vsub.f32 $0.0e+00, v26  }
0x11b: {  	v11 =	vmul.f32 v15, v11;
	v17 =	vadd.f32 v17, v18;
	v15 =	vsub.f32 $0.0e+00, v24;
	[tilespmem:v9+s17+$0x0] =	vst.idx.msk $0xffff, v19  }
0x11c: {  	v18 =	vmul.f32 v14, v20;
	v16 =	vsub.f32 $0.0e+00, v16;
	v19 =	vmul.f32 v14, v22;
	[tilespmem:v8+s17+$0x0] =	vst.idx.msk $0xffff, v23  }
0x11d: {  	v14 =	vmul.f32 v14, v21;
	[tilespmem:v10+s17+$0x0] =	vst.idx.msk $0xffff, v17  }
0x11e: {  	[tilespmem:v6+s18+$0x0] =	vst.idx.msk $0xffff, v26;
	v6 =	vmov v25  }
0x11f: {  	v11 =	vadd.f32 v18, v11;
	[tilespmem:v7+s18+$0x0] =	vst.idx.msk $0xffff, v15;
	v7 =	vmov v41  }
0x120: {  	v13 =	vadd.f32 v19, v13;
	[tilespmem:v5+s18+$0x0] =	vst.idx.msk $0xffff, v16;
	v5 =	vmov v42  }
0x121: {  	v12 =	vadd.f32 v14, v12;
	[tilespmem:v9+s18+$0x0] =	vst.idx.msk $0xffff, v11  }
0x122: {  	[tilespmem:v8+s18+$0x0] =	vst.idx.msk $0xffff, v13  }
0x123: {  	[tilespmem:v10+s18+$0x0] =	vst.idx.msk $0xffff, v12  }
0x124: {  	v24 =	vld.idx.msk [tilespmem:v25+s20+$0x0], $0xffff  }
0x125: {  	v23 =	vld.idx.msk [tilespmem:v42+s20+$0x0], $0xffff  }
0x126: {  	v25 =	vld.idx.msk [tilespmem:v41+s20+$0x0], $0xffff;
	_ =	sdelay $0x4  }
0x127: {  	v9 =	vsub.f32 $0.0e+00, v24;
	v8 =	vsub.f32 $0.0e+00, v23  }
0x128: {  	v10 =	vand.u32 $0x7FFFFFFF, v25  }
0x129: {  	vm0 =	vgt.f32 v10, $9.900000090e-01  }
0x12a: {  	v11 =	vsel vm0, v25, v8;
	v12 =	vnsel vm0, $0x0, v9;
	v20 =	vsel vm0, $0x0, v24  }
0x12b: {  	v8 =	vmul.f32 v11, v11;
	v9 =	vmul.f32 v12, v12;
	_ =	sdelay $0x1  }
0x12c: {  	v10 =	vmul.f32 v20, v20;
	v9 =	vadd.f32 v9, v8;
	_ =	sdelay $0x1  }
0x12d: {  	v8 =	vor.u32 $0x4, v6;
	v9 =	vadd.f32 v9, v10;
	_ =	sdelay $0x1  }
0x12e: {  	v13 =	vmax.f32 v9, $1.000000000e-30  }
0x12f: {  	v9 =	vor.u32 $0x3, v6;
	v10 =	vshrl.u32 v13, $0x1;
	v21 =	vmul.f32 $5.000000000e-01, v13  }
0x130: {  	v22 =	vsub.s32 $0x5F3759DF, v10  }
0x131: {  	v10 =	vor.u32 $0x5, v6;
	v15 =	vmul.f32 v22, v21;
	v14 =	vld.idx.msk [tilespmem:v8+s30+$0x0], $0xffff  }
0x132: {  	v28 =	vld.idx.msk [tilespmem:v6+s30+$0x0], $0xffff  }
0x133: {  	v15 =	vmul.f32 v22, v15;
	v16 =	vld.idx.msk [tilespmem:v8+s29+$0x0], $0xffff  }
0x134: {  	v19 =	vld.idx.msk [tilespmem:v9+s29+$0x0], $0xffff  }
0x135: {  	v26 =	vsub.f32 $1.500000000e+00, v15;
	v17 =	vld.idx.msk [tilespmem:v9+s30+$0x0], $0xffff  }
0x136: {  	v15 =	vld.idx.msk [tilespmem:v10+s30+$0x0], $0xffff  }
0x137: {  	v22 =	vmul.f32 v22, v26;
	v18 =	vld.idx.msk [tilespmem:v10+s29+$0x0], $0xffff;
	_ =	sdelay $0x1  }
0x138: {  	v26 =	vmul.f32 v22, v21;
	_ =	sdelay $0x1  }
0x139: {  	v26 =	vmul.f32 v26, v22;
	_ =	sdelay $0x1  }
0x13a: {  	v26 =	vsub.f32 $1.500000000e+00, v26;
	_ =	sdelay $0x1  }
0x13b: {  	v22 =	vmul.f32 v26, v22;
	_ =	sdelay $0x1  }
0x13c: {  	v21 =	vmul.f32 v22, v21;
	_ =	sdelay $0x1  }
0x13d: {  	v21 =	vmul.f32 v21, v22;
	_ =	sdelay $0x1  }
0x13e: {  	v21 =	vsub.f32 $1.500000000e+00, v21;
	_ =	sdelay $0x1  }
0x13f: {  	v21 =	vmul.f32 v21, v22;
	_ =	sdelay $0x1  }
0x140: {  	v13 =	vmul.f32 v21, v13;
	_ =	sdelay $0x1  }
0x141: {  	v13 =	vmax.f32 v13, $9.999999930e-09  }
0x142: {  	(erf) = vrcp.f32 v13;
	_ =	sdelay $0x8  }
0x143: {  	v21 =	vpop (erf)  }
0x144: {  	v11 =	vmul.f32 v21, v11;
	v13 =	vmul.f32 v21, v12  }
0x145: {  	v12 =	vmul.f32 v21, v20  }
0x146: {  	v20 =	vmul.f32 v13, v23;
	v21 =	vmul.f32 v13, v24  }
0x147: {  	v22 =	vmul.f32 v12, v25;
	v26 =	vmul.f32 v12, v24  }
0x148: {  	v27 =	vmul.f32 v11, v23;
	v29 =	vmul.f32 v11, v25  }
0x149: {  	v30 =	vmul.f32 v11, v17;
	v31 =	vmul.f32 v13, v14;
	v20 =	vsub.f32 v20, v22  }
0x14a: {  	v22 =	vsub.f32 v26, v27;
	v21 =	vsub.f32 v29, v21;
	v26 =	vmul.f32 v12, v15  }
0x14b: {  	v32 =	vmul.f32 v11, v19;
	v27 =	vadd.f32 v31, v30;
	v29 =	vmul.f32 v20, v20  }
0x14c: {  	v33 =	vmul.f32 v13, v16;
	v30 =	vmul.f32 v22, v22  }
0x14d: {  	v31 =	vmul.f32 v12, v18;
	v27 =	vadd.f32 v27, v26  }
0x14e: {  	v37 =	vadd.f32 v33, v32;
	v29 =	vadd.f32 v30, v29;
	v30 =	vmul.f32 v21, v21  }
0x14f: {  	v26 =	vadd.f32 v27, v27;
	v32 =	vld [tilespmem:s8+$0x0]  }
0x150: {  	v29 =	vadd.f32 v29, v30;
	v33 =	vld.idx.msk [tilespmem:v7+s30+$0x0], $0xffff  }
0x151: {  	v30 =	vld.idx.msk [tilespmem:v7+s29+$0x0], $0xffff  }
0x152: {  	v41 =	vmax.f32 v29, $1.000000000e-30;
	v34 =	vld.idx.msk [tilespmem:v6+s29+$0x0], $0xffff  }
0x153: {  	v29 =	vshrl.u32 v41, $0x1;
	v42 =	vmul.f32 $5.000000000e-01, v41  }
0x154: {  	v36 =	vsub.s32 $0x5F3759DF, v29;
	v35 =	vld [tilespmem:s2+$0x0];
	(erf) = vrcp.f32 v32  }
0x155: {  	v29 =	vmul.f32 v36, v42;
	v32 =	vld.idx.msk [tilespmem:v5+s30+$0x0], $0xffff  }
0x156: {  	v38 =	vld.idx.msk [tilespmem:v5+s29+$0x0], $0xffff  }
0x157: {  	v39 =	vmul.f32 v36, v29;
	v40 =	vld [tilespmem:s13+$0x0]  }
0x158: {  	v29 =	vsub.f32 v33, v30;
	v28 =	vsub.f32 v28, v34;
	v43 =	vld [tilespmem:s4+$0x0]  }
0x159: {  	v30 =	vsub.f32 $1.500000000e+00, v39  }
0x15a: {  	v46 =	vmul.f32 v13, v29;
	v33 =	vmul.f32 v11, v28  }
0x15b: {  	v30 =	vmul.f32 v36, v30;
	v36 =	vmul.f32 v29, v25  }
0x15c: {  	v39 =	vadd.f32 v46, v33;
	v44 =	vmul.f32 v35, v40;
	v35 =	vmul.f32 v28, v24  }
0x15d: {  	v45 =	vmul.f32 v30, v42;
	v32 =	vsub.f32 v32, v38;
	v33 =	vmul.f32 v43, v40;
	v34 =	vpop (erf)  }
0x15e: {  	v43 =	vadd.f32 v36, v35;
	v35 =	vmul.f32 v34, v34;
	v4 =	vadd.f32 v44, v4  }
0x15f: {  	v36 =	vmul.f32 v45, v30;
	v40 =	vmul.f32 $1.200000000e+01, v33  }
0x160: {  	v44 =	vmul.f32 v44, v34;
	v38 =	vmul.f32 $6.000000000e+00, v33  }
0x161: {  	v36 =	vsub.f32 $1.500000000e+00, v36;
	v45 =	vmul.f32 v40, v35;
	v40 =	vmul.f32 v12, v32  }
0x162: {  	v46 =	vmul.f32 v32, v23  }
0x163: {  	v47 =	vmul.f32 v36, v30;
	v36 =	vmul.f32 v45, v34  }
0x164: {  	v30 =	vadd.f32 v46, v43  }
0x165: {  	v42 =	vmul.f32 v47, v42  }
0x166: {  	v43 =	vmul.f32 v30, v44  }
0x167: {  	v42 =	vmul.f32 v42, v47  }
0x168: {  	v30 =	vmul.f32 v43, v24;
	v24 =	vmul.f32 v43, v25  }
0x169: {  	v23 =	vmul.f32 v43, v23;
	v25 =	vsub.f32 $1.500000000e+00, v42;
	_ =	sdelay $0x1  }
0x16a: {  	v25 =	vmul.f32 v25, v47;
	_ =	sdelay $0x1  }
0x16b: {  	v25 =	vmul.f32 v25, v41;
	_ =	sdelay $0x1  }
0x16c: {  	v25 =	vmax.f32 v25, $9.999999930e-09  }
.Ltmp4:
0x16d: {  	(erf) = vrcp.f32 v25;
	(pc) =	sbr.rel @p0 .LBB2_11-.Ltmp4, $2  }
0x16e: {  	_ =	sdelay $0x2  }
0x16f: {  	s24 =	smov.u32 s12;
	s2 =	sadd.s32 $0x10, s2;
	s4 =	sadd.s32 $0x10, s4  }
0x170: {  	_ =	sdelay $0x3  }
0x171: {  	v25 =	vpop (erf)  }
0x172: {  	v20 =	vmul.f32 v25, v20  }
0x173: {  	v22 =	vmul.f32 v25, v22  }
0x174: {  	v21 =	vmul.f32 v25, v21;
	v19 =	vmul.f32 v20, v19  }
0x175: {  	v31 =	vadd.f32 v37, v31;
	v16 =	vmul.f32 v22, v16;
	v17 =	vmul.f32 v20, v17  }
0x176: {  	v39 =	vadd.f32 v39, v40;
	v14 =	vmul.f32 v22, v14;
	v18 =	vmul.f32 v21, v18  }
0x177: {  	v42 =	vadd.f32 v27, v31;
	v44 =	vmul.f32 v20, v28;
	v45 =	vmul.f32 v22, v29  }
0x178: {  	v15 =	vmul.f32 v21, v15;
	v16 =	vadd.f32 v16, v19;
	v14 =	vadd.f32 v14, v17  }
0x179: {  	v37 =	vadd.f32 v31, v31;
	v46 =	vmul.f32 v21, v32;
	v19 =	vadd.f32 v45, v44  }
0x17a: {  	v47 =	vmul.f32 v38, v35;
	v16 =	vadd.f32 v16, v18;
	v15 =	vadd.f32 v14, v15  }
0x17b: {  	v50 =	vmul.f32 v39, v36;
	v18 =	vadd.f32 v19, v46  }
0x17c: {  	v43 =	vadd.f32 v37, v27;
	v25 =	vmul.f32 v42, v47;
	v49 =	vadd.f32 v15, v16  }
0x17d: {  	v14 =	vmul.f32 v33, v34;
	v48 =	vadd.f32 v16, v16;
	v53 =	vmul.f32 v18, v36  }
0x17e: {  	v26 =	vadd.f32 v26, v31;
	v27 =	vmul.f32 v39, v47;
	v52 =	vmul.f32 v49, v47  }
0x17f: {  	v17 =	vmul.f32 v43, v14;
	v51 =	vadd.f32 v48, v15;
	v25 =	vadd.f32 v53, v25  }
0x180: {  	v18 =	vmul.f32 v18, v47;
	v26 =	vmul.f32 v26, v14;
	v54 =	vadd.f32 v52, v50  }
0x181: {  	v15 =	vadd.f32 v15, v15;
	v19 =	vmul.f32 v51, v14;
	v29 =	vmul.f32 v25, v20  }
0x182: {  	v17 =	vadd.f32 v18, v17;
	v56 =	vmul.f32 v25, v22;
	v28 =	vmul.f32 v54, v11  }
0x183: {  	v15 =	vadd.f32 v15, v16;
	v25 =	vmul.f32 v25, v21;
	v55 =	vmul.f32 v54, v13  }
0x184: {  	v57 =	vmul.f32 v17, v11;
	v16 =	vmul.f32 v54, v12;
	v28 =	vadd.f32 v28, v30  }
0x185: {  	v58 =	vmul.f32 v17, v13;
	v19 =	vadd.f32 v19, v27;
	v24 =	vadd.f32 v55, v24  }
0x186: {  	v17 =	vmul.f32 v17, v12;
	v16 =	vadd.f32 v16, v23;
	v28 =	vadd.f32 v28, v29  }
0x187: {  	v15 =	vmul.f32 v15, v14;
	v59 =	vmul.f32 v19, v20;
	v24 =	vadd.f32 v24, v56  }
0x188: {  	v60 =	vmul.f32 v19, v22;
	v16 =	vadd.f32 v16, v25;
	[tilespmem:v6+s17+$0x0] =	vst.idx.msk $0xffff, v28  }
0x189: {  	v19 =	vmul.f32 v19, v21;
	v23 =	vadd.f32 v59, v57;
	[tilespmem:v7+s17+$0x0] =	vst.idx.msk $0xffff, v24  }
0x18a: {  	v61 =	vmov s22;
	v18 =	vadd.f32 v18, v26;
	v62 =	vadd.f32 v60, v58;
	[tilespmem:v5+s17+$0x0] =	vst.idx.msk $0xffff, v16  }
0x18b: {  	v27 =	vadd.f32 v15, v27;
	v25 =	vshll.u32 v61, $0x3;
	v17 =	vadd.f32 v19, v17;
	[tilespmem:v9+s17+$0x0] =	vst.idx.msk $0xffff, v23  }
0x18c: {  	v63 =	vmul.f32 v18, v13;
	v15 =	vor.u32 v2, v25;
	v25 =	vsub.f32 $0.0e+00, v28;
	[tilespmem:v8+s17+$0x0] =	vst.idx.msk $0xffff, v62  }
0x18d: {  	v26 =	vmul.f32 v18, v11;
	v20 =	vmul.f32 v27, v20;
	v28 =	vsub.f32 $0.0e+00, v24;
	[tilespmem:v10+s17+$0x0] =	vst.idx.msk $0xffff, v17  }
0x18e: {  	v29 =	vmul.f32 v18, v12;
	v30 =	vmul.f32 v27, v22;
	v16 =	vsub.f32 $0.0e+00, v16;
	[tilespmem:v6+s18+$0x0] =	vst.idx.msk $0xffff, v25  }
0x18f: {  	v31 =	vmul.f32 v27, v21;
	v11 =	vadd.f32 v20, v26;
	[tilespmem:v7+s18+$0x0] =	vst.idx.msk $0xffff, v28  }
0x190: {  	v6 =	vor.u32 $0x2, v15;
	v7 =	vadd.f32 v30, v63;
	[tilespmem:v5+s18+$0x0] =	vst.idx.msk $0xffff, v16  }
0x191: {  	v12 =	vadd.f32 v31, v29;
	v5 =	vor.u32 $0x1, v15;
	[tilespmem:v9+s18+$0x0] =	vst.idx.msk $0xffff, v11  }
0x192: {  	[tilespmem:v8+s18+$0x0] =	vst.idx.msk $0xffff, v7  }
0x193: {  	[tilespmem:v10+s18+$0x0] =	vst.idx.msk $0xffff, v12  }
0x194: {  	v18 =	vld.idx.msk [tilespmem:v15+s20+$0x0], $0xffff  }
0x195: {  	v16 =	vld.idx.msk [tilespmem:v6+s20+$0x0], $0xffff  }
0x196: {  	v17 =	vld.idx.msk [tilespmem:v5+s20+$0x0], $0xffff;
	_ =	sdelay $0x4  }
0x197: {  	v7 =	vsub.f32 $0.0e+00, v16;
	v32 =	vsub.f32 $0.0e+00, v18;
	v33 =	vand.u32 $0x7FFFFFFF, v17  }
0x198: {  	vm0 =	vgt.f32 v33, $9.900000090e-01  }
0x199: {  	v7 =	vsel vm0, v17, v7;
	v8 =	vnsel vm0, $0x0, v32  }
0x19a: {  	v34 =	vmul.f32 v7, v7;
	v35 =	vmul.f32 v8, v8  }
0x19b: {  	v36 =	vsel vm0, $0x0, v18  }
0x19c: {  	v37 =	vmul.f32 v36, v36;
	v9 =	vadd.f32 v35, v34;
	_ =	sdelay $0x1  }
0x19d: {  	v9 =	vadd.f32 v9, v37;
	_ =	sdelay $0x1  }
0x19e: {  	v9 =	vmax.f32 v9, $1.000000000e-30  }
0x19f: {  	v38 =	vshrl.u32 v9, $0x1;
	v39 =	vmul.f32 $5.000000000e-01, v9  }
0x1a0: {  	v10 =	vsub.s32 $0x5F3759DF, v38  }
0x1a1: {  	v40 =	vmul.f32 v10, v39;
	_ =	sdelay $0x1  }
0x1a2: {  	v13 =	vmul.f32 v10, v40;
	_ =	sdelay $0x1  }
0x1a3: {  	v13 =	vsub.f32 $1.500000000e+00, v13;
	_ =	sdelay $0x1  }
0x1a4: {  	v10 =	vmul.f32 v10, v13;
	_ =	sdelay $0x1  }
0x1a5: {  	v13 =	vmul.f32 v10, v39;
	_ =	sdelay $0x1  }
0x1a6: {  	v13 =	vmul.f32 v13, v10;
	_ =	sdelay $0x1  }
0x1a7: {  	v13 =	vsub.f32 $1.500000000e+00, v13;
	_ =	sdelay $0x1  }
0x1a8: {  	v10 =	vmul.f32 v13, v10;
	_ =	sdelay $0x1  }
0x1a9: {  	v12 =	vmul.f32 v10, v39;
	_ =	sdelay $0x1  }
0x1aa: {  	v12 =	vmul.f32 v12, v10;
	_ =	sdelay $0x1  }
0x1ab: {  	v12 =	vsub.f32 $1.500000000e+00, v12;
	_ =	sdelay $0x1  }
0x1ac: {  	v10 =	vmul.f32 v12, v10;
	_ =	sdelay $0x1  }
0x1ad: {  	v9 =	vmul.f32 v10, v9;
	_ =	sdelay $0x1  }
0x1ae: {  	v9 =	vmax.f32 v9, $9.999999930e-09  }
0x1af: {  	(erf) = vrcp.f32 v9;
	_ =	sdelay $0x8  }
0x1b0: {  	v9 =	vpop (erf)  }
0x1b1: {  	v10 =	vmul.f32 v9, v8;
	v8 =	vmul.f32 v9, v36  }
0x1b2: {  	v9 =	vmul.f32 v9, v7  }
0x1b3: {  	v7 =	vmul.f32 v10, v16;
	v11 =	vmul.f32 v8, v17  }
0x1b4: {  	v41 =	vmul.f32 v8, v18;
	v42 =	vmul.f32 v9, v16  }
0x1b5: {  	v43 =	vmul.f32 v10, v18  }
0x1b6: {  	v44 =	vmul.f32 v9, v17;
	v21 =	vsub.f32 v7, v11;
	v22 =	vsub.f32 v41, v42;
	_ =	sdelay $0x1  }
0x1b7: {  	v19 =	vsub.f32 v44, v43;
	v7 =	vmul.f32 v21, v21;
	v45 =	vmul.f32 v22, v22;
	_ =	sdelay $0x1  }
0x1b8: {  	v46 =	vmul.f32 v19, v19;
	v7 =	vadd.f32 v45, v7;
	_ =	sdelay $0x1  }
0x1b9: {  	v7 =	vadd.f32 v7, v46;
	_ =	sdelay $0x1  }
0x1ba: {  	v7 =	vmax.f32 v7, $1.000000000e-30  }
0x1bb: {  	v47 =	vshrl.u32 v7, $0x1;
	v48 =	vmul.f32 $5.000000000e-01, v7  }
0x1bc: {  	v11 =	vsub.s32 $0x5F3759DF, v47  }
0x1bd: {  	v49 =	vmul.f32 v11, v48;
	_ =	sdelay $0x1  }
0x1be: {  	v12 =	vmul.f32 v11, v49;
	_ =	sdelay $0x1  }
0x1bf: {  	v12 =	vsub.f32 $1.500000000e+00, v12;
	_ =	sdelay $0x1  }
0x1c0: {  	v50 =	vmul.f32 v11, v12;
	_ =	sdelay $0x1  }
0x1c1: {  	v12 =	vmul.f32 v50, v48;
	_ =	sdelay $0x1  }
0x1c2: {  	v51 =	vmul.f32 v12, v50;
	_ =	sdelay $0x1  }
0x1c3: {  	s8 =	sadd.s32 $0x10, s8;
	v54 =	vsub.f32 $1.500000000e+00, v51  }
0x1c4: {  	s13 =	sadd.s32 $0x10, s13;
	v52 =	vld [tilespmem:s8+$0x0]  }
0x1c5: {  	v53 =	vld [tilespmem:s13+$0x0];
	v23 =	vmul.f32 v54, v50  }
0x1c6: {  	v55 =	vld [tilespmem:s4+$0x0];
	v13 =	vor.u32 $0x5, v15  }
0x1c7: {  	v56 =	vld.idx.msk [tilespmem:v15+s30+$0x0], $0xffff;
	v20 =	vmul.f32 v23, v48  }
0x1c8: {  	v59 =	vld.idx.msk [tilespmem:v15+s29+$0x0], $0xffff;
	v11 =	vor.u32 $0x4, v15  }
0x1c9: {  	v57 =	vld.idx.msk [tilespmem:v5+s30+$0x0], $0xffff;
	(erf) = vrcp.f32 v52;
	v20 =	vmul.f32 v20, v23  }
0x1ca: {  	v58 =	vld.idx.msk [tilespmem:v5+s29+$0x0], $0xffff;
	v12 =	vor.u32 $0x3, v15  }
0x1cb: {  	v32 =	vld.idx.msk [tilespmem:v13+s30+$0x0], $0xffff;
	v20 =	vsub.f32 $1.500000000e+00, v20  }
0x1cc: {  	v33 =	vld.idx.msk [tilespmem:v13+s29+$0x0], $0xffff  }
0x1cd: {  	v28 =	vld.idx.msk [tilespmem:v11+s30+$0x0], $0xffff;
	v20 =	vmul.f32 v20, v23  }
0x1ce: {  	v29 =	vld.idx.msk [tilespmem:v11+s29+$0x0], $0xffff  }
0x1cf: {  	v27 =	vmul.f32 v55, v53;
	v24 =	vsub.f32 v57, v58;
	v31 =	vld.idx.msk [tilespmem:v12+s30+$0x0], $0xffff;
	v7 =	vmul.f32 v20, v7  }
0x1d0: {  	v30 =	vld.idx.msk [tilespmem:v12+s29+$0x0], $0xffff  }
0x1d1: {  	v60 =	vld.idx.msk [tilespmem:v6+s30+$0x0], $0xffff;
	v58 =	vmul.f32 $6.000000000e+00, v27;
	v41 =	vmul.f32 v24, v17;
	v7 =	vmax.f32 v7, $9.999999930e-09  }
0x1d2: {  	v61 =	vld.idx.msk [tilespmem:v6+s29+$0x0], $0xffff;
	v42 =	vpop (erf);
	v46 =	vmul.f32 v8, v32;
	(erf) = vrcp.f32 v7  }
0x1d3: {  	v49 =	vmul.f32 v8, v33;
	v51 =	vmul.f32 v42, v42  }
0x1d4: {  	v45 =	vmul.f32 v10, v28;
	v63 =	vmul.f32 v9, v31  }
0x1d5: {  	v62 =	vld [tilespmem:s2+$0x0];
	v48 =	vmul.f32 v10, v29;
	v47 =	vmul.f32 v9, v30  }
0x1d6: {  	v23 =	vsub.f32 v56, v59;
	v50 =	vadd.f32 v45, v63;
	v56 =	vmul.f32 v10, v24  }
0x1d7: {  	v34 =	vadd.f32 v48, v47;
	v45 =	vmul.f32 v27, v42;
	v20 =	vsub.f32 v60, v61  }
0x1d8: {  	v43 =	vmul.f32 v23, v18;
	v35 =	vadd.f32 v50, v46;
	v55 =	vmul.f32 v9, v23  }
0x1d9: {  	v26 =	vadd.f32 v34, v49;
	v46 =	vmul.f32 v58, v51;
	v54 =	vmul.f32 v20, v16  }
0x1da: {  	v52 =	vadd.f32 v41, v43;
	v59 =	vmul.f32 v8, v20;
	v7 =	vmul.f32 v62, v53  }
0x1db: {  	v44 =	vadd.f32 v35, v35;
	v61 =	vadd.f32 v56, v55;
	v53 =	vmul.f32 $1.200000000e+01, v27;
	v60 =	vpop (erf)  }
0x1dc: {  	v63 =	vadd.f32 v26, v26;
	v57 =	vmul.f32 v7, v42;
	v21 =	vmul.f32 v60, v21  }
0x1dd: {  	v62 =	vadd.f32 v35, v26;
	v37 =	vmul.f32 v53, v51;
	v22 =	vmul.f32 v60, v22  }
0x1de: {  	v36 =	vadd.f32 v54, v52;
	v19 =	vmul.f32 v60, v19;
	v30 =	vmul.f32 v21, v30  }
0x1df: {  	v34 =	vadd.f32 v61, v59;
	v29 =	vmul.f32 v22, v29;
	v31 =	vmul.f32 v21, v31  }
0x1e0: {  	v41 =	vadd.f32 v63, v35;
	v28 =	vmul.f32 v22, v28;
	v40 =	vmul.f32 v19, v33  }
0x1e1: {  	v26 =	vadd.f32 v44, v26;
	v23 =	vmul.f32 v21, v23;
	v24 =	vmul.f32 v22, v24  }
0x1e2: {  	v32 =	vmul.f32 v19, v32;
	v29 =	vadd.f32 v29, v30;
	v28 =	vadd.f32 v28, v31  }
0x1e3: {  	v51 =	vmul.f32 v62, v46;
	v20 =	vmul.f32 v19, v20;
	v23 =	vadd.f32 v24, v23  }
0x1e4: {  	v36 =	vmul.f32 v36, v57;
	v29 =	vadd.f32 v29, v40;
	v28 =	vadd.f32 v28, v32  }
0x1e5: {  	v50 =	vmul.f32 v41, v45;
	v37 =	vmul.f32 v37, v42;
	v20 =	vadd.f32 v23, v20  }
0x1e6: {  	v26 =	vmul.f32 v26, v45;
	v18 =	vmul.f32 v36, v18;
	v48 =	vadd.f32 v28, v29  }
0x1e7: {  	v17 =	vmul.f32 v36, v17;
	v47 =	vadd.f32 v29, v29;
	v52 =	vmul.f32 v20, v37  }
0x1e8: {  	v49 =	vmul.f32 v34, v37;
	v27 =	vmul.f32 v48, v46  }
0x1e9: {  	v43 =	vmul.f32 v36, v16;
	v25 =	vadd.f32 v47, v28;
	v53 =	vadd.f32 v52, v51  }
0x1ea: {  	v24 =	vmul.f32 v34, v46;
	v20 =	vmul.f32 v20, v46;
	v27 =	vadd.f32 v27, v49  }
0x1eb: {  	v28 =	vadd.f32 v28, v28;
	v25 =	vmul.f32 v25, v45;
	v31 =	vmul.f32 v53, v21  }
0x1ec: {  	v23 =	vadd.f32 v20, v50;
	v55 =	vmul.f32 v53, v22;
	v30 =	vmul.f32 v27, v9  }
0x1ed: {  	v28 =	vadd.f32 v28, v29;
	v29 =	vmul.f32 v53, v19;
	v54 =	vmul.f32 v27, v10  }
0x1ee: {  	v56 =	vmul.f32 v23, v9;
	v27 =	vmul.f32 v27, v8;
	v18 =	vadd.f32 v30, v18  }
0x1ef: {  	v57 =	vmul.f32 v23, v10;
	v25 =	vadd.f32 v25, v24;
	v17 =	vadd.f32 v54, v17  }
0x1f0: {  	v23 =	vmul.f32 v23, v8;
	v27 =	vadd.f32 v27, v43;
	v18 =	vadd.f32 v18, v31  }
0x1f1: {  	v28 =	vmul.f32 v28, v45;
	v58 =	vmul.f32 v25, v21;
	v17 =	vadd.f32 v17, v55  }
0x1f2: {  	v59 =	vmul.f32 v25, v22;
	v27 =	vadd.f32 v27, v29;
	[tilespmem:v15+s17+$0x0] =	vst.idx.msk $0xffff, v18  }
0x1f3: {  	v25 =	vmul.f32 v25, v19;
	v29 =	vadd.f32 v58, v56;
	[tilespmem:v5+s17+$0x0] =	vst.idx.msk $0xffff, v17  }
0x1f4: {  	v20 =	vadd.f32 v20, v26;
	v60 =	vadd.f32 v59, v57;
	[tilespmem:v6+s17+$0x0] =	vst.idx.msk $0xffff, v27  }
0x1f5: {  	v24 =	vadd.f32 v28, v24;
	v23 =	vadd.f32 v25, v23;
	[tilespmem:v12+s17+$0x0] =	vst.idx.msk $0xffff, v29  }
0x1f6: {  	v10 =	vmul.f32 v20, v10;
	v18 =	vsub.f32 $0.0e+00, v18;
	[tilespmem:v11+s17+$0x0] =	vst.idx.msk $0xffff, v60  }
0x1f7: {  	v9 =	vmul.f32 v20, v9;
	v21 =	vmul.f32 v24, v21;
	v17 =	vsub.f32 $0.0e+00, v17;
	[tilespmem:v13+s17+$0x0] =	vst.idx.msk $0xffff, v23  }
0x1f8: {  	v8 =	vmul.f32 v20, v8;
	v61 =	vmul.f32 v24, v22;
	v62 =	vsub.f32 $0.0e+00, v27;
	[tilespmem:v15+s18+$0x0] =	vst.idx.msk $0xffff, v18  }
0x1f9: {  	v63 =	vmul.f32 v24, v19;
	v9 =	vadd.f32 v21, v9;
	[tilespmem:v5+s18+$0x0] =	vst.idx.msk $0xffff, v17  }
0x1fa: {  	v5 =	vadd.f32 v61, v10;
	[tilespmem:v6+s18+$0x0] =	vst.idx.msk $0xffff, v62  }
0x1fb: {  	v6 =	vadd.f32 v63, v8;
	[tilespmem:v12+s18+$0x0] =	vst.idx.msk $0xffff, v9  }
0x1fc: {  	[tilespmem:v11+s18+$0x0] =	vst.idx.msk $0xffff, v5  }
0x1fd: {  	[tilespmem:v13+s18+$0x0] =	vst.idx.msk $0xffff, v6  }
0x1fe: {  	[spmem:s5] =	stream.indirect.scatter.add.f32 [tilespmem:s17], [sflag:$0x2], $0x8, s25, s28, $0xb8;
	[tilespmem:$0x17440] =	vst v63  }
0x1ff: {  	_ =	swait.ge [sflag:s19], $0x320  }
0x200: {  	[sflag:s19] =	ssyncset.done $0x0  }
0x201: {  	[sflag:s19] =	ssyncadd.s32 $0xFFFFFCE0  }
0x202: {  	[spmem:s5] =	stream.indirect.scatter.add.f32 [tilespmem:s18], [sflag:$0x2], $0x8, s26, s28, $0xb8;
	[tilespmem:$0x17440] =	vst v63  }
0x203: {  	_ =	swait.ge [sflag:s19], $0x320  }
0x204: {  	[sflag:s19] =	ssyncset.done $0x0  }
0x205: {  	s12 =	simm.s32 $0x3EE8;
	s22 =	simm.s32 $0x7A20;
	[sflag:s19] =	ssyncadd.s32 $0xFFFFFCE0  }
0x206: {  	[spmem:s5] =	stream.indirect.scatter.add.f32 [tilespmem:s22], [sflag:$0x2], $0x8, s12, s28, $0xb8;
	[tilespmem:$0x17440] =	vst v63  }
0x207: {  	_ =	swait.ge [sflag:s19], $0x320  }
0x208: {  	[sflag:s19] =	ssyncset.done $0x0  }
0x209: {  	s24 =	simm.s32 $0x9320;
	s13 =	simm.s32 $0x4228;
	[sflag:s19] =	ssyncadd.s32 $0xFFFFFCE0  }
0x20a: {  	[spmem:s5] =	stream.indirect.scatter.add.f32 [tilespmem:s24], [sflag:$0x2], $0x8, s13, s28, $0xb8;
	[tilespmem:$0x17440] =	vst v63  }
0x20b: {  	_ =	swait.ge [sflag:s19], $0x320  }
0x20c: {  	[sflag:s19] =	ssyncset.done $0x0  }
0x20d: {  	s4 =	simm.s32 $0x7D40;
	s22 =	simm.s32 $0x3F50;
	[sflag:s19] =	ssyncadd.s32 $0xFFFFFCE0  }
0x20e: {  	[spmem:s5] =	stream.indirect.scatter.add.f32 [tilespmem:s4], [sflag:$0x2], $0x8, s22, s28, $0xb8;
	[tilespmem:$0x17440] =	vst v63  }
0x20f: {  	_ =	swait.ge [sflag:s19], $0x320  }
0x210: {  	[sflag:s19] =	ssyncset.done $0x0  }
0x211: {  	s8 =	simm.s32 $0x9640;
	s24 =	simm.s32 $0x4290;
	[sflag:s19] =	ssyncadd.s32 $0xFFFFFCE0  }
0x212: {  	[spmem:s5] =	stream.indirect.scatter.add.f32 [tilespmem:s8], [sflag:$0x2], $0x8, s24, s28, $0xb8;
	[tilespmem:$0x17440] =	vst v63  }
0x213: {  	_ =	swait.ge [sflag:s19], $0x320  }
0x214: {  	[sflag:s19] =	ssyncset.done $0x0  }
0x215: {  	s4 =	simm.s32 $0x3FB8;
	s8 =	simm.s32 $0x8060;
	[sflag:s19] =	ssyncadd.s32 $0xFFFFFCE0  }
0x216: {  	[spmem:s5] =	stream.indirect.scatter.add.f32 [tilespmem:s8], [sflag:$0x2], $0x8, s4, s28, $0xb8;
	[tilespmem:$0x17440] =	vst v63  }
0x217: {  	_ =	swait.ge [sflag:s19], $0x320  }
0x218: {  	[sflag:s19] =	ssyncset.done $0x0  }
0x219: {  	s4 =	simm.s32 $0x42F8;
	s8 =	simm.s32 $0x9960;
	[sflag:s19] =	ssyncadd.s32 $0xFFFFFCE0  }
0x21a: {  	[spmem:s5] =	stream.indirect.scatter.add.f32 [tilespmem:s8], [sflag:$0x2], $0x8, s4, s28, $0xb8;
	[tilespmem:$0x17440] =	vst v63  }
0x21b: {  	_ =	swait.ge [sflag:s19], $0x320  }
0x21c: {  	[sflag:s19] =	ssyncset.done $0x0  }
0x21d: {  	s4 =	simm.s32 $0x4020;
	s8 =	simm.s32 $0x8380;
	[sflag:s19] =	ssyncadd.s32 $0xFFFFFCE0  }
0x21e: {  	[spmem:s5] =	stream.indirect.scatter.add.f32 [tilespmem:s8], [sflag:$0x2], $0x8, s4, s28, $0xb8;
	[tilespmem:$0x17440] =	vst v63  }
0x21f: {  	_ =	swait.ge [sflag:s19], $0x320  }
0x220: {  	[sflag:s19] =	ssyncset.done $0x0  }
0x221: {  	s4 =	simm.s32 $0x4360;
	s8 =	simm.s32 $0x9C80;
	[sflag:s19] =	ssyncadd.s32 $0xFFFFFCE0  }
0x222: {  	[spmem:s5] =	stream.indirect.scatter.add.f32 [tilespmem:s8], [sflag:$0x2], $0x8, s4, s28, $0xb8;
	[tilespmem:$0x17440] =	vst v63  }
0x223: {  	_ =	swait.ge [sflag:s19], $0x320  }
0x224: {  	[sflag:s19] =	ssyncset.done $0x0  }
0x225: {  	s4 =	simm.s32 $0x86A0;
	[sflag:s19] =	ssyncadd.s32 $0xFFFFFCE0  }
0x226: {  	[spmem:s5] =	stream.indirect.scatter.add.f32 [tilespmem:s4], [sflag:$0x2], $0x8, s3, s28, $0xb8;
	[tilespmem:$0x17440] =	vst v63  }
0x227: {  	_ =	swait.ge [sflag:s19], $0x320  }
0x228: {  	[sflag:s19] =	ssyncset.done $0x0  }
0x229: {  	s8 =	simm.s32 $0x9FA0;
	[sflag:s19] =	ssyncadd.s32 $0xFFFFFCE0  }
0x22a: {  	[spmem:s5] =	stream.indirect.scatter.add.f32 [tilespmem:s8], [sflag:$0x2], $0x8, s23, s28, $0xb8;
	[tilespmem:$0x17440] =	vst v63  }
0x22b: {  	_ =	swait.ge [sflag:s19], $0x320  }
0x22c: {  	[sflag:s19] =	ssyncset.done $0x0  }
0x22d: {  	s4 =	simm.s32 $0x89C0;
	[sflag:s19] =	ssyncadd.s32 $0xFFFFFCE0  }
0x22e: {  	[spmem:s5] =	stream.indirect.scatter.add.f32 [tilespmem:s4], [sflag:$0x2], $0x8, s1, s28, $0xb8;
	[tilespmem:$0x17440] =	vst v63  }
0x22f: {  	_ =	swait.ge [sflag:s19], $0x320  }
0x230: {  	[sflag:s19] =	ssyncset.done $0x0  }
0x231: {  	s8 =	simm.s32 $0xA2C0;
	[sflag:s19] =	ssyncadd.s32 $0xFFFFFCE0  }
0x232: {  	[spmem:s5] =	stream.indirect.scatter.add.f32 [tilespmem:s8], [sflag:$0x2], $0x8, s0, s28, $0xb8;
	[tilespmem:$0x17440] =	vst v63  }
0x233: {  	_ =	swait.ge [sflag:s19], $0x320  }
0x234: {  	[sflag:s19] =	ssyncset.done $0x0  }
0x235: {  	s4 =	simm.s32 $0x8CE0;
	[sflag:s19] =	ssyncadd.s32 $0xFFFFFCE0  }
0x236: {  	[spmem:s5] =	stream.indirect.scatter.add.f32 [tilespmem:s4], [sflag:$0x2], $0x8, s21, s28, $0xb8;
	[tilespmem:$0x17440] =	vst v63  }
0x237: {  	s31 =	sadd.s32 $0x1, s31;
	_ =	swait.ge [sflag:s19], $0x320  }
0x238: {  	p0 =	sne.s32 s31, $0x7D;
	[sflag:s19] =	ssyncset.done $0x0  }
.Ltmp5:
0x239: {  	s8 =	simm.s32 $0xA5E0;
	[sflag:s19] =	ssyncadd.s32 $0xFFFFFCE0;
	(pc) =	sbr.rel @p0 .LBB2_8-.Ltmp5, $4  }
0x23a: {  	[spmem:s5] =	stream.indirect.scatter.add.f32 [tilespmem:s8], [sflag:$0x2], $0x8, s9, s28, $0xb8;
	[tilespmem:$0x17440] =	vst v63  }
0x23b: {  	v3 =	vadd.f32 v14, v3;
	_ =	swait.ge [sflag:s19], $0x320  }
0x23c: {  	[sflag:s19] =	ssyncset.done $0x0  }
0x23d: {  	v3 =	vadd.f32 v45, v3;
	v4 =	vadd.f32 v7, v4;
	[sflag:s19] =	ssyncadd.s32 $0xFFFFFCE0  }
0x23e: {  	[bflag:$0x0] =	sbarrier.arrive $0xFFFF  }
0x23f: {  	[tilespmem:$0xB0D0] =	vst v4  }
0x240: {  	s2 =	simm.s32 $0x0;
	s8 =	simm.s32 $0xB0D0;
	[tilespmem:$0xB0E0] =	vst v3;
	s4 =	rddreg [dreg:$0xa]  }
0x241: {  	[hbm4b:s4+s2] =	stream.linear.scatter [tilespmem:s8], [sflag:$0x2], $0x20, $0x38;
	[tilespmem:$0x17440] =	vst v63  }
0x242: {  	_ =	swait.ge [sflag:s19], $0x20  }
0x243: {  	[sflag:s19] =	ssyncset.done $0x0  }
0x244: {  	[sflag:s19] =	ssyncadd.s32 $0xFFFFFFE0  }
0x245: {  	[tilespmem:s16], [sflag:$0x2] =	stream.linear.gather [spmem:s14], $0x7D0, $0x38;
	[tilespmem:$0x17440] =	vst v63  }
0x246: {  	_ =	swait.ge [sflag:s19], $0x7D0  }
0x247: {  	[sflag:s19] =	ssyncset.done $0x0  }
0x248: {  	s31 =	sadd.s32 $0x0, s15;
	[sflag:s19] =	ssyncadd.s32 $0xFFFFF830  }
0x249: {  	[hbm4b:s31+s6] =	stream.linear.scatter [tilespmem:s16], [sflag:$0x2], $0x7D0, $0x38;
	[tilespmem:$0x17440] =	vst v63  }
0x24a: {  	_ =	swait.ge [sflag:s19], $0x7D0  }
0x24b: {  	s2 =	simm.s32 $0xFA;
	s4 =	smov.u32 s14;
	[sflag:s19] =	ssyncset.done $0x0  }
.LBB2_14:
0x24c: {  	p0 =	sne.s32 s2, $0x1770;
	[sflag:s19] =	ssyncadd.s32 $0xFFFFF830;
	s4 =	sadd.s32 $0x7D0, s4  }
0x24d: {  	[tilespmem:s16], [sflag:$0x2] =	stream.linear.gather [spmem:s4], $0x7D0, $0x38;
	[tilespmem:$0x17440] =	vst v63  }
0x24e: {  	s8 =	smov.u32 s2;
	s2 =	sadd.s32 $0xFA, s2;
	_ =	swait.ge [sflag:s19], $0x7D0  }
.Ltmp6:
0x24f: {  	[sflag:s19] =	ssyncset.done $0x0;
	(pc) =	sbr.rel @p0 .LBB2_14-.Ltmp6, $4  }
0x250: {  	s8 =	sadd.s32 s8, s15;
	[sflag:s19] =	ssyncadd.s32 $0xFFFFF830  }
0x251: {  	[hbm4b:s8+s6] =	stream.linear.scatter [tilespmem:s16], [sflag:$0x2], $0x7D0, $0x38;
	[tilespmem:$0x17440] =	vst v63  }
0x252: {  	_ =	swait.ge [sflag:s19], $0x7D0  }
0x253: {  	[sflag:s19] =	ssyncset.done $0x0  }
0x254: {  	s4 =	rddreg [dreg:$0xc]  }
0x255: {  	s2 =	rddreg [dreg:$0xb];
	s4 =	sadd.s32 $0x1, s4  }
0x256: {  	p0 =	sne.s32 s4, s2  }
.Ltmp7:
0x257: {  	_ = 	snop;
	(pc) =	sbr.rel @p0 .LBB2_1-.Ltmp7, $2  }
0x258: {  	_ =	sdelay $0x2  }
0x259: {  	[sflag:s19] =	ssyncadd.s32 $0xFFFFF830  }
0x25a: {  	_ =	sfence.sel $0x180000  }
0x25b: {  	[bflag:$0x0] =	sbarrier.arrive $0xFFFF  }
0x25c: {  	_ =	strace $0x90000047  }
0x25d: {  	s0 =	stileid.u32;
	[bflag:$0x2] =	sbarrier.arrive $0xFFFF  }
0x25e: {  	p0 =	sne.s32 s0, $0x0;
	s0 =	rddreg [dreg:$0x6]  }
0x25f: {  	s0 =	sadd.s32 @!p0 $0x100000, s0  }
0x260: {  	[sflag:s0] =	ssyncadd.tile.s32 @!p0 $0x1;
	_ =	shalt  }
.Lfunc_end2:
_tile_overlayer_lowered:
.L_overlay_start_2:
0x261: {  	(tag) =	ssettag $0x2  }
0x262: {  	s0 =	rddreg [dreg:$0x0];
	s2 =	stileid.u32  }
0x263: {  	s1 =	rddreg [dreg:$0x1];
	p0 =	sne.s32 s2, $0x0  }
0x264: {  	s3 =	rddreg [dreg:$0x2];
	[bflag:$0x3] =	sbarrier.arrive $0xFFFF;
	s2 =	simm.s32 @!p0 $0x1C02  }
0x265: {  	[timem:s3], [sflag:s2] =	dma.local @!p0 [hbm:s0], s1  }
0x266: {  	s0 =	simm.s32 @!p0 $0x2  }
0x267: {  	_ =	swait.ge @!p0 [sflag:s0], s1  }
0x268: {  	s1 =	ssub.s32 @!p0 $0x0, s1;
	[sflag:s0] =	ssyncset.done @!p0 $0x0  }
0x269: {  	[sflag:s0] =	ssyncadd.s32 @!p0 s1  }
0x26a: {  	[bflag:$0x3] =	sbarrier.arrive $0xFFFF  }
0x26b: {  	_ =	shalt  }

</sc_bundles>
